<compile_context>
chip_gen: v7x
topology: tpu7x:2x2x1
jax: 0.10.2.dev20260603
libtpu: 0.0.44.dev20260713+nightly
codegen_flags: <defaults>
</compile_context>

<pallas_src>
import functools

import jax
import jax.numpy as jnp
from jax import lax
from jax.experimental import pallas as pl
from jax.experimental.pallas import tpu as pltpu
from jax.experimental.pallas import tpu_sc as plsc

D_MODEL = 128
HEIGHT = 512
WIDTH = 512
N_ROWS = WIDTH * HEIGHT
N = 16384

NUM_CORES = 2
NUM_SUBCORES = 16
NW = NUM_CORES * NUM_SUBCORES
B_PER_W = N // NW
LANES = 16
CHUNK = 128
NCHUNK = B_PER_W // CHUNK


@functools.partial(
    pl.kernel,
    mesh=plsc.VectorSubcoreMesh(core_axis_name="c", subcore_axis_name="s"),
    out_type=jax.ShapeDtypeStruct((N, D_MODEL), jnp.float32),
    scratch_types=[
        pltpu.VMEM((2 * B_PER_W,), jnp.float32),
        pltpu.VMEM((NCHUNK, CHUNK), jnp.int32),
        pltpu.VMEM((B_PER_W, D_MODEL), jnp.float32),
        pltpu.SemaphoreType.DMA,
    ],
)
def _sc_gather(coords_hbm, table_hbm, out_hbm, cv, idx_v, rows_v, sem):
    wid = lax.axis_index("s") * NUM_CORES + lax.axis_index("c")
    base = wid * B_PER_W
    pltpu.sync_copy(coords_hbm.at[pl.ds(2 * base, 2 * B_PER_W)], cv)
    lanes = lax.iota(jnp.int32, LANES)
    swap = lanes ^ 1
    even2 = (2 * lanes) & (LANES - 1)
    wmul = jnp.where((lanes & 1) == 0, WIDTH, 1)

    def perm(v, i):
        return lax.gather(
            v, i[:, None],
            lax.GatherDimensionNumbers(
                offset_dims=(), collapsed_slice_dims=(0,), start_index_map=(0,)),
            (1,), mode=lax.GatherScatterMode.PROMISE_IN_BOUNDS)

    for j in range(B_PER_W // LANES):
        a = cv[pl.ds(2 * LANES * j, LANES)]
        b = cv[pl.ds(2 * LANES * j + LANES, LANES)]
        ta = jnp.minimum(jnp.maximum(
            ((a * 1.02 - 0.01) * WIDTH).astype(jnp.int32), 0), WIDTH)
        tb = jnp.minimum(jnp.maximum(
            ((b * 1.02 - 0.01) * WIDTH).astype(jnp.int32), 0), WIDTH)
        ua = ta * wmul
        ub = tb * wmul
        sa = ua + perm(ua, swap)
        sb = ub + perm(ub, swap)
        idx = jnp.where(lanes < 8, perm(sa, even2), perm(sb, even2))
        idx = jnp.minimum(idx, N_ROWS - 1)
        idx_v[(j * LANES) // CHUNK, pl.ds((j * LANES) % CHUNK, LANES)] = idx
    gathers = [
        pltpu.async_copy(
            table_hbm.at[idx_v.at[c]], rows_v.at[pl.ds(c * CHUNK, CHUNK)], sem
        )
        for c in range(NCHUNK)
    ]
    for cp in gathers:
        cp.wait()
    pltpu.sync_copy(rows_v, out_hbm.at[pl.ds(base, B_PER_W)])


def kernel(coordinates, pe_table, missing_pe):
    is_missing = coordinates[0, 0] == -1
    return lax.cond(
        is_missing,
        lambda: jnp.broadcast_to(missing_pe[None, :], (N, D_MODEL)),
        lambda: _sc_gather(coordinates.reshape(2 * N), pe_table),
    )

# --- scband reference (transcript-rebuilt; emitter-appended) ---
"""Pipeline reference for scband-learnable2d-pe-88338887344353 (READ-ONLY COPY).

The authoritative reference and input builder live on the scoring server;
editing this copy changes nothing except your own understanding.
"""

import jax, jax.numpy as jnp
import numpy as np

D_MODEL = 128
HEIGHT = 512
WIDTH = 512


def setup_inputs(seed: int = 0) -> dict:
    key = jax.random.key(seed)
    k1, k2, k3 = jax.random.split(key, 3)
    coordinates = jax.random.uniform(k1, (16384, 2), dtype=jnp.float32)
    # Learned parameters sized per init_kwargs
    pe_table = jax.random.normal(k2, (HEIGHT * WIDTH, D_MODEL), dtype=jnp.float32)
    missing_pe = jax.random.normal(k3, (D_MODEL,), dtype=jnp.float32) * 0.01
    return {"coordinates": coordinates, "pe_table": pe_table, "missing_pe": missing_pe}


def reference(coordinates, pe_table, missing_pe):
    # Faithful translation of Learnable2dPE.forward (width/height taken from init args,
    # matching the torch module's implicit self.width/self.height attributes).
    is_missing = coordinates[0, 0] == -1
    missing_out = jnp.broadcast_to(missing_pe[None, :], (coordinates.shape[0], missing_pe.shape[0]))
    x = coordinates[:, 0]
    y = coordinates[:, 1]
    x = ((x * 1.02 - 0.01) * WIDTH).astype(jnp.int32)
    y = ((y * 1.02 - 0.01) * HEIGHT).astype(jnp.int32)
    x = jnp.where(x >= WIDTH, WIDTH, x)
    y = jnp.where(y >= HEIGHT, HEIGHT, y)
    x = jnp.where(x < 0, 0, x)
    y = jnp.where(y < 0, 0, y)
    pe_input = x * WIDTH + y
    # embedding gather; mode='clip' matches JAX default OOB semantics for the
    # (buggy) boundary case where pe_input can reach WIDTH*WIDTH + HEIGHT
    gathered = jnp.take(pe_table, pe_input, axis=0, mode='clip')
    return jnp.where(is_missing, missing_out, gathered)

if __name__ == "__main__":
    import jax
    _d = setup_inputs()
    print(jax.jit(kernel)(*tuple(_d.values())))

</pallas_src>

<mosaic_0001>
#map = affine_map<(d0, d1) -> (0)>
#map1 = affine_map<(d0, d1) -> (0, 0)>
module attributes {stable_mosaic.version = 14 : i64} {
  func.func @_sc_gather(%arg0: i32, %arg1: i32, %arg2: memref<32768xf32, #tpu.memory_space<hbm>>, %arg3: memref<262144x128xf32, #tpu.memory_space<hbm>>, %arg4: memref<16384x128xf32, #tpu.memory_space<hbm>>, %arg5: memref<1024xf32, #tpu.memory_space<vmem>>, %arg6: memref<4x128xi32, #tpu.memory_space<vmem>>, %arg7: memref<512x128xf32, #tpu.memory_space<vmem>>, %arg8: memref<!tpu.dma_semaphore, #tpu.memory_space<semaphore_mem>>) attributes {dimension_semantics = [#tpu.dimension_semantics<core_parallel>, #tpu.dimension_semantics<subcore_parallel>], iteration_bounds = array<i64: 2, 16>, scalar_prefetch = 0 : i64, scratch_operands = 4 : i64, tpu.core_type = #tpu.core_type<sc_vector_subcore>, window_params = [{transform_indices = #map}, {transform_indices = #map1}, {transform_indices = #map1}]} {
    %mul3A = arith.constant 2 : i32
    %mul3A_0 = arith.muli %arg1, %mul3A : i32
    %add3A = arith.addi %mul3A_0, %arg0 : i32
    %mul3A_1 = arith.constant 512 : i32
    %mul3A_2 = arith.muli %add3A, %mul3A_1 : i32
    %mul3A_3 = arith.constant 2 : i32
    %mul3A_4 = arith.muli %mul3A_3, %mul3A_2 : i32
    "tpu.region"() ({
      %run_scoped3A = tpu.sem_alloc : memref<!tpu.dma_semaphore, #tpu.memory_space<semaphore_mem>>
      %dma_start3A_2233 = tpu.memref_slice %arg2[%mul3A_4] : memref<32768xf32, #tpu.memory_space<hbm>> -> memref<1024xf32, #tpu.memory_space<hbm>>
      %dma_start3A_2234 = tpu.memref_slice %arg2[%mul3A_4] : memref<32768xf32, #tpu.memory_space<hbm>> -> memref<1024xf32, #tpu.memory_space<hbm>>
      tpu.enqueue_dma source(%dma_start3A_2234 : memref<1024xf32, #tpu.memory_space<hbm>>) target(%arg5 : memref<1024xf32, #tpu.memory_space<vmem>>) target_semaphore(%run_scoped3A : memref<!tpu.dma_semaphore, #tpu.memory_space<semaphore_mem>>)
      %dma_wait3A_2235 = tpu.memref_slice %arg2[%mul3A_4] : memref<32768xf32, #tpu.memory_space<hbm>> -> memref<1024xf32, #tpu.memory_space<hbm>>
      %dma_wait3A_2236 = tpu.memref_slice %arg2[%mul3A_4] : memref<32768xf32, #tpu.memory_space<hbm>> -> memref<1024xf32, #tpu.memory_space<hbm>>
      tpu.wait_dma2 semaphore(%run_scoped3A : memref<!tpu.dma_semaphore, #tpu.memory_space<semaphore_mem>>) src(%dma_wait3A_2236 : memref<1024xf32, #tpu.memory_space<hbm>>) dst(%arg5 : memref<1024xf32, #tpu.memory_space<vmem>>)
      tpu.yield
    }) : () -> ()
    %iota3A = tpu.iota {dimensions = array<i32: 0>} : vector<16xi32>
    %xor3A = arith.constant 1 : i32
    %xor3A_5 = vector.broadcast %xor3A : i32 to vector<16xi32>
    %xor3A_6 = arith.xori %iota3A, %xor3A_5 : vector<16xi32>
    %mul3A_7 = arith.constant 2 : i32
    %mul3A_8 = vector.broadcast %mul3A_7 : i32 to vector<16xi32>
    %mul3A_9 = arith.muli %mul3A_8, %iota3A : vector<16xi32>
    %and3A = arith.constant 15 : i32
    %and3A_10 = vector.broadcast %and3A : i32 to vector<16xi32>
    %and3A_11 = arith.andi %mul3A_9, %and3A_10 : vector<16xi32>
    %and3A_12 = arith.constant 1 : i32
    %and3A_13 = vector.broadcast %and3A_12 : i32 to vector<16xi32>
    %and3A_14 = arith.andi %iota3A, %and3A_13 : vector<16xi32>
    %eq3A = arith.constant 0 : i32
    %eq3A_15 = vector.broadcast %eq3A : i32 to vector<16xi32>
    %eq3A_16 = arith.cmpi eq, %and3A_14, %eq3A_15 : vector<16xi32>
    %jit3A = arith.constant 512 : i32
    %jit3A_17 = arith.constant 1 : i32
    %broadcast_in_dim3A = vector.broadcast %jit3A : i32 to vector<16xi32>
    %broadcast_in_dim3A_18 = vector.broadcast %jit3A_17 : i32 to vector<16xi32>
    %select_n3A = arith.select %eq3A_16, %broadcast_in_dim3A, %broadcast_in_dim3A_18 : vector<16xi1>, vector<16xi32>
    %get3A = arith.constant 0 : index
    %get3A_19 = tpu.vector_load %arg5[%get3A] {strides = array<i32>} : memref<1024xf32, #tpu.memory_space<vmem>>, vector<16xf32>,
    %get3A_20 = vector.shape_cast %get3A_19 : vector<16xf32> to vector<16xf32>
    %get3A_21 = arith.constant 16 : index
    %get3A_22 = tpu.vector_load %arg5[%get3A_21] {strides = array<i32>} : memref<1024xf32, #tpu.memory_space<vmem>>, vector<16xf32>,
    %get3A_23 = vector.shape_cast %get3A_22 : vector<16xf32> to vector<16xf32>
    %mul3A_24 = arith.constant 1.020000e+00 : f32
    %mul3A_25 = vector.broadcast %mul3A_24 : f32 to vector<16xf32>
    %mul3A_26 = arith.mulf %get3A_20, %mul3A_25 : vector<16xf32>
    %sub3A = arith.constant 0.00999999977 : f32
    %sub3A_27 = vector.broadcast %sub3A : f32 to vector<16xf32>
    %sub3A_28 = arith.subf %mul3A_26, %sub3A_27 : vector<16xf32>
    %mul3A_29 = arith.constant 5.120000e+02 : f32
    %mul3A_30 = vector.broadcast %mul3A_29 : f32 to vector<16xf32>
    %mul3A_31 = arith.mulf %sub3A_28, %mul3A_30 : vector<16xf32>
    %convert_element_type3A = arith.fptosi %mul3A_31 : vector<16xf32> to vector<16xi32>
    %max3A = arith.constant 0 : i32
    %max3A_32 = vector.broadcast %max3A : i32 to vector<16xi32>
    %max3A_33 = arith.maxsi %convert_element_type3A, %max3A_32 : vector<16xi32>
    %min3A = arith.constant 512 : i32
    %min3A_34 = vector.broadcast %min3A : i32 to vector<16xi32>
    %min3A_35 = arith.minsi %max3A_33, %min3A_34 : vector<16xi32>
    %mul3A_36 = arith.constant 1.020000e+00 : f32
    %mul3A_37 = vector.broadcast %mul3A_36 : f32 to vector<16xf32>
    %mul3A_38 = arith.mulf %get3A_23, %mul3A_37 : vector<16xf32>
    %sub3A_39 = arith.constant 0.00999999977 : f32
    %sub3A_40 = vector.broadcast %sub3A_39 : f32 to vector<16xf32>
    %sub3A_41 = arith.subf %mul3A_38, %sub3A_40 : vector<16xf32>
    %mul3A_42 = arith.constant 5.120000e+02 : f32
    %mul3A_43 = vector.broadcast %mul3A_42 : f32 to vector<16xf32>
    %mul3A_44 = arith.mulf %sub3A_41, %mul3A_43 : vector<16xf32>
    %convert_element_type3A_45 = arith.fptosi %mul3A_44 : vector<16xf32> to vector<16xi32>
    %max3A_46 = arith.constant 0 : i32
    %max3A_47 = vector.broadcast %max3A_46 : i32 to vector<16xi32>
    %max3A_48 = arith.maxsi %convert_element_type3A_45, %max3A_47 : vector<16xi32>
    %min3A_49 = arith.constant 512 : i32
    %min3A_50 = vector.broadcast %min3A_49 : i32 to vector<16xi32>
    %min3A_51 = arith.minsi %max3A_48, %min3A_50 : vector<16xi32>
    %mul3A_52 = arith.muli %min3A_35, %select_n3A : vector<16xi32>
    %mul3A_53 = arith.muli %min3A_51, %select_n3A : vector<16xi32>
    %broadcast_in_dim3A_54 = vector.shape_cast %xor3A_6 : vector<16xi32> to vector<16x1xi32>
    %gather3A = vector.shape_cast %broadcast_in_dim3A_54 : vector<16x1xi32> to vector<16xi32>
    %gather3A_55 = tpu.dynamic_gather %mul3A_52[%gather3A] in [0] : vector<16xi32>, vector<16xi32> -> vector<16xi32>
    %add3A_56 = arith.addi %mul3A_52, %gather3A_55 : vector<16xi32>
    %broadcast_in_dim3A_57 = vector.shape_cast %xor3A_6 : vector<16xi32> to vector<16x1xi32>
    %gather3A_58 = vector.shape_cast %broadcast_in_dim3A_57 : vector<16x1xi32> to vector<16xi32>
    %gather3A_59 = tpu.dynamic_gather %mul3A_53[%gather3A_58] in [0] : vector<16xi32>, vector<16xi32> -> vector<16xi32>
    %add3A_60 = arith.addi %mul3A_53, %gather3A_59 : vector<16xi32>
    %lt3A = arith.constant 8 : i32
    %lt3A_61 = vector.broadcast %lt3A : i32 to vector<16xi32>
    %lt3A_62 = arith.cmpi slt, %iota3A, %lt3A_61 : vector<16xi32>
    %broadcast_in_dim3A_63 = vector.shape_cast %and3A_11 : vector<16xi32> to vector<16x1xi32>
    %gather3A_64 = vector.shape_cast %broadcast_in_dim3A_63 : vector<16x1xi32> to vector<16xi32>
    %gather3A_65 = tpu.dynamic_gather %add3A_56[%gather3A_64] in [0] : vector<16xi32>, vector<16xi32> -> vector<16xi32>
    %broadcast_in_dim3A_66 = vector.shape_cast %and3A_11 : vector<16xi32> to vector<16x1xi32>
    %gather3A_67 = vector.shape_cast %broadcast_in_dim3A_66 : vector<16x1xi32> to vector<16xi32>
    %gather3A_68 = tpu.dynamic_gather %add3A_60[%gather3A_67] in [0] : vector<16xi32>, vector<16xi32> -> vector<16xi32>
    %select_n3A_69 = arith.select %lt3A_62, %gather3A_65, %gather3A_68 : vector<16xi1>, vector<16xi32>
    %min3A_70 = arith.constant 262143 : i32
    %min3A_71 = vector.broadcast %min3A_70 : i32 to vector<16xi32>
    %min3A_72 = arith.minsi %select_n3A_69, %min3A_71 : vector<16xi32>
    %swap3A = arith.constant 0 : i32
    %swap3A_73 = arith.index_cast %swap3A : i32 to index
    %swap3A_74 = arith.constant 0 : index
    %swap3A_75 = tpu.vector_load %arg6[%swap3A_73, %swap3A_74] {strides = array<i32>} : memref<4x128xi32, #tpu.memory_space<vmem>>, vector<1x16xi32>,
    %swap3A_76 = vector.shape_cast %swap3A_75 : vector<1x16xi32> to vector<16xi32>
    %swap3A_77 = vector.shape_cast %min3A_72 : vector<16xi32> to vector<1x16xi32>
    tpu.vector_store %arg6[%swap3A_73, %swap3A_74], %swap3A_77 {strides = array<i32>} : memref<4x128xi32, #tpu.memory_space<vmem>>, vector<1x16xi32>,
    %get3A_78 = arith.constant 32 : index
    %get3A_79 = tpu.vector_load %arg5[%get3A_78] {strides = array<i32>} : memref<1024xf32, #tpu.memory_space<vmem>>, vector<16xf32>,
    %get3A_80 = vector.shape_cast %get3A_79 : vector<16xf32> to vector<16xf32>
    %get3A_81 = arith.constant 48 : index
    %get3A_82 = tpu.vector_load %arg5[%get3A_81] {strides = array<i32>} : memref<1024xf32, #tpu.memory_space<vmem>>, vector<16xf32>,
    %get3A_83 = vector.shape_cast %get3A_82 : vector<16xf32> to vector<16xf32>
    %mul3A_84 = arith.constant 1.020000e+00 : f32
    %mul3A_85 = vector.broadcast %mul3A_84 : f32 to vector<16xf32>
    %mul3A_86 = arith.mulf %get3A_80, %mul3A_85 : vector<16xf32>
    %sub3A_87 = arith.constant 0.00999999977 : f32
    %sub3A_88 = vector.broadcast %sub3A_87 : f32 to vector<16xf32>
    %sub3A_89 = arith.subf %mul3A_86, %sub3A_88 : vector<16xf32>
    %mul3A_90 = arith.constant 5.120000e+02 : f32
    %mul3A_91 = vector.broadcast %mul3A_90 : f32 to vector<16xf32>
    %mul3A_92 = arith.mulf %sub3A_89, %mul3A_91 : vector<16xf32>
    %convert_element_type3A_93 = arith.fptosi %mul3A_92 : vector<16xf32> to vector<16xi32>
    %max3A_94 = arith.constant 0 : i32
    %max3A_95 = vector.broadcast %max3A_94 : i32 to vector<16xi32>
    %max3A_96 = arith.maxsi %convert_element_type3A_93, %max3A_95 : vector<16xi32>
    %min3A_97 = arith.constant 512 : i32
    %min3A_98 = vector.broadcast %min3A_97 : i32 to vector<16xi32>
    %min3A_99 = arith.minsi %max3A_96, %min3A_98 : vector<16xi32>
    %mul3A_100 = arith.constant 1.020000e+00 : f32
    %mul3A_101 = vector.broadcast %mul3A_100 : f32 to vector<16xf32>
    %mul3A_102 = arith.mulf %get3A_83, %mul3A_101 : vector<16xf32>
    %sub3A_103 = arith.constant 0.00999999977 : f32
    %sub3A_104 = vector.broadcast %sub3A_103 : f32 to vector<16xf32>
    %sub3A_105 = arith.subf %mul3A_102, %sub3A_104 : vector<16xf32>
    %mul3A_106 = arith.constant 5.120000e+02 : f32
    %mul3A_107 = vector.broadcast %mul3A_106 : f32 to vector<16xf32>
    %mul3A_108 = arith.mulf %sub3A_105, %mul3A_107 : vector<16xf32>
    %convert_element_type3A_109 = arith.fptosi %mul3A_108 : vector<16xf32> to vector<16xi32>
    %max3A_110 = arith.constant 0 : i32
    %max3A_111 = vector.broadcast %max3A_110 : i32 to vector<16xi32>
    %max3A_112 = arith.maxsi %convert_element_type3A_109, %max3A_111 : vector<16xi32>
    %min3A_113 = arith.constant 512 : i32
    %min3A_114 = vector.broadcast %min3A_113 : i32 to vector<16xi32>
    %min3A_115 = arith.minsi %max3A_112, %min3A_114 : vector<16xi32>
    %mul3A_116 = arith.muli %min3A_99, %select_n3A : vector<16xi32>
    %mul3A_117 = arith.muli %min3A_115, %select_n3A : vector<16xi32>
    %broadcast_in_dim3A_118 = vector.shape_cast %xor3A_6 : vector<16xi32> to vector<16x1xi32>
    %gather3A_119 = vector.shape_cast %broadcast_in_dim3A_118 : vector<16x1xi32> to vector<16xi32>
    %gather3A_120 = tpu.dynamic_gather %mul3A_116[%gather3A_119] in [0] : vector<16xi32>, vector<16xi32> -> vector<16xi32>
    %add3A_121 = arith.addi %mul3A_116, %gather3A_120 : vector<16xi32>
    %broadcast_in_dim3A_122 = vector.shape_cast %xor3A_6 : vector<16xi32> to vector<16x1xi32>
    %gather3A_123 = vector.shape_cast %broadcast_in_dim3A_122 : vector<16x1xi32> to vector<16xi32>
    %gather3A_124 = tpu.dynamic_gather %mul3A_117[%gather3A_123] in [0] : vector<16xi32>, vector<16xi32> -> vector<16xi32>
    %add3A_125 = arith.addi %mul3A_117, %gather3A_124 : vector<16xi32>
    %lt3A_126 = arith.constant 8 : i32
    %lt3A_127 = vector.broadcast %lt3A_126 : i32 to vector<16xi32>
    %lt3A_128 = arith.cmpi slt, %iota3A, %lt3A_127 : vector<16xi32>
    %broadcast_in_dim3A_129 = vector.shape_cast %and3A_11 : vector<16xi32> to vector<16x1xi32>
    %gather3A_130 = vector.shape_cast %broadcast_in_dim3A_129 : vector<16x1xi32> to vector<16xi32>
    %gather3A_131 = tpu.dynamic_gather %add3A_121[%gather3A_130] in [0] : vector<16xi32>, vector<16xi32> -> vector<16xi32>
    %broadcast_in_dim3A_132 = vector.shape_cast %and3A_11 : vector<16xi32> to vector<16x1xi32>
    %gather3A_133 = vector.shape_cast %broadcast_in_dim3A_132 : vector<16x1xi32> to vector<16xi32>
    %gather3A_134 = tpu.dynamic_gather %add3A_125[%gather3A_133] in [0] : vector<16xi32>, vector<16xi32> -> vector<16xi32>
    %select_n3A_135 = arith.select %lt3A_128, %gather3A_131, %gather3A_134 : vector<16xi1>, vector<16xi32>
    %min3A_136 = arith.constant 262143 : i32
    %min3A_137 = vector.broadcast %min3A_136 : i32 to vector<16xi32>
    %min3A_138 = arith.minsi %select_n3A_135, %min3A_137 : vector<16xi32>
    %swap3A_139 = arith.constant 0 : i32
    %swap3A_140 = arith.index_cast %swap3A_139 : i32 to index
    %swap3A_141 = arith.constant 16 : index
    %swap3A_142 = tpu.vector_load %arg6[%swap3A_140, %swap3A_141] {strides = array<i32>} : memref<4x128xi32, #tpu.memory_space<vmem>>, vector<1x16xi32>,
    %swap3A_143 = vector.shape_cast %swap3A_142 : vector<1x16xi32> to vector<16xi32>
    %swap3A_144 = vector.shape_cast %min3A_138 : vector<16xi32> to vector<1x16xi32>
    tpu.vector_store %arg6[%swap3A_140, %swap3A_141], %swap3A_144 {strides = array<i32>} : memref<4x128xi32, #tpu.memory_space<vmem>>, vector<1x16xi32>,
    %get3A_145 = arith.constant 64 : index
    %get3A_146 = tpu.vector_load %arg5[%get3A_145] {strides = array<i32>} : memref<1024xf32, #tpu.memory_space<vmem>>, vector<16xf32>,
    %get3A_147 = vector.shape_cast %get3A_146 : vector<16xf32> to vector<16xf32>
    %get3A_148 = arith.constant 80 : index
    %get3A_149 = tpu.vector_load %arg5[%get3A_148] {strides = array<i32>} : memref<1024xf32, #tpu.memory_space<vmem>>, vector<16xf32>,
    %get3A_150 = vector.shape_cast %get3A_149 : vector<16xf32> to vector<16xf32>
    %mul3A_151 = arith.constant 1.020000e+00 : f32
    %mul3A_152 = vector.broadcast %mul3A_151 : f32 to vector<16xf32>
    %mul3A_153 = arith.mulf %get3A_147, %mul3A_152 : vector<16xf32>
    %sub3A_154 = arith.constant 0.00999999977 : f32
    %sub3A_155 = vector.broadcast %sub3A_154 : f32 to vector<16xf32>
    %sub3A_156 = arith.subf %mul3A_153, %sub3A_155 : vector<16xf32>
    %mul3A_157 = arith.constant 5.120000e+02 : f32
    %mul3A_158 = vector.broadcast %mul3A_157 : f32 to vector<16xf32>
    %mul3A_159 = arith.mulf %sub3A_156, %mul3A_158 : vector<16xf32>
    %convert_element_type3A_160 = arith.fptosi %mul3A_159 : vector<16xf32> to vector<16xi32>
    %max3A_161 = arith.constant 0 : i32
    %max3A_162 = vector.broadcast %max3A_161 : i32 to vector<16xi32>
    %max3A_163 = arith.maxsi %convert_element_type3A_160, %max3A_162 : vector<16xi32>
    %min3A_164 = arith.constant 512 : i32
    %min3A_165 = vector.broadcast %min3A_164 : i32 to vector<16xi32>
    %min3A_166 = arith.minsi %max3A_163, %min3A_165 : vector<16xi32>
    %mul3A_167 = arith.constant 1.020000e+00 : f32
    %mul3A_168 = vector.broadcast %mul3A_167 : f32 to vector<16xf32>
    %mul3A_169 = arith.mulf %get3A_150, %mul3A_168 : vector<16xf32>
    %sub3A_170 = arith.constant 0.00999999977 : f32
    %sub3A_171 = vector.broadcast %sub3A_170 : f32 to vector<16xf32>
    %sub3A_172 = arith.subf %mul3A_169, %sub3A_171 : vector<16xf32>
    %mul3A_173 = arith.constant 5.120000e+02 : f32
    %mul3A_174 = vector.broadcast %mul3A_173 : f32 to vector<16xf32>
    %mul3A_175 = arith.mulf %sub3A_172, %mul3A_174 : vector<16xf32>
    %convert_element_type3A_176 = arith.fptosi %mul3A_175 : vector<16xf32> to vector<16xi32>
    %max3A_177 = arith.constant 0 : i32
    %max3A_178 = vector.broadcast %max3A_177 : i32 to vector<16xi32>
    %max3A_179 = arith.maxsi %convert_element_type3A_176, %max3A_178 : vector<16xi32>
    %min3A_180 = arith.constant 512 : i32
    %min3A_181 = vector.broadcast %min3A_180 : i32 to vector<16xi32>
    %min3A_182 = arith.minsi %max3A_179, %min3A_181 : vector<16xi32>
    %mul3A_183 = arith.muli %min3A_166, %select_n3A : vector<16xi32>
    %mul3A_184 = arith.muli %min3A_182, %select_n3A : vector<16xi32>
    %broadcast_in_dim3A_185 = vector.shape_cast %xor3A_6 : vector<16xi32> to vector<16x1xi32>
    %gather3A_186 = vector.shape_cast %broadcast_in_dim3A_185 : vector<16x1xi32> to vector<16xi32>
    %gather3A_187 = tpu.dynamic_gather %mul3A_183[%gather3A_186] in [0] : vector<16xi32>, vector<16xi32> -> vector<16xi32>
    %add3A_188 = arith.addi %mul3A_183, %gather3A_187 : vector<16xi32>
    %broadcast_in_dim3A_189 = vector.shape_cast %xor3A_6 : vector<16xi32> to vector<16x1xi32>
    %gather3A_190 = vector.shape_cast %broadcast_in_dim3A_189 : vector<16x1xi32> to vector<16xi32>
    %gather3A_191 = tpu.dynamic_gather %mul3A_184[%gather3A_190] in [0] : vector<16xi32>, vector<16xi32> -> vector<16xi32>
    %add3A_192 = arith.addi %mul3A_184, %gather3A_191 : vector<16xi32>
    %lt3A_193 = arith.constant 8 : i32
    %lt3A_194 = vector.broadcast %lt3A_193 : i32 to vector<16xi32>
    %lt3A_195 = arith.cmpi slt, %iota3A, %lt3A_194 : vector<16xi32>
    %broadcast_in_dim3A_196 = vector.shape_cast %and3A_11 : vector<16xi32> to vector<16x1xi32>
    %gather3A_197 = vector.shape_cast %broadcast_in_dim3A_196 : vector<16x1xi32> to vector<16xi32>
    %gather3A_198 = tpu.dynamic_gather %add3A_188[%gather3A_197] in [0] : vector<16xi32>, vector<16xi32> -> vector<16xi32>
    %broadcast_in_dim3A_199 = vector.shape_cast %and3A_11 : vector<16xi32> to vector<16x1xi32>
    %gather3A_200 = vector.shape_cast %broadcast_in_dim3A_199 : vector<16x1xi32> to vector<16xi32>
    %gather3A_201 = tpu.dynamic_gather %add3A_192[%gather3A_200] in [0] : vector<16xi32>, vector<16xi32> -> vector<16xi32>
    %select_n3A_202 = arith.select %lt3A_195, %gather3A_198, %gather3A_201 : vector<16xi1>, vector<16xi32>
    %min3A_203 = arith.constant 262143 : i32
    %min3A_204 = vector.broadcast %min3A_203 : i32 to vector<16xi32>
    %min3A_205 = arith.minsi %select_n3A_202, %min3A_204 : vector<16xi32>
    %swap3A_206 = arith.constant 0 : i32
    %swap3A_207 = arith.index_cast %swap3A_206 : i32 to index
    %swap3A_208 = arith.constant 32 : index
    %swap3A_209 = tpu.vector_load %arg6[%swap3A_207, %swap3A_208] {strides = array<i32>} : memref<4x128xi32, #tpu.memory_space<vmem>>, vector<1x16xi32>,
    %swap3A_210 = vector.shape_cast %swap3A_209 : vector<1x16xi32> to vector<16xi32>
    %swap3A_211 = vector.shape_cast %min3A_205 : vector<16xi32> to vector<1x16xi32>
    tpu.vector_store %arg6[%swap3A_207, %swap3A_208], %swap3A_211 {strides = array<i32>} : memref<4x128xi32, #tpu.memory_space<vmem>>, vector<1x16xi32>,
    %get3A_212 = arith.constant 96 : index
    %get3A_213 = tpu.vector_load %arg5[%get3A_212] {strides = array<i32>} : memref<1024xf32, #tpu.memory_space<vmem>>, vector<16xf32>,
    %get3A_214 = vector.shape_cast %get3A_213 : vector<16xf32> to vector<16xf32>
    %get3A_215 = arith.constant 112 : index
    %get3A_216 = tpu.vector_load %arg5[%get3A_215] {strides = array<i32>} : memref<1024xf32, #tpu.memory_space<vmem>>, vector<16xf32>,
    %get3A_217 = vector.shape_cast %get3A_216 : vector<16xf32> to vector<16xf32>
    %mul3A_218 = arith.constant 1.020000e+00 : f32
    %mul3A_219 = vector.broadcast %mul3A_218 : f32 to vector<16xf32>
    %mul3A_220 = arith.mulf %get3A_214, %mul3A_219 : vector<16xf32>
    %sub3A_221 = arith.constant 0.00999999977 : f32
    %sub3A_222 = vector.broadcast %sub3A_221 : f32 to vector<16xf32>
    %sub3A_223 = arith.subf %mul3A_220, %sub3A_222 : vector<16xf32>
    %mul3A_224 = arith.constant 5.120000e+02 : f32
    %mul3A_225 = vector.broadcast %mul3A_224 : f32 to vector<16xf32>
    %mul3A_226 = arith.mulf %sub3A_223, %mul3A_225 : vector<16xf32>
    %convert_element_type3A_227 = arith.fptosi %mul3A_226 : vector<16xf32> to vector<16xi32>
    %max3A_228 = arith.constant 0 : i32
    %max3A_229 = vector.broadcast %max3A_228 : i32 to vector<16xi32>
    %max3A_230 = arith.maxsi %convert_element_type3A_227, %max3A_229 : vector<16xi32>
    %min3A_231 = arith.constant 512 : i32
    %min3A_232 = vector.broadcast %min3A_231 : i32 to vector<16xi32>
    %min3A_233 = arith.minsi %max3A_230, %min3A_232 : vector<16xi32>
    %mul3A_234 = arith.constant 1.020000e+00 : f32
    %mul3A_235 = vector.broadcast %mul3A_234 : f32 to vector<16xf32>
    %mul3A_236 = arith.mulf %get3A_217, %mul3A_235 : vector<16xf32>
    %sub3A_237 = arith.constant 0.00999999977 : f32
    %sub3A_238 = vector.broadcast %sub3A_237 : f32 to vector<16xf32>
    %sub3A_239 = arith.subf %mul3A_236, %sub3A_238 : vector<16xf32>
    %mul3A_240 = arith.constant 5.120000e+02 : f32
    %mul3A_241 = vector.broadcast %mul3A_240 : f32 to vector<16xf32>
    %mul3A_242 = arith.mulf %sub3A_239, %mul3A_241 : vector<16xf32>
    %convert_element_type3A_243 = arith.fptosi %mul3A_242 : vector<16xf32> to vector<16xi32>
    %max3A_244 = arith.constant 0 : i32
    %max3A_245 = vector.broadcast %max3A_244 : i32 to vector<16xi32>
    %max3A_246 = arith.maxsi %convert_element_type3A_243, %max3A_245 : vector<16xi32>
    %min3A_247 = arith.constant 512 : i32
    %min3A_248 = vector.broadcast %min3A_247 : i32 to vector<16xi32>
    %min3A_249 = arith.minsi %max3A_246, %min3A_248 : vector<16xi32>
    %mul3A_250 = arith.muli %min3A_233, %select_n3A : vector<16xi32>
    %mul3A_251 = arith.muli %min3A_249, %select_n3A : vector<16xi32>
    %broadcast_in_dim3A_252 = vector.shape_cast %xor3A_6 : vector<16xi32> to vector<16x1xi32>
    %gather3A_253 = vector.shape_cast %broadcast_in_dim3A_252 : vector<16x1xi32> to vector<16xi32>
    %gather3A_254 = tpu.dynamic_gather %mul3A_250[%gather3A_253] in [0] : vector<16xi32>, vector<16xi32> -> vector<16xi32>
    %add3A_255 = arith.addi %mul3A_250, %gather3A_254 : vector<16xi32>
    %broadcast_in_dim3A_256 = vector.shape_cast %xor3A_6 : vector<16xi32> to vector<16x1xi32>
    %gather3A_257 = vector.shape_cast %broadcast_in_dim3A_256 : vector<16x1xi32> to vector<16xi32>
    %gather3A_258 = tpu.dynamic_gather %mul3A_251[%gather3A_257] in [0] : vector<16xi32>, vector<16xi32> -> vector<16xi32>
    %add3A_259 = arith.addi %mul3A_251, %gather3A_258 : vector<16xi32>
    %lt3A_260 = arith.constant 8 : i32
    %lt3A_261 = vector.broadcast %lt3A_260 : i32 to vector<16xi32>
    %lt3A_262 = arith.cmpi slt, %iota3A, %lt3A_261 : vector<16xi32>
    %broadcast_in_dim3A_263 = vector.shape_cast %and3A_11 : vector<16xi32> to vector<16x1xi32>
    %gather3A_264 = vector.shape_cast %broadcast_in_dim3A_263 : vector<16x1xi32> to vector<16xi32>
    %gather3A_265 = tpu.dynamic_gather %add3A_255[%gather3A_264] in [0] : vector<16xi32>, vector<16xi32> -> vector<16xi32>
    %broadcast_in_dim3A_266 = vector.shape_cast %and3A_11 : vector<16xi32> to vector<16x1xi32>
    %gather3A_267 = vector.shape_cast %broadcast_in_dim3A_266 : vector<16x1xi32> to vector<16xi32>
    %gather3A_268 = tpu.dynamic_gather %add3A_259[%gather3A_267] in [0] : vector<16xi32>, vector<16xi32> -> vector<16xi32>
    %select_n3A_269 = arith.select %lt3A_262, %gather3A_265, %gather3A_268 : vector<16xi1>, vector<16xi32>
    %min3A_270 = arith.constant 262143 : i32
    %min3A_271 = vector.broadcast %min3A_270 : i32 to vector<16xi32>
    %min3A_272 = arith.minsi %select_n3A_269, %min3A_271 : vector<16xi32>
    %swap3A_273 = arith.constant 0 : i32
    %swap3A_274 = arith.index_cast %swap3A_273 : i32 to index
    %swap3A_275 = arith.constant 48 : index
    %swap3A_276 = tpu.vector_load %arg6[%swap3A_274, %swap3A_275] {strides = array<i32>} : memref<4x128xi32, #tpu.memory_space<vmem>>, vector<1x16xi32>,
    %swap3A_277 = vector.shape_cast %swap3A_276 : vector<1x16xi32> to vector<16xi32>
    %swap3A_278 = vector.shape_cast %min3A_272 : vector<16xi32> to vector<1x16xi32>
    tpu.vector_store %arg6[%swap3A_274, %swap3A_275], %swap3A_278 {strides = array<i32>} : memref<4x128xi32, #tpu.memory_space<vmem>>, vector<1x16xi32>,
    %get3A_279 = arith.constant 128 : index
    %get3A_280 = tpu.vector_load %arg5[%get3A_279] {strides = array<i32>} : memref<1024xf32, #tpu.memory_space<vmem>>, vector<16xf32>,
    %get3A_281 = vector.shape_cast %get3A_280 : vector<16xf32> to vector<16xf32>
    %get3A_282 = arith.constant 144 : index
    %get3A_283 = tpu.vector_load %arg5[%get3A_282] {strides = array<i32>} : memref<1024xf32, #tpu.memory_space<vmem>>, vector<16xf32>,
    %get3A_284 = vector.shape_cast %get3A_283 : vector<16xf32> to vector<16xf32>
    %mul3A_285 = arith.constant 1.020000e+00 : f32
    %mul3A_286 = vector.broadcast %mul3A_285 : f32 to vector<16xf32>
    %mul3A_287 = arith.mulf %get3A_281, %mul3A_286 : vector<16xf32>
    %sub3A_288 = arith.constant 0.00999999977 : f32
    %sub3A_289 = vector.broadcast %sub3A_288 : f32 to vector<16xf32>
    %sub3A_290 = arith.subf %mul3A_287, %sub3A_289 : vector<16xf32>
    %mul3A_291 = arith.constant 5.120000e+02 : f32
    %mul3A_292 = vector.broadcast %mul3A_291 : f32 to vector<16xf32>
    %mul3A_293 = arith.mulf %sub3A_290, %mul3A_292 : vector<16xf32>
    %convert_element_type3A_294 = arith.fptosi %mul3A_293 : vector<16xf32> to vector<16xi32>
    %max3A_295 = arith.constant 0 : i32
    %max3A_296 = vector.broadcast %max3A_295 : i32 to vector<16xi32>
    %max3A_297 = arith.maxsi %convert_element_type3A_294, %max3A_296 : vector<16xi32>
    %min3A_298 = arith.constant 512 : i32
    %min3A_299 = vector.broadcast %min3A_298 : i32 to vector<16xi32>
    %min3A_300 = arith.minsi %max3A_297, %min3A_299 : vector<16xi32>
    %mul3A_301 = arith.constant 1.020000e+00 : f32
    %mul3A_302 = vector.broadcast %mul3A_301 : f32 to vector<16xf32>
    %mul3A_303 = arith.mulf %get3A_284, %mul3A_302 : vector<16xf32>
    %sub3A_304 = arith.constant 0.00999999977 : f32
    %sub3A_305 = vector.broadcast %sub3A_304 : f32 to vector<16xf32>
    %sub3A_306 = arith.subf %mul3A_303, %sub3A_305 : vector<16xf32>
    %mul3A_307 = arith.constant 5.120000e+02 : f32
    %mul3A_308 = vector.broadcast %mul3A_307 : f32 to vector<16xf32>
    %mul3A_309 = arith.mulf %sub3A_306, %mul3A_308 : vector<16xf32>
    %convert_element_type3A_310 = arith.fptosi %mul3A_309 : vector<16xf32> to vector<16xi32>
    %max3A_311 = arith.constant 0 : i32
    %max3A_312 = vector.broadcast %max3A_311 : i32 to vector<16xi32>
    %max3A_313 = arith.maxsi %convert_element_type3A_310, %max3A_312 : vector<16xi32>
    %min3A_314 = arith.constant 512 : i32
    %min3A_315 = vector.broadcast %min3A_314 : i32 to vector<16xi32>
    %min3A_316 = arith.minsi %max3A_313, %min3A_315 : vector<16xi32>
    %mul3A_317 = arith.muli %min3A_300, %select_n3A : vector<16xi32>
    %mul3A_318 = arith.muli %min3A_316, %select_n3A : vector<16xi32>
    %broadcast_in_dim3A_319 = vector.shape_cast %xor3A_6 : vector<16xi32> to vector<16x1xi32>
    %gather3A_320 = vector.shape_cast %broadcast_in_dim3A_319 : vector<16x1xi32> to vector<16xi32>
    %gather3A_321 = tpu.dynamic_gather %mul3A_317[%gather3A_320] in [0] : vector<16xi32>, vector<16xi32> -> vector<16xi32>
    %add3A_322 = arith.addi %mul3A_317, %gather3A_321 : vector<16xi32>
    %broadcast_in_dim3A_323 = vector.shape_cast %xor3A_6 : vector<16xi32> to vector<16x1xi32>
    %gather3A_324 = vector.shape_cast %broadcast_in_dim3A_323 : vector<16x1xi32> to vector<16xi32>
    %gather3A_325 = tpu.dynamic_gather %mul3A_318[%gather3A_324] in [0] : vector<16xi32>, vector<16xi32> -> vector<16xi32>
    %add3A_326 = arith.addi %mul3A_318, %gather3A_325 : vector<16xi32>
    %lt3A_327 = arith.constant 8 : i32
    %lt3A_328 = vector.broadcast %lt3A_327 : i32 to vector<16xi32>
    %lt3A_329 = arith.cmpi slt, %iota3A, %lt3A_328 : vector<16xi32>
    %broadcast_in_dim3A_330 = vector.shape_cast %and3A_11 : vector<16xi32> to vector<16x1xi32>
    %gather3A_331 = vector.shape_cast %broadcast_in_dim3A_330 : vector<16x1xi32> to vector<16xi32>
    %gather3A_332 = tpu.dynamic_gather %add3A_322[%gather3A_331] in [0] : vector<16xi32>, vector<16xi32> -> vector<16xi32>
    %broadcast_in_dim3A_333 = vector.shape_cast %and3A_11 : vector<16xi32> to vector<16x1xi32>
    %gather3A_334 = vector.shape_cast %broadcast_in_dim3A_333 : vector<16x1xi32> to vector<16xi32>
    %gather3A_335 = tpu.dynamic_gather %add3A_326[%gather3A_334] in [0] : vector<16xi32>, vector<16xi32> -> vector<16xi32>
    %select_n3A_336 = arith.select %lt3A_329, %gather3A_332, %gather3A_335 : vector<16xi1>, vector<16xi32>
    %min3A_337 = arith.constant 262143 : i32
    %min3A_338 = vector.broadcast %min3A_337 : i32 to vector<16xi32>
    %min3A_339 = arith.minsi %select_n3A_336, %min3A_338 : vector<16xi32>
    %swap3A_340 = arith.constant 0 : i32
    %swap3A_341 = arith.index_cast %swap3A_340 : i32 to index
    %swap3A_342 = arith.constant 64 : index
    %swap3A_343 = tpu.vector_load %arg6[%swap3A_341, %swap3A_342] {strides = array<i32>} : memref<4x128xi32, #tpu.memory_space<vmem>>, vector<1x16xi32>,
    %swap3A_344 = vector.shape_cast %swap3A_343 : vector<1x16xi32> to vector<16xi32>
    %swap3A_345 = vector.shape_cast %min3A_339 : vector<16xi32> to vector<1x16xi32>
    tpu.vector_store %arg6[%swap3A_341, %swap3A_342], %swap3A_345 {strides = array<i32>} : memref<4x128xi32, #tpu.memory_space<vmem>>, vector<1x16xi32>,
    %get3A_346 = arith.constant 160 : index
    %get3A_347 = tpu.vector_load %arg5[%get3A_346] {strides = array<i32>} : memref<1024xf32, #tpu.memory_space<vmem>>, vector<16xf32>,
    %get3A_348 = vector.shape_cast %get3A_347 : vector<16xf32> to vector<16xf32>
    %get3A_349 = arith.constant 176 : index
    %get3A_350 = tpu.vector_load %arg5[%get3A_349] {strides = array<i32>} : memref<1024xf32, #tpu.memory_space<vmem>>, vector<16xf32>,
    %get3A_351 = vector.shape_cast %get3A_350 : vector<16xf32> to vector<16xf32>
    %mul3A_352 = arith.constant 1.020000e+00 : f32
    %mul3A_353 = vector.broadcast %mul3A_352 : f32 to vector<16xf32>
    %mul3A_354 = arith.mulf %get3A_348, %mul3A_353 : vector<16xf32>
    %sub3A_355 = arith.constant 0.00999999977 : f32
    %sub3A_356 = vector.broadcast %sub3A_355 : f32 to vector<16xf32>
    %sub3A_357 = arith.subf %mul3A_354, %sub3A_356 : vector<16xf32>
    %mul3A_358 = arith.constant 5.120000e+02 : f32
    %mul3A_359 = vector.broadcast %mul3A_358 : f32 to vector<16xf32>
    %mul3A_360 = arith.mulf %sub3A_357, %mul3A_359 : vector<16xf32>
    %convert_element_type3A_361 = arith.fptosi %mul3A_360 : vector<16xf32> to vector<16xi32>
    %max3A_362 = arith.constant 0 : i32
    %max3A_363 = vector.broadcast %max3A_362 : i32 to vector<16xi32>
    %max3A_364 = arith.maxsi %convert_element_type3A_361, %max3A_363 : vector<16xi32>
    %min3A_365 = arith.constant 512 : i32
    %min3A_366 = vector.broadcast %min3A_365 : i32 to vector<16xi32>
    %min3A_367 = arith.minsi %max3A_364, %min3A_366 : vector<16xi32>
    %mul3A_368 = arith.constant 1.020000e+00 : f32
    %mul3A_369 = vector.broadcast %mul3A_368 : f32 to vector<16xf32>
    %mul3A_370 = arith.mulf %get3A_351, %mul3A_369 : vector<16xf32>
    %sub3A_371 = arith.constant 0.00999999977 : f32
    %sub3A_372 = vector.broadcast %sub3A_371 : f32 to vector<16xf32>
    %sub3A_373 = arith.subf %mul3A_370, %sub3A_372 : vector<16xf32>
    %mul3A_374 = arith.constant 5.120000e+02 : f32
    %mul3A_375 = vector.broadcast %mul3A_374 : f32 to vector<16xf32>
    %mul3A_376 = arith.mulf %sub3A_373, %mul3A_375 : vector<16xf32>
    %convert_element_type3A_377 = arith.fptosi %mul3A_376 : vector<16xf32> to vector<16xi32>
    %max3A_378 = arith.constant 0 : i32
    %max3A_379 = vector.broadcast %max3A_378 : i32 to vector<16xi32>
    %max3A_380 = arith.maxsi %convert_element_type3A_377, %max3A_379 : vector<16xi32>
    %min3A_381 = arith.constant 512 : i32
    %min3A_382 = vector.broadcast %min3A_381 : i32 to vector<16xi32>
    %min3A_383 = arith.minsi %max3A_380, %min3A_382 : vector<16xi32>
    %mul3A_384 = arith.muli %min3A_367, %select_n3A : vector<16xi32>
    %mul3A_385 = arith.muli %min3A_383, %select_n3A : vector<16xi32>
    %broadcast_in_dim3A_386 = vector.shape_cast %xor3A_6 : vector<16xi32> to vector<16x1xi32>
    %gather3A_387 = vector.shape_cast %broadcast_in_dim3A_386 : vector<16x1xi32> to vector<16xi32>
    %gather3A_388 = tpu.dynamic_gather %mul3A_384[%gather3A_387] in [0] : vector<16xi32>, vector<16xi32> -> vector<16xi32>
    %add3A_389 = arith.addi %mul3A_384, %gather3A_388 : vector<16xi32>
    %broadcast_in_dim3A_390 = vector.shape_cast %xor3A_6 : vector<16xi32> to vector<16x1xi32>
    %gather3A_391 = vector.shape_cast %broadcast_in_dim3A_390 : vector<16x1xi32> to vector<16xi32>
    %gather3A_392 = tpu.dynamic_gather %mul3A_385[%gather3A_391] in [0] : vector<16xi32>, vector<16xi32> -> vector<16xi32>
    %add3A_393 = arith.addi %mul3A_385, %gather3A_392 : vector<16xi32>
    %lt3A_394 = arith.constant 8 : i32
    %lt3A_395 = vector.broadcast %lt3A_394 : i32 to vector<16xi32>
    %lt3A_396 = arith.cmpi slt, %iota3A, %lt3A_395 : vector<16xi32>
    %broadcast_in_dim3A_397 = vector.shape_cast %and3A_11 : vector<16xi32> to vector<16x1xi32>
    %gather3A_398 = vector.shape_cast %broadcast_in_dim3A_397 : vector<16x1xi32> to vector<16xi32>
    %gather3A_399 = tpu.dynamic_gather %add3A_389[%gather3A_398] in [0] : vector<16xi32>, vector<16xi32> -> vector<16xi32>
    %broadcast_in_dim3A_400 = vector.shape_cast %and3A_11 : vector<16xi32> to vector<16x1xi32>
    %gather3A_401 = vector.shape_cast %broadcast_in_dim3A_400 : vector<16x1xi32> to vector<16xi32>
    %gather3A_402 = tpu.dynamic_gather %add3A_393[%gather3A_401] in [0] : vector<16xi32>, vector<16xi32> -> vector<16xi32>
    %select_n3A_403 = arith.select %lt3A_396, %gather3A_399, %gather3A_402 : vector<16xi1>, vector<16xi32>
    %min3A_404 = arith.constant 262143 : i32
    %min3A_405 = vector.broadcast %min3A_404 : i32 to vector<16xi32>
    %min3A_406 = arith.minsi %select_n3A_403, %min3A_405 : vector<16xi32>
    %swap3A_407 = arith.constant 0 : i32
    %swap3A_408 = arith.index_cast %swap3A_407 : i32 to index
    %swap3A_409 = arith.constant 80 : index
    %swap3A_410 = tpu.vector_load %arg6[%swap3A_408, %swap3A_409] {strides = array<i32>} : memref<4x128xi32, #tpu.memory_space<vmem>>, vector<1x16xi32>,
    %swap3A_411 = vector.shape_cast %swap3A_410 : vector<1x16xi32> to vector<16xi32>
    %swap3A_412 = vector.shape_cast %min3A_406 : vector<16xi32> to vector<1x16xi32>
    tpu.vector_store %arg6[%swap3A_408, %swap3A_409], %swap3A_412 {strides = array<i32>} : memref<4x128xi32, #tpu.memory_space<vmem>>, vector<1x16xi32>,
    %get3A_413 = arith.constant 192 : index
    %get3A_414 = tpu.vector_load %arg5[%get3A_413] {strides = array<i32>} : memref<1024xf32, #tpu.memory_space<vmem>>, vector<16xf32>,
    %get3A_415 = vector.shape_cast %get3A_414 : vector<16xf32> to vector<16xf32>
    %get3A_416 = arith.constant 208 : index
    %get3A_417 = tpu.vector_load %arg5[%get3A_416] {strides = array<i32>} : memref<1024xf32, #tpu.memory_space<vmem>>, vector<16xf32>,
    %get3A_418 = vector.shape_cast %get3A_417 : vector<16xf32> to vector<16xf32>
    %mul3A_419 = arith.constant 1.020000e+00 : f32
    %mul3A_420 = vector.broadcast %mul3A_419 : f32 to vector<16xf32>
    %mul3A_421 = arith.mulf %get3A_415, %mul3A_420 : vector<16xf32>
    %sub3A_422 = arith.constant 0.00999999977 : f32
    %sub3A_423 = vector.broadcast %sub3A_422 : f32 to vector<16xf32>
    %sub3A_424 = arith.subf %mul3A_421, %sub3A_423 : vector<16xf32>
    %mul3A_425 = arith.constant 5.120000e+02 : f32
    %mul3A_426 = vector.broadcast %mul3A_425 : f32 to vector<16xf32>
    %mul3A_427 = arith.mulf %sub3A_424, %mul3A_426 : vector<16xf32>
    %convert_element_type3A_428 = arith.fptosi %mul3A_427 : vector<16xf32> to vector<16xi32>
    %max3A_429 = arith.constant 0 : i32
    %max3A_430 = vector.broadcast %max3A_429 : i32 to vector<16xi32>
    %max3A_431 = arith.maxsi %convert_element_type3A_428, %max3A_430 : vector<16xi32>
    %min3A_432 = arith.constant 512 : i32
    %min3A_433 = vector.broadcast %min3A_432 : i32 to vector<16xi32>
    %min3A_434 = arith.minsi %max3A_431, %min3A_433 : vector<16xi32>
    %mul3A_435 = arith.constant 1.020000e+00 : f32
    %mul3A_436 = vector.broadcast %mul3A_435 : f32 to vector<16xf32>
    %mul3A_437 = arith.mulf %get3A_418, %mul3A_436 : vector<16xf32>
    %sub3A_438 = arith.constant 0.00999999977 : f32
    %sub3A_439 = vector.broadcast %sub3A_438 : f32 to vector<16xf32>
    %sub3A_440 = arith.subf %mul3A_437, %sub3A_439 : vector<16xf32>
    %mul3A_441 = arith.constant 5.120000e+02 : f32
    %mul3A_442 = vector.broadcast %mul3A_441 : f32 to vector<16xf32>
    %mul3A_443 = arith.mulf %sub3A_440, %mul3A_442 : vector<16xf32>
    %convert_element_type3A_444 = arith.fptosi %mul3A_443 : vector<16xf32> to vector<16xi32>
    %max3A_445 = arith.constant 0 : i32
    %max3A_446 = vector.broadcast %max3A_445 : i32 to vector<16xi32>
    %max3A_447 = arith.maxsi %convert_element_type3A_444, %max3A_446 : vector<16xi32>
    %min3A_448 = arith.constant 512 : i32
    %min3A_449 = vector.broadcast %min3A_448 : i32 to vector<16xi32>
    %min3A_450 = arith.minsi %max3A_447, %min3A_449 : vector<16xi32>
    %mul3A_451 = arith.muli %min3A_434, %select_n3A : vector<16xi32>
    %mul3A_452 = arith.muli %min3A_450, %select_n3A : vector<16xi32>
    %broadcast_in_dim3A_453 = vector.shape_cast %xor3A_6 : vector<16xi32> to vector<16x1xi32>
    %gather3A_454 = vector.shape_cast %broadcast_in_dim3A_453 : vector<16x1xi32> to vector<16xi32>
    %gather3A_455 = tpu.dynamic_gather %mul3A_451[%gather3A_454] in [0] : vector<16xi32>, vector<16xi32> -> vector<16xi32>
    %add3A_456 = arith.addi %mul3A_451, %gather3A_455 : vector<16xi32>
    %broadcast_in_dim3A_457 = vector.shape_cast %xor3A_6 : vector<16xi32> to vector<16x1xi32>
    %gather3A_458 = vector.shape_cast %broadcast_in_dim3A_457 : vector<16x1xi32> to vector<16xi32>
    %gather3A_459 = tpu.dynamic_gather %mul3A_452[%gather3A_458] in [0] : vector<16xi32>, vector<16xi32> -> vector<16xi32>
    %add3A_460 = arith.addi %mul3A_452, %gather3A_459 : vector<16xi32>
    %lt3A_461 = arith.constant 8 : i32
    %lt3A_462 = vector.broadcast %lt3A_461 : i32 to vector<16xi32>
    %lt3A_463 = arith.cmpi slt, %iota3A, %lt3A_462 : vector<16xi32>
    %broadcast_in_dim3A_464 = vector.shape_cast %and3A_11 : vector<16xi32> to vector<16x1xi32>
    %gather3A_465 = vector.shape_cast %broadcast_in_dim3A_464 : vector<16x1xi32> to vector<16xi32>
    %gather3A_466 = tpu.dynamic_gather %add3A_456[%gather3A_465] in [0] : vector<16xi32>, vector<16xi32> -> vector<16xi32>
    %broadcast_in_dim3A_467 = vector.shape_cast %and3A_11 : vector<16xi32> to vector<16x1xi32>
    %gather3A_468 = vector.shape_cast %broadcast_in_dim3A_467 : vector<16x1xi32> to vector<16xi32>
    %gather3A_469 = tpu.dynamic_gather %add3A_460[%gather3A_468] in [0] : vector<16xi32>, vector<16xi32> -> vector<16xi32>
    %select_n3A_470 = arith.select %lt3A_463, %gather3A_466, %gather3A_469 : vector<16xi1>, vector<16xi32>
    %min3A_471 = arith.constant 262143 : i32
    %min3A_472 = vector.broadcast %min3A_471 : i32 to vector<16xi32>
    %min3A_473 = arith.minsi %select_n3A_470, %min3A_472 : vector<16xi32>
    %swap3A_474 = arith.constant 0 : i32
    %swap3A_475 = arith.index_cast %swap3A_474 : i32 to index
    %swap3A_476 = arith.constant 96 : index
    %swap3A_477 = tpu.vector_load %arg6[%swap3A_475, %swap3A_476] {strides = array<i32>} : memref<4x128xi32, #tpu.memory_space<vmem>>, vector<1x16xi32>,
    %swap3A_478 = vector.shape_cast %swap3A_477 : vector<1x16xi32> to vector<16xi32>
    %swap3A_479 = vector.shape_cast %min3A_473 : vector<16xi32> to vector<1x16xi32>
    tpu.vector_store %arg6[%swap3A_475, %swap3A_476], %swap3A_479 {strides = array<i32>} : memref<4x128xi32, #tpu.memory_space<vmem>>, vector<1x16xi32>,
    %get3A_480 = arith.constant 224 : index
    %get3A_481 = tpu.vector_load %arg5[%get3A_480] {strides = array<i32>} : memref<1024xf32, #tpu.memory_space<vmem>>, vector<16xf32>,
    %get3A_482 = vector.shape_cast %get3A_481 : vector<16xf32> to vector<16xf32>
    %get3A_483 = arith.constant 240 : index
    %get3A_484 = tpu.vector_load %arg5[%get3A_483] {strides = array<i32>} : memref<1024xf32, #tpu.memory_space<vmem>>, vector<16xf32>,
    %get3A_485 = vector.shape_cast %get3A_484 : vector<16xf32> to vector<16xf32>
    %mul3A_486 = arith.constant 1.020000e+00 : f32
    %mul3A_487 = vector.broadcast %mul3A_486 : f32 to vector<16xf32>
    %mul3A_488 = arith.mulf %get3A_482, %mul3A_487 : vector<16xf32>
    %sub3A_489 = arith.constant 0.00999999977 : f32
    %sub3A_490 = vector.broadcast %sub3A_489 : f32 to vector<16xf32>
    %sub3A_491 = arith.subf %mul3A_488, %sub3A_490 : vector<16xf32>
    %mul3A_492 = arith.constant 5.120000e+02 : f32
    %mul3A_493 = vector.broadcast %mul3A_492 : f32 to vector<16xf32>
    %mul3A_494 = arith.mulf %sub3A_491, %mul3A_493 : vector<16xf32>
    %convert_element_type3A_495 = arith.fptosi %mul3A_494 : vector<16xf32> to vector<16xi32>
    %max3A_496 = arith.constant 0 : i32
    %max3A_497 = vector.broadcast %max3A_496 : i32 to vector<16xi32>
    %max3A_498 = arith.maxsi %convert_element_type3A_495, %max3A_497 : vector<16xi32>
    %min3A_499 = arith.constant 512 : i32
    %min3A_500 = vector.broadcast %min3A_499 : i32 to vector<16xi32>
    %min3A_501 = arith.minsi %max3A_498, %min3A_500 : vector<16xi32>
    %mul3A_502 = arith.constant 1.020000e+00 : f32
    %mul3A_503 = vector.broadcast %mul3A_502 : f32 to vector<16xf32>
    %mul3A_504 = arith.mulf %get3A_485, %mul3A_503 : vector<16xf32>
    %sub3A_505 = arith.constant 0.00999999977 : f32
    %sub3A_506 = vector.broadcast %sub3A_505 : f32 to vector<16xf32>
    %sub3A_507 = arith.subf %mul3A_504, %sub3A_506 : vector<16xf32>
    %mul3A_508 = arith.constant 5.120000e+02 : f32
    %mul3A_509 = vector.broadcast %mul3A_508 : f32 to vector<16xf32>
    %mul3A_510 = arith.mulf %sub3A_507, %mul3A_509 : vector<16xf32>
    %convert_element_type3A_511 = arith.fptosi %mul3A_510 : vector<16xf32> to vector<16xi32>
    %max3A_512 = arith.constant 0 : i32
    %max3A_513 = vector.broadcast %max3A_512 : i32 to vector<16xi32>
    %max3A_514 = arith.maxsi %convert_element_type3A_511, %max3A_513 : vector<16xi32>
    %min3A_515 = arith.constant 512 : i32
    %min3A_516 = vector.broadcast %min3A_515 : i32 to vector<16xi32>
    %min3A_517 = arith.minsi %max3A_514, %min3A_516 : vector<16xi32>
    %mul3A_518 = arith.muli %min3A_501, %select_n3A : vector<16xi32>
    %mul3A_519 = arith.muli %min3A_517, %select_n3A : vector<16xi32>
    %broadcast_in_dim3A_520 = vector.shape_cast %xor3A_6 : vector<16xi32> to vector<16x1xi32>
    %gather3A_521 = vector.shape_cast %broadcast_in_dim3A_520 : vector<16x1xi32> to vector<16xi32>
    %gather3A_522 = tpu.dynamic_gather %mul3A_518[%gather3A_521] in [0] : vector<16xi32>, vector<16xi32> -> vector<16xi32>
    %add3A_523 = arith.addi %mul3A_518, %gather3A_522 : vector<16xi32>
    %broadcast_in_dim3A_524 = vector.shape_cast %xor3A_6 : vector<16xi32> to vector<16x1xi32>
    %gather3A_525 = vector.shape_cast %broadcast_in_dim3A_524 : vector<16x1xi32> to vector<16xi32>
    %gather3A_526 = tpu.dynamic_gather %mul3A_519[%gather3A_525] in [0] : vector<16xi32>, vector<16xi32> -> vector<16xi32>
    %add3A_527 = arith.addi %mul3A_519, %gather3A_526 : vector<16xi32>
    %lt3A_528 = arith.constant 8 : i32
    %lt3A_529 = vector.broadcast %lt3A_528 : i32 to vector<16xi32>
    %lt3A_530 = arith.cmpi slt, %iota3A, %lt3A_529 : vector<16xi32>
    %broadcast_in_dim3A_531 = vector.shape_cast %and3A_11 : vector<16xi32> to vector<16x1xi32>
    %gather3A_532 = vector.shape_cast %broadcast_in_dim3A_531 : vector<16x1xi32> to vector<16xi32>
    %gather3A_533 = tpu.dynamic_gather %add3A_523[%gather3A_532] in [0] : vector<16xi32>, vector<16xi32> -> vector<16xi32>
    %broadcast_in_dim3A_534 = vector.shape_cast %and3A_11 : vector<16xi32> to vector<16x1xi32>
    %gather3A_535 = vector.shape_cast %broadcast_in_dim3A_534 : vector<16x1xi32> to vector<16xi32>
    %gather3A_536 = tpu.dynamic_gather %add3A_527[%gather3A_535] in [0] : vector<16xi32>, vector<16xi32> -> vector<16xi32>
    %select_n3A_537 = arith.select %lt3A_530, %gather3A_533, %gather3A_536 : vector<16xi1>, vector<16xi32>
    %min3A_538 = arith.constant 262143 : i32
    %min3A_539 = vector.broadcast %min3A_538 : i32 to vector<16xi32>
    %min3A_540 = arith.minsi %select_n3A_537, %min3A_539 : vector<16xi32>
    %swap3A_541 = arith.constant 0 : i32
    %swap3A_542 = arith.index_cast %swap3A_541 : i32 to index
    %swap3A_543 = arith.constant 112 : index
    %swap3A_544 = tpu.vector_load %arg6[%swap3A_542, %swap3A_543] {strides = array<i32>} : memref<4x128xi32, #tpu.memory_space<vmem>>, vector<1x16xi32>,
    %swap3A_545 = vector.shape_cast %swap3A_544 : vector<1x16xi32> to vector<16xi32>
    %swap3A_546 = vector.shape_cast %min3A_540 : vector<16xi32> to vector<1x16xi32>
    tpu.vector_store %arg6[%swap3A_542, %swap3A_543], %swap3A_546 {strides = array<i32>} : memref<4x128xi32, #tpu.memory_space<vmem>>, vector<1x16xi32>,
    %get3A_547 = arith.constant 256 : index
    %get3A_548 = tpu.vector_load %arg5[%get3A_547] {strides = array<i32>} : memref<1024xf32, #tpu.memory_space<vmem>>, vector<16xf32>,
    %get3A_549 = vector.shape_cast %get3A_548 : vector<16xf32> to vector<16xf32>
    %get3A_550 = arith.constant 272 : index
    %get3A_551 = tpu.vector_load %arg5[%get3A_550] {strides = array<i32>} : memref<1024xf32, #tpu.memory_space<vmem>>, vector<16xf32>,
    %get3A_552 = vector.shape_cast %get3A_551 : vector<16xf32> to vector<16xf32>
    %mul3A_553 = arith.constant 1.020000e+00 : f32
    %mul3A_554 = vector.broadcast %mul3A_553 : f32 to vector<16xf32>
    %mul3A_555 = arith.mulf %get3A_549, %mul3A_554 : vector<16xf32>
    %sub3A_556 = arith.constant 0.00999999977 : f32
    %sub3A_557 = vector.broadcast %sub3A_556 : f32 to vector<16xf32>
    %sub3A_558 = arith.subf %mul3A_555, %sub3A_557 : vector<16xf32>
    %mul3A_559 = arith.constant 5.120000e+02 : f32
    %mul3A_560 = vector.broadcast %mul3A_559 : f32 to vector<16xf32>
    %mul3A_561 = arith.mulf %sub3A_558, %mul3A_560 : vector<16xf32>
    %convert_element_type3A_562 = arith.fptosi %mul3A_561 : vector<16xf32> to vector<16xi32>
    %max3A_563 = arith.constant 0 : i32
    %max3A_564 = vector.broadcast %max3A_563 : i32 to vector<16xi32>
    %max3A_565 = arith.maxsi %convert_element_type3A_562, %max3A_564 : vector<16xi32>
    %min3A_566 = arith.constant 512 : i32
    %min3A_567 = vector.broadcast %min3A_566 : i32 to vector<16xi32>
    %min3A_568 = arith.minsi %max3A_565, %min3A_567 : vector<16xi32>
    %mul3A_569 = arith.constant 1.020000e+00 : f32
    %mul3A_570 = vector.broadcast %mul3A_569 : f32 to vector<16xf32>
    %mul3A_571 = arith.mulf %get3A_552, %mul3A_570 : vector<16xf32>
    %sub3A_572 = arith.constant 0.00999999977 : f32
    %sub3A_573 = vector.broadcast %sub3A_572 : f32 to vector<16xf32>
    %sub3A_574 = arith.subf %mul3A_571, %sub3A_573 : vector<16xf32>
    %mul3A_575 = arith.constant 5.120000e+02 : f32
    %mul3A_576 = vector.broadcast %mul3A_575 : f32 to vector<16xf32>
    %mul3A_577 = arith.mulf %sub3A_574, %mul3A_576 : vector<16xf32>
    %convert_element_type3A_578 = arith.fptosi %mul3A_577 : vector<16xf32> to vector<16xi32>
    %max3A_579 = arith.constant 0 : i32
    %max3A_580 = vector.broadcast %max3A_579 : i32 to vector<16xi32>
    %max3A_581 = arith.maxsi %convert_element_type3A_578, %max3A_580 : vector<16xi32>
    %min3A_582 = arith.constant 512 : i32
    %min3A_583 = vector.broadcast %min3A_582 : i32 to vector<16xi32>
    %min3A_584 = arith.minsi %max3A_581, %min3A_583 : vector<16xi32>
    %mul3A_585 = arith.muli %min3A_568, %select_n3A : vector<16xi32>
    %mul3A_586 = arith.muli %min3A_584, %select_n3A : vector<16xi32>
    %broadcast_in_dim3A_587 = vector.shape_cast %xor3A_6 : vector<16xi32> to vector<16x1xi32>
    %gather3A_588 = vector.shape_cast %broadcast_in_dim3A_587 : vector<16x1xi32> to vector<16xi32>
    %gather3A_589 = tpu.dynamic_gather %mul3A_585[%gather3A_588] in [0] : vector<16xi32>, vector<16xi32> -> vector<16xi32>
    %add3A_590 = arith.addi %mul3A_585, %gather3A_589 : vector<16xi32>
    %broadcast_in_dim3A_591 = vector.shape_cast %xor3A_6 : vector<16xi32> to vector<16x1xi32>
    %gather3A_592 = vector.shape_cast %broadcast_in_dim3A_591 : vector<16x1xi32> to vector<16xi32>
    %gather3A_593 = tpu.dynamic_gather %mul3A_586[%gather3A_592] in [0] : vector<16xi32>, vector<16xi32> -> vector<16xi32>
    %add3A_594 = arith.addi %mul3A_586, %gather3A_593 : vector<16xi32>
    %lt3A_595 = arith.constant 8 : i32
    %lt3A_596 = vector.broadcast %lt3A_595 : i32 to vector<16xi32>
    %lt3A_597 = arith.cmpi slt, %iota3A, %lt3A_596 : vector<16xi32>
    %broadcast_in_dim3A_598 = vector.shape_cast %and3A_11 : vector<16xi32> to vector<16x1xi32>
    %gather3A_599 = vector.shape_cast %broadcast_in_dim3A_598 : vector<16x1xi32> to vector<16xi32>
    %gather3A_600 = tpu.dynamic_gather %add3A_590[%gather3A_599] in [0] : vector<16xi32>, vector<16xi32> -> vector<16xi32>
    %broadcast_in_dim3A_601 = vector.shape_cast %and3A_11 : vector<16xi32> to vector<16x1xi32>
    %gather3A_602 = vector.shape_cast %broadcast_in_dim3A_601 : vector<16x1xi32> to vector<16xi32>
    %gather3A_603 = tpu.dynamic_gather %add3A_594[%gather3A_602] in [0] : vector<16xi32>, vector<16xi32> -> vector<16xi32>
    %select_n3A_604 = arith.select %lt3A_597, %gather3A_600, %gather3A_603 : vector<16xi1>, vector<16xi32>
    %min3A_605 = arith.constant 262143 : i32
    %min3A_606 = vector.broadcast %min3A_605 : i32 to vector<16xi32>
    %min3A_607 = arith.minsi %select_n3A_604, %min3A_606 : vector<16xi32>
    %swap3A_608 = arith.constant 1 : i32
    %swap3A_609 = arith.index_cast %swap3A_608 : i32 to index
    %swap3A_610 = arith.constant 0 : index
    %swap3A_611 = tpu.vector_load %arg6[%swap3A_609, %swap3A_610] {strides = array<i32>} : memref<4x128xi32, #tpu.memory_space<vmem>>, vector<1x16xi32>,
    %swap3A_612 = vector.shape_cast %swap3A_611 : vector<1x16xi32> to vector<16xi32>
    %swap3A_613 = vector.shape_cast %min3A_607 : vector<16xi32> to vector<1x16xi32>
    tpu.vector_store %arg6[%swap3A_609, %swap3A_610], %swap3A_613 {strides = array<i32>} : memref<4x128xi32, #tpu.memory_space<vmem>>, vector<1x16xi32>,
    %get3A_614 = arith.constant 288 : index
    %get3A_615 = tpu.vector_load %arg5[%get3A_614] {strides = array<i32>} : memref<1024xf32, #tpu.memory_space<vmem>>, vector<16xf32>,
    %get3A_616 = vector.shape_cast %get3A_615 : vector<16xf32> to vector<16xf32>
    %get3A_617 = arith.constant 304 : index
    %get3A_618 = tpu.vector_load %arg5[%get3A_617] {strides = array<i32>} : memref<1024xf32, #tpu.memory_space<vmem>>, vector<16xf32>,
    %get3A_619 = vector.shape_cast %get3A_618 : vector<16xf32> to vector<16xf32>
    %mul3A_620 = arith.constant 1.020000e+00 : f32
    %mul3A_621 = vector.broadcast %mul3A_620 : f32 to vector<16xf32>
    %mul3A_622 = arith.mulf %get3A_616, %mul3A_621 : vector<16xf32>
    %sub3A_623 = arith.constant 0.00999999977 : f32
    %sub3A_624 = vector.broadcast %sub3A_623 : f32 to vector<16xf32>
    %sub3A_625 = arith.subf %mul3A_622, %sub3A_624 : vector<16xf32>
    %mul3A_626 = arith.constant 5.120000e+02 : f32
    %mul3A_627 = vector.broadcast %mul3A_626 : f32 to vector<16xf32>
    %mul3A_628 = arith.mulf %sub3A_625, %mul3A_627 : vector<16xf32>
    %convert_element_type3A_629 = arith.fptosi %mul3A_628 : vector<16xf32> to vector<16xi32>
    %max3A_630 = arith.constant 0 : i32
    %max3A_631 = vector.broadcast %max3A_630 : i32 to vector<16xi32>
    %max3A_632 = arith.maxsi %convert_element_type3A_629, %max3A_631 : vector<16xi32>
    %min3A_633 = arith.constant 512 : i32
    %min3A_634 = vector.broadcast %min3A_633 : i32 to vector<16xi32>
    %min3A_635 = arith.minsi %max3A_632, %min3A_634 : vector<16xi32>
    %mul3A_636 = arith.constant 1.020000e+00 : f32
    %mul3A_637 = vector.broadcast %mul3A_636 : f32 to vector<16xf32>
    %mul3A_638 = arith.mulf %get3A_619, %mul3A_637 : vector<16xf32>
    %sub3A_639 = arith.constant 0.00999999977 : f32
    %sub3A_640 = vector.broadcast %sub3A_639 : f32 to vector<16xf32>
    %sub3A_641 = arith.subf %mul3A_638, %sub3A_640 : vector<16xf32>
    %mul3A_642 = arith.constant 5.120000e+02 : f32
    %mul3A_643 = vector.broadcast %mul3A_642 : f32 to vector<16xf32>
    %mul3A_644 = arith.mulf %sub3A_641, %mul3A_643 : vector<16xf32>
    %convert_element_type3A_645 = arith.fptosi %mul3A_644 : vector<16xf32> to vector<16xi32>
    %max3A_646 = arith.constant 0 : i32
    %max3A_647 = vector.broadcast %max3A_646 : i32 to vector<16xi32>
    %max3A_648 = arith.maxsi %convert_element_type3A_645, %max3A_647 : vector<16xi32>
    %min3A_649 = arith.constant 512 : i32
    %min3A_650 = vector.broadcast %min3A_649 : i32 to vector<16xi32>
    %min3A_651 = arith.minsi %max3A_648, %min3A_650 : vector<16xi32>
    %mul3A_652 = arith.muli %min3A_635, %select_n3A : vector<16xi32>
    %mul3A_653 = arith.muli %min3A_651, %select_n3A : vector<16xi32>
    %broadcast_in_dim3A_654 = vector.shape_cast %xor3A_6 : vector<16xi32> to vector<16x1xi32>
    %gather3A_655 = vector.shape_cast %broadcast_in_dim3A_654 : vector<16x1xi32> to vector<16xi32>
    %gather3A_656 = tpu.dynamic_gather %mul3A_652[%gather3A_655] in [0] : vector<16xi32>, vector<16xi32> -> vector<16xi32>
    %add3A_657 = arith.addi %mul3A_652, %gather3A_656 : vector<16xi32>
    %broadcast_in_dim3A_658 = vector.shape_cast %xor3A_6 : vector<16xi32> to vector<16x1xi32>
    %gather3A_659 = vector.shape_cast %broadcast_in_dim3A_658 : vector<16x1xi32> to vector<16xi32>
    %gather3A_660 = tpu.dynamic_gather %mul3A_653[%gather3A_659] in [0] : vector<16xi32>, vector<16xi32> -> vector<16xi32>
    %add3A_661 = arith.addi %mul3A_653, %gather3A_660 : vector<16xi32>
    %lt3A_662 = arith.constant 8 : i32
    %lt3A_663 = vector.broadcast %lt3A_662 : i32 to vector<16xi32>
    %lt3A_664 = arith.cmpi slt, %iota3A, %lt3A_663 : vector<16xi32>
    %broadcast_in_dim3A_665 = vector.shape_cast %and3A_11 : vector<16xi32> to vector<16x1xi32>
    %gather3A_666 = vector.shape_cast %broadcast_in_dim3A_665 : vector<16x1xi32> to vector<16xi32>
    %gather3A_667 = tpu.dynamic_gather %add3A_657[%gather3A_666] in [0] : vector<16xi32>, vector<16xi32> -> vector<16xi32>
    %broadcast_in_dim3A_668 = vector.shape_cast %and3A_11 : vector<16xi32> to vector<16x1xi32>
    %gather3A_669 = vector.shape_cast %broadcast_in_dim3A_668 : vector<16x1xi32> to vector<16xi32>
    %gather3A_670 = tpu.dynamic_gather %add3A_661[%gather3A_669] in [0] : vector<16xi32>, vector<16xi32> -> vector<16xi32>
    %select_n3A_671 = arith.select %lt3A_664, %gather3A_667, %gather3A_670 : vector<16xi1>, vector<16xi32>
    %min3A_672 = arith.constant 262143 : i32
    %min3A_673 = vector.broadcast %min3A_672 : i32 to vector<16xi32>
    %min3A_674 = arith.minsi %select_n3A_671, %min3A_673 : vector<16xi32>
    %swap3A_675 = arith.constant 1 : i32
    %swap3A_676 = arith.index_cast %swap3A_675 : i32 to index
    %swap3A_677 = arith.constant 16 : index
    %swap3A_678 = tpu.vector_load %arg6[%swap3A_676, %swap3A_677] {strides = array<i32>} : memref<4x128xi32, #tpu.memory_space<vmem>>, vector<1x16xi32>,
    %swap3A_679 = vector.shape_cast %swap3A_678 : vector<1x16xi32> to vector<16xi32>
    %swap3A_680 = vector.shape_cast %min3A_674 : vector<16xi32> to vector<1x16xi32>
    tpu.vector_store %arg6[%swap3A_676, %swap3A_677], %swap3A_680 {strides = array<i32>} : memref<4x128xi32, #tpu.memory_space<vmem>>, vector<1x16xi32>,
    %get3A_681 = arith.constant 320 : index
    %get3A_682 = tpu.vector_load %arg5[%get3A_681] {strides = array<i32>} : memref<1024xf32, #tpu.memory_space<vmem>>, vector<16xf32>,
    %get3A_683 = vector.shape_cast %get3A_682 : vector<16xf32> to vector<16xf32>
    %get3A_684 = arith.constant 336 : index
    %get3A_685 = tpu.vector_load %arg5[%get3A_684] {strides = array<i32>} : memref<1024xf32, #tpu.memory_space<vmem>>, vector<16xf32>,
    %get3A_686 = vector.shape_cast %get3A_685 : vector<16xf32> to vector<16xf32>
    %mul3A_687 = arith.constant 1.020000e+00 : f32
    %mul3A_688 = vector.broadcast %mul3A_687 : f32 to vector<16xf32>
    %mul3A_689 = arith.mulf %get3A_683, %mul3A_688 : vector<16xf32>
    %sub3A_690 = arith.constant 0.00999999977 : f32
    %sub3A_691 = vector.broadcast %sub3A_690 : f32 to vector<16xf32>
    %sub3A_692 = arith.subf %mul3A_689, %sub3A_691 : vector<16xf32>
    %mul3A_693 = arith.constant 5.120000e+02 : f32
    %mul3A_694 = vector.broadcast %mul3A_693 : f32 to vector<16xf32>
    %mul3A_695 = arith.mulf %sub3A_692, %mul3A_694 : vector<16xf32>
    %convert_element_type3A_696 = arith.fptosi %mul3A_695 : vector<16xf32> to vector<16xi32>
    %max3A_697 = arith.constant 0 : i32
    %max3A_698 = vector.broadcast %max3A_697 : i32 to vector<16xi32>
    %max3A_699 = arith.maxsi %convert_element_type3A_696, %max3A_698 : vector<16xi32>
    %min3A_700 = arith.constant 512 : i32
    %min3A_701 = vector.broadcast %min3A_700 : i32 to vector<16xi32>
    %min3A_702 = arith.minsi %max3A_699, %min3A_701 : vector<16xi32>
    %mul3A_703 = arith.constant 1.020000e+00 : f32
    %mul3A_704 = vector.broadcast %mul3A_703 : f32 to vector<16xf32>
    %mul3A_705 = arith.mulf %get3A_686, %mul3A_704 : vector<16xf32>
    %sub3A_706 = arith.constant 0.00999999977 : f32
    %sub3A_707 = vector.broadcast %sub3A_706 : f32 to vector<16xf32>
    %sub3A_708 = arith.subf %mul3A_705, %sub3A_707 : vector<16xf32>
    %mul3A_709 = arith.constant 5.120000e+02 : f32
    %mul3A_710 = vector.broadcast %mul3A_709 : f32 to vector<16xf32>
    %mul3A_711 = arith.mulf %sub3A_708, %mul3A_710 : vector<16xf32>
    %convert_element_type3A_712 = arith.fptosi %mul3A_711 : vector<16xf32> to vector<16xi32>
    %max3A_713 = arith.constant 0 : i32
    %max3A_714 = vector.broadcast %max3A_713 : i32 to vector<16xi32>
    %max3A_715 = arith.maxsi %convert_element_type3A_712, %max3A_714 : vector<16xi32>
    %min3A_716 = arith.constant 512 : i32
    %min3A_717 = vector.broadcast %min3A_716 : i32 to vector<16xi32>
    %min3A_718 = arith.minsi %max3A_715, %min3A_717 : vector<16xi32>
    %mul3A_719 = arith.muli %min3A_702, %select_n3A : vector<16xi32>
    %mul3A_720 = arith.muli %min3A_718, %select_n3A : vector<16xi32>
    %broadcast_in_dim3A_721 = vector.shape_cast %xor3A_6 : vector<16xi32> to vector<16x1xi32>
    %gather3A_722 = vector.shape_cast %broadcast_in_dim3A_721 : vector<16x1xi32> to vector<16xi32>
    %gather3A_723 = tpu.dynamic_gather %mul3A_719[%gather3A_722] in [0] : vector<16xi32>, vector<16xi32> -> vector<16xi32>
    %add3A_724 = arith.addi %mul3A_719, %gather3A_723 : vector<16xi32>
    %broadcast_in_dim3A_725 = vector.shape_cast %xor3A_6 : vector<16xi32> to vector<16x1xi32>
    %gather3A_726 = vector.shape_cast %broadcast_in_dim3A_725 : vector<16x1xi32> to vector<16xi32>
    %gather3A_727 = tpu.dynamic_gather %mul3A_720[%gather3A_726] in [0] : vector<16xi32>, vector<16xi32> -> vector<16xi32>
    %add3A_728 = arith.addi %mul3A_720, %gather3A_727 : vector<16xi32>
    %lt3A_729 = arith.constant 8 : i32
    %lt3A_730 = vector.broadcast %lt3A_729 : i32 to vector<16xi32>
    %lt3A_731 = arith.cmpi slt, %iota3A, %lt3A_730 : vector<16xi32>
    %broadcast_in_dim3A_732 = vector.shape_cast %and3A_11 : vector<16xi32> to vector<16x1xi32>
    %gather3A_733 = vector.shape_cast %broadcast_in_dim3A_732 : vector<16x1xi32> to vector<16xi32>
    %gather3A_734 = tpu.dynamic_gather %add3A_724[%gather3A_733] in [0] : vector<16xi32>, vector<16xi32> -> vector<16xi32>
    %broadcast_in_dim3A_735 = vector.shape_cast %and3A_11 : vector<16xi32> to vector<16x1xi32>
    %gather3A_736 = vector.shape_cast %broadcast_in_dim3A_735 : vector<16x1xi32> to vector<16xi32>
    %gather3A_737 = tpu.dynamic_gather %add3A_728[%gather3A_736] in [0] : vector<16xi32>, vector<16xi32> -> vector<16xi32>
    %select_n3A_738 = arith.select %lt3A_731, %gather3A_734, %gather3A_737 : vector<16xi1>, vector<16xi32>
    %min3A_739 = arith.constant 262143 : i32
    %min3A_740 = vector.broadcast %min3A_739 : i32 to vector<16xi32>
    %min3A_741 = arith.minsi %select_n3A_738, %min3A_740 : vector<16xi32>
    %swap3A_742 = arith.constant 1 : i32
    %swap3A_743 = arith.index_cast %swap3A_742 : i32 to index
    %swap3A_744 = arith.constant 32 : index
    %swap3A_745 = tpu.vector_load %arg6[%swap3A_743, %swap3A_744] {strides = array<i32>} : memref<4x128xi32, #tpu.memory_space<vmem>>, vector<1x16xi32>,
    %swap3A_746 = vector.shape_cast %swap3A_745 : vector<1x16xi32> to vector<16xi32>
    %swap3A_747 = vector.shape_cast %min3A_741 : vector<16xi32> to vector<1x16xi32>
    tpu.vector_store %arg6[%swap3A_743, %swap3A_744], %swap3A_747 {strides = array<i32>} : memref<4x128xi32, #tpu.memory_space<vmem>>, vector<1x16xi32>,
    %get3A_748 = arith.constant 352 : index
    %get3A_749 = tpu.vector_load %arg5[%get3A_748] {strides = array<i32>} : memref<1024xf32, #tpu.memory_space<vmem>>, vector<16xf32>,
    %get3A_750 = vector.shape_cast %get3A_749 : vector<16xf32> to vector<16xf32>
    %get3A_751 = arith.constant 368 : index
    %get3A_752 = tpu.vector_load %arg5[%get3A_751] {strides = array<i32>} : memref<1024xf32, #tpu.memory_space<vmem>>, vector<16xf32>,
    %get3A_753 = vector.shape_cast %get3A_752 : vector<16xf32> to vector<16xf32>
    %mul3A_754 = arith.constant 1.020000e+00 : f32
    %mul3A_755 = vector.broadcast %mul3A_754 : f32 to vector<16xf32>
    %mul3A_756 = arith.mulf %get3A_750, %mul3A_755 : vector<16xf32>
    %sub3A_757 = arith.constant 0.00999999977 : f32
    %sub3A_758 = vector.broadcast %sub3A_757 : f32 to vector<16xf32>
    %sub3A_759 = arith.subf %mul3A_756, %sub3A_758 : vector<16xf32>
    %mul3A_760 = arith.constant 5.120000e+02 : f32
    %mul3A_761 = vector.broadcast %mul3A_760 : f32 to vector<16xf32>
    %mul3A_762 = arith.mulf %sub3A_759, %mul3A_761 : vector<16xf32>
    %convert_element_type3A_763 = arith.fptosi %mul3A_762 : vector<16xf32> to vector<16xi32>
    %max3A_764 = arith.constant 0 : i32
    %max3A_765 = vector.broadcast %max3A_764 : i32 to vector<16xi32>
    %max3A_766 = arith.maxsi %convert_element_type3A_763, %max3A_765 : vector<16xi32>
    %min3A_767 = arith.constant 512 : i32
    %min3A_768 = vector.broadcast %min3A_767 : i32 to vector<16xi32>
    %min3A_769 = arith.minsi %max3A_766, %min3A_768 : vector<16xi32>
    %mul3A_770 = arith.constant 1.020000e+00 : f32
    %mul3A_771 = vector.broadcast %mul3A_770 : f32 to vector<16xf32>
    %mul3A_772 = arith.mulf %get3A_753, %mul3A_771 : vector<16xf32>
    %sub3A_773 = arith.constant 0.00999999977 : f32
    %sub3A_774 = vector.broadcast %sub3A_773 : f32 to vector<16xf32>
    %sub3A_775 = arith.subf %mul3A_772, %sub3A_774 : vector<16xf32>
    %mul3A_776 = arith.constant 5.120000e+02 : f32
    %mul3A_777 = vector.broadcast %mul3A_776 : f32 to vector<16xf32>
    %mul3A_778 = arith.mulf %sub3A_775, %mul3A_777 : vector<16xf32>
    %convert_element_type3A_779 = arith.fptosi %mul3A_778 : vector<16xf32> to vector<16xi32>
    %max3A_780 = arith.constant 0 : i32
    %max3A_781 = vector.broadcast %max3A_780 : i32 to vector<16xi32>
    %max3A_782 = arith.maxsi %convert_element_type3A_779, %max3A_781 : vector<16xi32>
    %min3A_783 = arith.constant 512 : i32
    %min3A_784 = vector.broadcast %min3A_783 : i32 to vector<16xi32>
    %min3A_785 = arith.minsi %max3A_782, %min3A_784 : vector<16xi32>
    %mul3A_786 = arith.muli %min3A_769, %select_n3A : vector<16xi32>
    %mul3A_787 = arith.muli %min3A_785, %select_n3A : vector<16xi32>
    %broadcast_in_dim3A_788 = vector.shape_cast %xor3A_6 : vector<16xi32> to vector<16x1xi32>
    %gather3A_789 = vector.shape_cast %broadcast_in_dim3A_788 : vector<16x1xi32> to vector<16xi32>
    %gather3A_790 = tpu.dynamic_gather %mul3A_786[%gather3A_789] in [0] : vector<16xi32>, vector<16xi32> -> vector<16xi32>
    %add3A_791 = arith.addi %mul3A_786, %gather3A_790 : vector<16xi32>
    %broadcast_in_dim3A_792 = vector.shape_cast %xor3A_6 : vector<16xi32> to vector<16x1xi32>
    %gather3A_793 = vector.shape_cast %broadcast_in_dim3A_792 : vector<16x1xi32> to vector<16xi32>
    %gather3A_794 = tpu.dynamic_gather %mul3A_787[%gather3A_793] in [0] : vector<16xi32>, vector<16xi32> -> vector<16xi32>
    %add3A_795 = arith.addi %mul3A_787, %gather3A_794 : vector<16xi32>
    %lt3A_796 = arith.constant 8 : i32
    %lt3A_797 = vector.broadcast %lt3A_796 : i32 to vector<16xi32>
    %lt3A_798 = arith.cmpi slt, %iota3A, %lt3A_797 : vector<16xi32>
    %broadcast_in_dim3A_799 = vector.shape_cast %and3A_11 : vector<16xi32> to vector<16x1xi32>
    %gather3A_800 = vector.shape_cast %broadcast_in_dim3A_799 : vector<16x1xi32> to vector<16xi32>
    %gather3A_801 = tpu.dynamic_gather %add3A_791[%gather3A_800] in [0] : vector<16xi32>, vector<16xi32> -> vector<16xi32>
    %broadcast_in_dim3A_802 = vector.shape_cast %and3A_11 : vector<16xi32> to vector<16x1xi32>
    %gather3A_803 = vector.shape_cast %broadcast_in_dim3A_802 : vector<16x1xi32> to vector<16xi32>
    %gather3A_804 = tpu.dynamic_gather %add3A_795[%gather3A_803] in [0] : vector<16xi32>, vector<16xi32> -> vector<16xi32>
    %select_n3A_805 = arith.select %lt3A_798, %gather3A_801, %gather3A_804 : vector<16xi1>, vector<16xi32>
    %min3A_806 = arith.constant 262143 : i32
    %min3A_807 = vector.broadcast %min3A_806 : i32 to vector<16xi32>
    %min3A_808 = arith.minsi %select_n3A_805, %min3A_807 : vector<16xi32>
    %swap3A_809 = arith.constant 1 : i32
    %swap3A_810 = arith.index_cast %swap3A_809 : i32 to index
    %swap3A_811 = arith.constant 48 : index
    %swap3A_812 = tpu.vector_load %arg6[%swap3A_810, %swap3A_811] {strides = array<i32>} : memref<4x128xi32, #tpu.memory_space<vmem>>, vector<1x16xi32>,
    %swap3A_813 = vector.shape_cast %swap3A_812 : vector<1x16xi32> to vector<16xi32>
    %swap3A_814 = vector.shape_cast %min3A_808 : vector<16xi32> to vector<1x16xi32>
    tpu.vector_store %arg6[%swap3A_810, %swap3A_811], %swap3A_814 {strides = array<i32>} : memref<4x128xi32, #tpu.memory_space<vmem>>, vector<1x16xi32>,
    %get3A_815 = arith.constant 384 : index
    %get3A_816 = tpu.vector_load %arg5[%get3A_815] {strides = array<i32>} : memref<1024xf32, #tpu.memory_space<vmem>>, vector<16xf32>,
    %get3A_817 = vector.shape_cast %get3A_816 : vector<16xf32> to vector<16xf32>
    %get3A_818 = arith.constant 400 : index
    %get3A_819 = tpu.vector_load %arg5[%get3A_818] {strides = array<i32>} : memref<1024xf32, #tpu.memory_space<vmem>>, vector<16xf32>,
    %get3A_820 = vector.shape_cast %get3A_819 : vector<16xf32> to vector<16xf32>
    %mul3A_821 = arith.constant 1.020000e+00 : f32
    %mul3A_822 = vector.broadcast %mul3A_821 : f32 to vector<16xf32>
    %mul3A_823 = arith.mulf %get3A_817, %mul3A_822 : vector<16xf32>
    %sub3A_824 = arith.constant 0.00999999977 : f32
    %sub3A_825 = vector.broadcast %sub3A_824 : f32 to vector<16xf32>
    %sub3A_826 = arith.subf %mul3A_823, %sub3A_825 : vector<16xf32>
    %mul3A_827 = arith.constant 5.120000e+02 : f32
    %mul3A_828 = vector.broadcast %mul3A_827 : f32 to vector<16xf32>
    %mul3A_829 = arith.mulf %sub3A_826, %mul3A_828 : vector<16xf32>
    %convert_element_type3A_830 = arith.fptosi %mul3A_829 : vector<16xf32> to vector<16xi32>
    %max3A_831 = arith.constant 0 : i32
    %max3A_832 = vector.broadcast %max3A_831 : i32 to vector<16xi32>
    %max3A_833 = arith.maxsi %convert_element_type3A_830, %max3A_832 : vector<16xi32>
    %min3A_834 = arith.constant 512 : i32
    %min3A_835 = vector.broadcast %min3A_834 : i32 to vector<16xi32>
    %min3A_836 = arith.minsi %max3A_833, %min3A_835 : vector<16xi32>
    %mul3A_837 = arith.constant 1.020000e+00 : f32
    %mul3A_838 = vector.broadcast %mul3A_837 : f32 to vector<16xf32>
    %mul3A_839 = arith.mulf %get3A_820, %mul3A_838 : vector<16xf32>
    %sub3A_840 = arith.constant 0.00999999977 : f32
    %sub3A_841 = vector.broadcast %sub3A_840 : f32 to vector<16xf32>
    %sub3A_842 = arith.subf %mul3A_839, %sub3A_841 : vector<16xf32>
    %mul3A_843 = arith.constant 5.120000e+02 : f32
    %mul3A_844 = vector.broadcast %mul3A_843 : f32 to vector<16xf32>
    %mul3A_845 = arith.mulf %sub3A_842, %mul3A_844 : vector<16xf32>
    %convert_element_type3A_846 = arith.fptosi %mul3A_845 : vector<16xf32> to vector<16xi32>
    %max3A_847 = arith.constant 0 : i32
    %max3A_848 = vector.broadcast %max3A_847 : i32 to vector<16xi32>
    %max3A_849 = arith.maxsi %convert_element_type3A_846, %max3A_848 : vector<16xi32>
    %min3A_850 = arith.constant 512 : i32
    %min3A_851 = vector.broadcast %min3A_850 : i32 to vector<16xi32>
    %min3A_852 = arith.minsi %max3A_849, %min3A_851 : vector<16xi32>
    %mul3A_853 = arith.muli %min3A_836, %select_n3A : vector<16xi32>
    %mul3A_854 = arith.muli %min3A_852, %select_n3A : vector<16xi32>
    %broadcast_in_dim3A_855 = vector.shape_cast %xor3A_6 : vector<16xi32> to vector<16x1xi32>
    %gather3A_856 = vector.shape_cast %broadcast_in_dim3A_855 : vector<16x1xi32> to vector<16xi32>
    %gather3A_857 = tpu.dynamic_gather %mul3A_853[%gather3A_856] in [0] : vector<16xi32>, vector<16xi32> -> vector<16xi32>
    %add3A_858 = arith.addi %mul3A_853, %gather3A_857 : vector<16xi32>
    %broadcast_in_dim3A_859 = vector.shape_cast %xor3A_6 : vector<16xi32> to vector<16x1xi32>
    %gather3A_860 = vector.shape_cast %broadcast_in_dim3A_859 : vector<16x1xi32> to vector<16xi32>
    %gather3A_861 = tpu.dynamic_gather %mul3A_854[%gather3A_860] in [0] : vector<16xi32>, vector<16xi32> -> vector<16xi32>
    %add3A_862 = arith.addi %mul3A_854, %gather3A_861 : vector<16xi32>
    %lt3A_863 = arith.constant 8 : i32
    %lt3A_864 = vector.broadcast %lt3A_863 : i32 to vector<16xi32>
    %lt3A_865 = arith.cmpi slt, %iota3A, %lt3A_864 : vector<16xi32>
    %broadcast_in_dim3A_866 = vector.shape_cast %and3A_11 : vector<16xi32> to vector<16x1xi32>
    %gather3A_867 = vector.shape_cast %broadcast_in_dim3A_866 : vector<16x1xi32> to vector<16xi32>
    %gather3A_868 = tpu.dynamic_gather %add3A_858[%gather3A_867] in [0] : vector<16xi32>, vector<16xi32> -> vector<16xi32>
    %broadcast_in_dim3A_869 = vector.shape_cast %and3A_11 : vector<16xi32> to vector<16x1xi32>
    %gather3A_870 = vector.shape_cast %broadcast_in_dim3A_869 : vector<16x1xi32> to vector<16xi32>
    %gather3A_871 = tpu.dynamic_gather %add3A_862[%gather3A_870] in [0] : vector<16xi32>, vector<16xi32> -> vector<16xi32>
    %select_n3A_872 = arith.select %lt3A_865, %gather3A_868, %gather3A_871 : vector<16xi1>, vector<16xi32>
    %min3A_873 = arith.constant 262143 : i32
    %min3A_874 = vector.broadcast %min3A_873 : i32 to vector<16xi32>
    %min3A_875 = arith.minsi %select_n3A_872, %min3A_874 : vector<16xi32>
    %swap3A_876 = arith.constant 1 : i32
    %swap3A_877 = arith.index_cast %swap3A_876 : i32 to index
    %swap3A_878 = arith.constant 64 : index
    %swap3A_879 = tpu.vector_load %arg6[%swap3A_877, %swap3A_878] {strides = array<i32>} : memref<4x128xi32, #tpu.memory_space<vmem>>, vector<1x16xi32>,
    %swap3A_880 = vector.shape_cast %swap3A_879 : vector<1x16xi32> to vector<16xi32>
    %swap3A_881 = vector.shape_cast %min3A_875 : vector<16xi32> to vector<1x16xi32>
    tpu.vector_store %arg6[%swap3A_877, %swap3A_878], %swap3A_881 {strides = array<i32>} : memref<4x128xi32, #tpu.memory_space<vmem>>, vector<1x16xi32>,
    %get3A_882 = arith.constant 416 : index
    %get3A_883 = tpu.vector_load %arg5[%get3A_882] {strides = array<i32>} : memref<1024xf32, #tpu.memory_space<vmem>>, vector<16xf32>,
    %get3A_884 = vector.shape_cast %get3A_883 : vector<16xf32> to vector<16xf32>
    %get3A_885 = arith.constant 432 : index
    %get3A_886 = tpu.vector_load %arg5[%get3A_885] {strides = array<i32>} : memref<1024xf32, #tpu.memory_space<vmem>>, vector<16xf32>,
    %get3A_887 = vector.shape_cast %get3A_886 : vector<16xf32> to vector<16xf32>
    %mul3A_888 = arith.constant 1.020000e+00 : f32
    %mul3A_889 = vector.broadcast %mul3A_888 : f32 to vector<16xf32>
    %mul3A_890 = arith.mulf %get3A_884, %mul3A_889 : vector<16xf32>
    %sub3A_891 = arith.constant 0.00999999977 : f32
    %sub3A_892 = vector.broadcast %sub3A_891 : f32 to vector<16xf32>
    %sub3A_893 = arith.subf %mul3A_890, %sub3A_892 : vector<16xf32>
    %mul3A_894 = arith.constant 5.120000e+02 : f32
    %mul3A_895 = vector.broadcast %mul3A_894 : f32 to vector<16xf32>
    %mul3A_896 = arith.mulf %sub3A_893, %mul3A_895 : vector<16xf32>
    %convert_element_type3A_897 = arith.fptosi %mul3A_896 : vector<16xf32> to vector<16xi32>
    %max3A_898 = arith.constant 0 : i32
    %max3A_899 = vector.broadcast %max3A_898 : i32 to vector<16xi32>
    %max3A_900 = arith.maxsi %convert_element_type3A_897, %max3A_899 : vector<16xi32>
    %min3A_901 = arith.constant 512 : i32
    %min3A_902 = vector.broadcast %min3A_901 : i32 to vector<16xi32>
    %min3A_903 = arith.minsi %max3A_900, %min3A_902 : vector<16xi32>
    %mul3A_904 = arith.constant 1.020000e+00 : f32
    %mul3A_905 = vector.broadcast %mul3A_904 : f32 to vector<16xf32>
    %mul3A_906 = arith.mulf %get3A_887, %mul3A_905 : vector<16xf32>
    %sub3A_907 = arith.constant 0.00999999977 : f32
    %sub3A_908 = vector.broadcast %sub3A_907 : f32 to vector<16xf32>
    %sub3A_909 = arith.subf %mul3A_906, %sub3A_908 : vector<16xf32>
    %mul3A_910 = arith.constant 5.120000e+02 : f32
    %mul3A_911 = vector.broadcast %mul3A_910 : f32 to vector<16xf32>
    %mul3A_912 = arith.mulf %sub3A_909, %mul3A_911 : vector<16xf32>
    %convert_element_type3A_913 = arith.fptosi %mul3A_912 : vector<16xf32> to vector<16xi32>
    %max3A_914 = arith.constant 0 : i32
    %max3A_915 = vector.broadcast %max3A_914 : i32 to vector<16xi32>
    %max3A_916 = arith.maxsi %convert_element_type3A_913, %max3A_915 : vector<16xi32>
    %min3A_917 = arith.constant 512 : i32
    %min3A_918 = vector.broadcast %min3A_917 : i32 to vector<16xi32>
    %min3A_919 = arith.minsi %max3A_916, %min3A_918 : vector<16xi32>
    %mul3A_920 = arith.muli %min3A_903, %select_n3A : vector<16xi32>
    %mul3A_921 = arith.muli %min3A_919, %select_n3A : vector<16xi32>
    %broadcast_in_dim3A_922 = vector.shape_cast %xor3A_6 : vector<16xi32> to vector<16x1xi32>
    %gather3A_923 = vector.shape_cast %broadcast_in_dim3A_922 : vector<16x1xi32> to vector<16xi32>
    %gather3A_924 = tpu.dynamic_gather %mul3A_920[%gather3A_923] in [0] : vector<16xi32>, vector<16xi32> -> vector<16xi32>
    %add3A_925 = arith.addi %mul3A_920, %gather3A_924 : vector<16xi32>
    %broadcast_in_dim3A_926 = vector.shape_cast %xor3A_6 : vector<16xi32> to vector<16x1xi32>
    %gather3A_927 = vector.shape_cast %broadcast_in_dim3A_926 : vector<16x1xi32> to vector<16xi32>
    %gather3A_928 = tpu.dynamic_gather %mul3A_921[%gather3A_927] in [0] : vector<16xi32>, vector<16xi32> -> vector<16xi32>
    %add3A_929 = arith.addi %mul3A_921, %gather3A_928 : vector<16xi32>
    %lt3A_930 = arith.constant 8 : i32
    %lt3A_931 = vector.broadcast %lt3A_930 : i32 to vector<16xi32>
    %lt3A_932 = arith.cmpi slt, %iota3A, %lt3A_931 : vector<16xi32>
    %broadcast_in_dim3A_933 = vector.shape_cast %and3A_11 : vector<16xi32> to vector<16x1xi32>
    %gather3A_934 = vector.shape_cast %broadcast_in_dim3A_933 : vector<16x1xi32> to vector<16xi32>
    %gather3A_935 = tpu.dynamic_gather %add3A_925[%gather3A_934] in [0] : vector<16xi32>, vector<16xi32> -> vector<16xi32>
    %broadcast_in_dim3A_936 = vector.shape_cast %and3A_11 : vector<16xi32> to vector<16x1xi32>
    %gather3A_937 = vector.shape_cast %broadcast_in_dim3A_936 : vector<16x1xi32> to vector<16xi32>
    %gather3A_938 = tpu.dynamic_gather %add3A_929[%gather3A_937] in [0] : vector<16xi32>, vector<16xi32> -> vector<16xi32>
    %select_n3A_939 = arith.select %lt3A_932, %gather3A_935, %gather3A_938 : vector<16xi1>, vector<16xi32>
    %min3A_940 = arith.constant 262143 : i32
    %min3A_941 = vector.broadcast %min3A_940 : i32 to vector<16xi32>
    %min3A_942 = arith.minsi %select_n3A_939, %min3A_941 : vector<16xi32>
    %swap3A_943 = arith.constant 1 : i32
    %swap3A_944 = arith.index_cast %swap3A_943 : i32 to index
    %swap3A_945 = arith.constant 80 : index
    %swap3A_946 = tpu.vector_load %arg6[%swap3A_944, %swap3A_945] {strides = array<i32>} : memref<4x128xi32, #tpu.memory_space<vmem>>, vector<1x16xi32>,
    %swap3A_947 = vector.shape_cast %swap3A_946 : vector<1x16xi32> to vector<16xi32>
    %swap3A_948 = vector.shape_cast %min3A_942 : vector<16xi32> to vector<1x16xi32>
    tpu.vector_store %arg6[%swap3A_944, %swap3A_945], %swap3A_948 {strides = array<i32>} : memref<4x128xi32, #tpu.memory_space<vmem>>, vector<1x16xi32>,
    %get3A_949 = arith.constant 448 : index
    %get3A_950 = tpu.vector_load %arg5[%get3A_949] {strides = array<i32>} : memref<1024xf32, #tpu.memory_space<vmem>>, vector<16xf32>,
    %get3A_951 = vector.shape_cast %get3A_950 : vector<16xf32> to vector<16xf32>
    %get3A_952 = arith.constant 464 : index
    %get3A_953 = tpu.vector_load %arg5[%get3A_952] {strides = array<i32>} : memref<1024xf32, #tpu.memory_space<vmem>>, vector<16xf32>,
    %get3A_954 = vector.shape_cast %get3A_953 : vector<16xf32> to vector<16xf32>
    %mul3A_955 = arith.constant 1.020000e+00 : f32
    %mul3A_956 = vector.broadcast %mul3A_955 : f32 to vector<16xf32>
    %mul3A_957 = arith.mulf %get3A_951, %mul3A_956 : vector<16xf32>
    %sub3A_958 = arith.constant 0.00999999977 : f32
    %sub3A_959 = vector.broadcast %sub3A_958 : f32 to vector<16xf32>
    %sub3A_960 = arith.subf %mul3A_957, %sub3A_959 : vector<16xf32>
    %mul3A_961 = arith.constant 5.120000e+02 : f32
    %mul3A_962 = vector.broadcast %mul3A_961 : f32 to vector<16xf32>
    %mul3A_963 = arith.mulf %sub3A_960, %mul3A_962 : vector<16xf32>
    %convert_element_type3A_964 = arith.fptosi %mul3A_963 : vector<16xf32> to vector<16xi32>
    %max3A_965 = arith.constant 0 : i32
    %max3A_966 = vector.broadcast %max3A_965 : i32 to vector<16xi32>
    %max3A_967 = arith.maxsi %convert_element_type3A_964, %max3A_966 : vector<16xi32>
    %min3A_968 = arith.constant 512 : i32
    %min3A_969 = vector.broadcast %min3A_968 : i32 to vector<16xi32>
    %min3A_970 = arith.minsi %max3A_967, %min3A_969 : vector<16xi32>
    %mul3A_971 = arith.constant 1.020000e+00 : f32
    %mul3A_972 = vector.broadcast %mul3A_971 : f32 to vector<16xf32>
    %mul3A_973 = arith.mulf %get3A_954, %mul3A_972 : vector<16xf32>
    %sub3A_974 = arith.constant 0.00999999977 : f32
    %sub3A_975 = vector.broadcast %sub3A_974 : f32 to vector<16xf32>
    %sub3A_976 = arith.subf %mul3A_973, %sub3A_975 : vector<16xf32>
    %mul3A_977 = arith.constant 5.120000e+02 : f32
    %mul3A_978 = vector.broadcast %mul3A_977 : f32 to vector<16xf32>
    %mul3A_979 = arith.mulf %sub3A_976, %mul3A_978 : vector<16xf32>
    %convert_element_type3A_980 = arith.fptosi %mul3A_979 : vector<16xf32> to vector<16xi32>
    %max3A_981 = arith.constant 0 : i32
    %max3A_982 = vector.broadcast %max3A_981 : i32 to vector<16xi32>
    %max3A_983 = arith.maxsi %convert_element_type3A_980, %max3A_982 : vector<16xi32>
    %min3A_984 = arith.constant 512 : i32
    %min3A_985 = vector.broadcast %min3A_984 : i32 to vector<16xi32>
    %min3A_986 = arith.minsi %max3A_983, %min3A_985 : vector<16xi32>
    %mul3A_987 = arith.muli %min3A_970, %select_n3A : vector<16xi32>
    %mul3A_988 = arith.muli %min3A_986, %select_n3A : vector<16xi32>
    %broadcast_in_dim3A_989 = vector.shape_cast %xor3A_6 : vector<16xi32> to vector<16x1xi32>
    %gather3A_990 = vector.shape_cast %broadcast_in_dim3A_989 : vector<16x1xi32> to vector<16xi32>
    %gather3A_991 = tpu.dynamic_gather %mul3A_987[%gather3A_990] in [0] : vector<16xi32>, vector<16xi32> -> vector<16xi32>
    %add3A_992 = arith.addi %mul3A_987, %gather3A_991 : vector<16xi32>
    %broadcast_in_dim3A_993 = vector.shape_cast %xor3A_6 : vector<16xi32> to vector<16x1xi32>
    %gather3A_994 = vector.shape_cast %broadcast_in_dim3A_993 : vector<16x1xi32> to vector<16xi32>
    %gather3A_995 = tpu.dynamic_gather %mul3A_988[%gather3A_994] in [0] : vector<16xi32>, vector<16xi32> -> vector<16xi32>
    %add3A_996 = arith.addi %mul3A_988, %gather3A_995 : vector<16xi32>
    %lt3A_997 = arith.constant 8 : i32
    %lt3A_998 = vector.broadcast %lt3A_997 : i32 to vector<16xi32>
    %lt3A_999 = arith.cmpi slt, %iota3A, %lt3A_998 : vector<16xi32>
    %broadcast_in_dim3A_1000 = vector.shape_cast %and3A_11 : vector<16xi32> to vector<16x1xi32>
    %gather3A_1001 = vector.shape_cast %broadcast_in_dim3A_1000 : vector<16x1xi32> to vector<16xi32>
    %gather3A_1002 = tpu.dynamic_gather %add3A_992[%gather3A_1001] in [0] : vector<16xi32>, vector<16xi32> -> vector<16xi32>
    %broadcast_in_dim3A_1003 = vector.shape_cast %and3A_11 : vector<16xi32> to vector<16x1xi32>
    %gather3A_1004 = vector.shape_cast %broadcast_in_dim3A_1003 : vector<16x1xi32> to vector<16xi32>
    %gather3A_1005 = tpu.dynamic_gather %add3A_996[%gather3A_1004] in [0] : vector<16xi32>, vector<16xi32> -> vector<16xi32>
    %select_n3A_1006 = arith.select %lt3A_999, %gather3A_1002, %gather3A_1005 : vector<16xi1>, vector<16xi32>
    %min3A_1007 = arith.constant 262143 : i32
    %min3A_1008 = vector.broadcast %min3A_1007 : i32 to vector<16xi32>
    %min3A_1009 = arith.minsi %select_n3A_1006, %min3A_1008 : vector<16xi32>
    %swap3A_1010 = arith.constant 1 : i32
    %swap3A_1011 = arith.index_cast %swap3A_1010 : i32 to index
    %swap3A_1012 = arith.constant 96 : index
    %swap3A_1013 = tpu.vector_load %arg6[%swap3A_1011, %swap3A_1012] {strides = array<i32>} : memref<4x128xi32, #tpu.memory_space<vmem>>, vector<1x16xi32>,
    %swap3A_1014 = vector.shape_cast %swap3A_1013 : vector<1x16xi32> to vector<16xi32>
    %swap3A_1015 = vector.shape_cast %min3A_1009 : vector<16xi32> to vector<1x16xi32>
    tpu.vector_store %arg6[%swap3A_1011, %swap3A_1012], %swap3A_1015 {strides = array<i32>} : memref<4x128xi32, #tpu.memory_space<vmem>>, vector<1x16xi32>,
    %get3A_1016 = arith.constant 480 : index
    %get3A_1017 = tpu.vector_load %arg5[%get3A_1016] {strides = array<i32>} : memref<1024xf32, #tpu.memory_space<vmem>>, vector<16xf32>,
    %get3A_1018 = vector.shape_cast %get3A_1017 : vector<16xf32> to vector<16xf32>
    %get3A_1019 = arith.constant 496 : index
    %get3A_1020 = tpu.vector_load %arg5[%get3A_1019] {strides = array<i32>} : memref<1024xf32, #tpu.memory_space<vmem>>, vector<16xf32>,
    %get3A_1021 = vector.shape_cast %get3A_1020 : vector<16xf32> to vector<16xf32>
    %mul3A_1022 = arith.constant 1.020000e+00 : f32
    %mul3A_1023 = vector.broadcast %mul3A_1022 : f32 to vector<16xf32>
    %mul3A_1024 = arith.mulf %get3A_1018, %mul3A_1023 : vector<16xf32>
    %sub3A_1025 = arith.constant 0.00999999977 : f32
    %sub3A_1026 = vector.broadcast %sub3A_1025 : f32 to vector<16xf32>
    %sub3A_1027 = arith.subf %mul3A_1024, %sub3A_1026 : vector<16xf32>
    %mul3A_1028 = arith.constant 5.120000e+02 : f32
    %mul3A_1029 = vector.broadcast %mul3A_1028 : f32 to vector<16xf32>
    %mul3A_1030 = arith.mulf %sub3A_1027, %mul3A_1029 : vector<16xf32>
    %convert_element_type3A_1031 = arith.fptosi %mul3A_1030 : vector<16xf32> to vector<16xi32>
    %max3A_1032 = arith.constant 0 : i32
    %max3A_1033 = vector.broadcast %max3A_1032 : i32 to vector<16xi32>
    %max3A_1034 = arith.maxsi %convert_element_type3A_1031, %max3A_1033 : vector<16xi32>
    %min3A_1035 = arith.constant 512 : i32
    %min3A_1036 = vector.broadcast %min3A_1035 : i32 to vector<16xi32>
    %min3A_1037 = arith.minsi %max3A_1034, %min3A_1036 : vector<16xi32>
    %mul3A_1038 = arith.constant 1.020000e+00 : f32
    %mul3A_1039 = vector.broadcast %mul3A_1038 : f32 to vector<16xf32>
    %mul3A_1040 = arith.mulf %get3A_1021, %mul3A_1039 : vector<16xf32>
    %sub3A_1041 = arith.constant 0.00999999977 : f32
    %sub3A_1042 = vector.broadcast %sub3A_1041 : f32 to vector<16xf32>
    %sub3A_1043 = arith.subf %mul3A_1040, %sub3A_1042 : vector<16xf32>
    %mul3A_1044 = arith.constant 5.120000e+02 : f32
    %mul3A_1045 = vector.broadcast %mul3A_1044 : f32 to vector<16xf32>
    %mul3A_1046 = arith.mulf %sub3A_1043, %mul3A_1045 : vector<16xf32>
    %convert_element_type3A_1047 = arith.fptosi %mul3A_1046 : vector<16xf32> to vector<16xi32>
    %max3A_1048 = arith.constant 0 : i32
    %max3A_1049 = vector.broadcast %max3A_1048 : i32 to vector<16xi32>
    %max3A_1050 = arith.maxsi %convert_element_type3A_1047, %max3A_1049 : vector<16xi32>
    %min3A_1051 = arith.constant 512 : i32
    %min3A_1052 = vector.broadcast %min3A_1051 : i32 to vector<16xi32>
    %min3A_1053 = arith.minsi %max3A_1050, %min3A_1052 : vector<16xi32>
    %mul3A_1054 = arith.muli %min3A_1037, %select_n3A : vector<16xi32>
    %mul3A_1055 = arith.muli %min3A_1053, %select_n3A : vector<16xi32>
    %broadcast_in_dim3A_1056 = vector.shape_cast %xor3A_6 : vector<16xi32> to vector<16x1xi32>
    %gather3A_1057 = vector.shape_cast %broadcast_in_dim3A_1056 : vector<16x1xi32> to vector<16xi32>
    %gather3A_1058 = tpu.dynamic_gather %mul3A_1054[%gather3A_1057] in [0] : vector<16xi32>, vector<16xi32> -> vector<16xi32>
    %add3A_1059 = arith.addi %mul3A_1054, %gather3A_1058 : vector<16xi32>
    %broadcast_in_dim3A_1060 = vector.shape_cast %xor3A_6 : vector<16xi32> to vector<16x1xi32>
    %gather3A_1061 = vector.shape_cast %broadcast_in_dim3A_1060 : vector<16x1xi32> to vector<16xi32>
    %gather3A_1062 = tpu.dynamic_gather %mul3A_1055[%gather3A_1061] in [0] : vector<16xi32>, vector<16xi32> -> vector<16xi32>
    %add3A_1063 = arith.addi %mul3A_1055, %gather3A_1062 : vector<16xi32>
    %lt3A_1064 = arith.constant 8 : i32
    %lt3A_1065 = vector.broadcast %lt3A_1064 : i32 to vector<16xi32>
    %lt3A_1066 = arith.cmpi slt, %iota3A, %lt3A_1065 : vector<16xi32>
    %broadcast_in_dim3A_1067 = vector.shape_cast %and3A_11 : vector<16xi32> to vector<16x1xi32>
    %gather3A_1068 = vector.shape_cast %broadcast_in_dim3A_1067 : vector<16x1xi32> to vector<16xi32>
    %gather3A_1069 = tpu.dynamic_gather %add3A_1059[%gather3A_1068] in [0] : vector<16xi32>, vector<16xi32> -> vector<16xi32>
    %broadcast_in_dim3A_1070 = vector.shape_cast %and3A_11 : vector<16xi32> to vector<16x1xi32>
    %gather3A_1071 = vector.shape_cast %broadcast_in_dim3A_1070 : vector<16x1xi32> to vector<16xi32>
    %gather3A_1072 = tpu.dynamic_gather %add3A_1063[%gather3A_1071] in [0] : vector<16xi32>, vector<16xi32> -> vector<16xi32>
    %select_n3A_1073 = arith.select %lt3A_1066, %gather3A_1069, %gather3A_1072 : vector<16xi1>, vector<16xi32>
    %min3A_1074 = arith.constant 262143 : i32
    %min3A_1075 = vector.broadcast %min3A_1074 : i32 to vector<16xi32>
    %min3A_1076 = arith.minsi %select_n3A_1073, %min3A_1075 : vector<16xi32>
    %swap3A_1077 = arith.constant 1 : i32
    %swap3A_1078 = arith.index_cast %swap3A_1077 : i32 to index
    %swap3A_1079 = arith.constant 112 : index
    %swap3A_1080 = tpu.vector_load %arg6[%swap3A_1078, %swap3A_1079] {strides = array<i32>} : memref<4x128xi32, #tpu.memory_space<vmem>>, vector<1x16xi32>,
    %swap3A_1081 = vector.shape_cast %swap3A_1080 : vector<1x16xi32> to vector<16xi32>
    %swap3A_1082 = vector.shape_cast %min3A_1076 : vector<16xi32> to vector<1x16xi32>
    tpu.vector_store %arg6[%swap3A_1078, %swap3A_1079], %swap3A_1082 {strides = array<i32>} : memref<4x128xi32, #tpu.memory_space<vmem>>, vector<1x16xi32>,
    %get3A_1083 = arith.constant 512 : index
    %get3A_1084 = tpu.vector_load %arg5[%get3A_1083] {strides = array<i32>} : memref<1024xf32, #tpu.memory_space<vmem>>, vector<16xf32>,
    %get3A_1085 = vector.shape_cast %get3A_1084 : vector<16xf32> to vector<16xf32>
    %get3A_1086 = arith.constant 528 : index
    %get3A_1087 = tpu.vector_load %arg5[%get3A_1086] {strides = array<i32>} : memref<1024xf32, #tpu.memory_space<vmem>>, vector<16xf32>,
    %get3A_1088 = vector.shape_cast %get3A_1087 : vector<16xf32> to vector<16xf32>
    %mul3A_1089 = arith.constant 1.020000e+00 : f32
    %mul3A_1090 = vector.broadcast %mul3A_1089 : f32 to vector<16xf32>
    %mul3A_1091 = arith.mulf %get3A_1085, %mul3A_1090 : vector<16xf32>
    %sub3A_1092 = arith.constant 0.00999999977 : f32
    %sub3A_1093 = vector.broadcast %sub3A_1092 : f32 to vector<16xf32>
    %sub3A_1094 = arith.subf %mul3A_1091, %sub3A_1093 : vector<16xf32>
    %mul3A_1095 = arith.constant 5.120000e+02 : f32
    %mul3A_1096 = vector.broadcast %mul3A_1095 : f32 to vector<16xf32>
    %mul3A_1097 = arith.mulf %sub3A_1094, %mul3A_1096 : vector<16xf32>
    %convert_element_type3A_1098 = arith.fptosi %mul3A_1097 : vector<16xf32> to vector<16xi32>
    %max3A_1099 = arith.constant 0 : i32
    %max3A_1100 = vector.broadcast %max3A_1099 : i32 to vector<16xi32>
    %max3A_1101 = arith.maxsi %convert_element_type3A_1098, %max3A_1100 : vector<16xi32>
    %min3A_1102 = arith.constant 512 : i32
    %min3A_1103 = vector.broadcast %min3A_1102 : i32 to vector<16xi32>
    %min3A_1104 = arith.minsi %max3A_1101, %min3A_1103 : vector<16xi32>
    %mul3A_1105 = arith.constant 1.020000e+00 : f32
    %mul3A_1106 = vector.broadcast %mul3A_1105 : f32 to vector<16xf32>
    %mul3A_1107 = arith.mulf %get3A_1088, %mul3A_1106 : vector<16xf32>
    %sub3A_1108 = arith.constant 0.00999999977 : f32
    %sub3A_1109 = vector.broadcast %sub3A_1108 : f32 to vector<16xf32>
    %sub3A_1110 = arith.subf %mul3A_1107, %sub3A_1109 : vector<16xf32>
    %mul3A_1111 = arith.constant 5.120000e+02 : f32
    %mul3A_1112 = vector.broadcast %mul3A_1111 : f32 to vector<16xf32>
    %mul3A_1113 = arith.mulf %sub3A_1110, %mul3A_1112 : vector<16xf32>
    %convert_element_type3A_1114 = arith.fptosi %mul3A_1113 : vector<16xf32> to vector<16xi32>
    %max3A_1115 = arith.constant 0 : i32
    %max3A_1116 = vector.broadcast %max3A_1115 : i32 to vector<16xi32>
    %max3A_1117 = arith.maxsi %convert_element_type3A_1114, %max3A_1116 : vector<16xi32>
    %min3A_1118 = arith.constant 512 : i32
    %min3A_1119 = vector.broadcast %min3A_1118 : i32 to vector<16xi32>
    %min3A_1120 = arith.minsi %max3A_1117, %min3A_1119 : vector<16xi32>
    %mul3A_1121 = arith.muli %min3A_1104, %select_n3A : vector<16xi32>
    %mul3A_1122 = arith.muli %min3A_1120, %select_n3A : vector<16xi32>
    %broadcast_in_dim3A_1123 = vector.shape_cast %xor3A_6 : vector<16xi32> to vector<16x1xi32>
    %gather3A_1124 = vector.shape_cast %broadcast_in_dim3A_1123 : vector<16x1xi32> to vector<16xi32>
    %gather3A_1125 = tpu.dynamic_gather %mul3A_1121[%gather3A_1124] in [0] : vector<16xi32>, vector<16xi32> -> vector<16xi32>
    %add3A_1126 = arith.addi %mul3A_1121, %gather3A_1125 : vector<16xi32>
    %broadcast_in_dim3A_1127 = vector.shape_cast %xor3A_6 : vector<16xi32> to vector<16x1xi32>
    %gather3A_1128 = vector.shape_cast %broadcast_in_dim3A_1127 : vector<16x1xi32> to vector<16xi32>
    %gather3A_1129 = tpu.dynamic_gather %mul3A_1122[%gather3A_1128] in [0] : vector<16xi32>, vector<16xi32> -> vector<16xi32>
    %add3A_1130 = arith.addi %mul3A_1122, %gather3A_1129 : vector<16xi32>
    %lt3A_1131 = arith.constant 8 : i32
    %lt3A_1132 = vector.broadcast %lt3A_1131 : i32 to vector<16xi32>
    %lt3A_1133 = arith.cmpi slt, %iota3A, %lt3A_1132 : vector<16xi32>
    %broadcast_in_dim3A_1134 = vector.shape_cast %and3A_11 : vector<16xi32> to vector<16x1xi32>
    %gather3A_1135 = vector.shape_cast %broadcast_in_dim3A_1134 : vector<16x1xi32> to vector<16xi32>
    %gather3A_1136 = tpu.dynamic_gather %add3A_1126[%gather3A_1135] in [0] : vector<16xi32>, vector<16xi32> -> vector<16xi32>
    %broadcast_in_dim3A_1137 = vector.shape_cast %and3A_11 : vector<16xi32> to vector<16x1xi32>
    %gather3A_1138 = vector.shape_cast %broadcast_in_dim3A_1137 : vector<16x1xi32> to vector<16xi32>
    %gather3A_1139 = tpu.dynamic_gather %add3A_1130[%gather3A_1138] in [0] : vector<16xi32>, vector<16xi32> -> vector<16xi32>
    %select_n3A_1140 = arith.select %lt3A_1133, %gather3A_1136, %gather3A_1139 : vector<16xi1>, vector<16xi32>
    %min3A_1141 = arith.constant 262143 : i32
    %min3A_1142 = vector.broadcast %min3A_1141 : i32 to vector<16xi32>
    %min3A_1143 = arith.minsi %select_n3A_1140, %min3A_1142 : vector<16xi32>
    %swap3A_1144 = arith.constant 2 : i32
    %swap3A_1145 = arith.index_cast %swap3A_1144 : i32 to index
    %swap3A_1146 = arith.constant 0 : index
    %swap3A_1147 = tpu.vector_load %arg6[%swap3A_1145, %swap3A_1146] {strides = array<i32>} : memref<4x128xi32, #tpu.memory_space<vmem>>, vector<1x16xi32>,
    %swap3A_1148 = vector.shape_cast %swap3A_1147 : vector<1x16xi32> to vector<16xi32>
    %swap3A_1149 = vector.shape_cast %min3A_1143 : vector<16xi32> to vector<1x16xi32>
    tpu.vector_store %arg6[%swap3A_1145, %swap3A_1146], %swap3A_1149 {strides = array<i32>} : memref<4x128xi32, #tpu.memory_space<vmem>>, vector<1x16xi32>,
    %get3A_1150 = arith.constant 544 : index
    %get3A_1151 = tpu.vector_load %arg5[%get3A_1150] {strides = array<i32>} : memref<1024xf32, #tpu.memory_space<vmem>>, vector<16xf32>,
    %get3A_1152 = vector.shape_cast %get3A_1151 : vector<16xf32> to vector<16xf32>
    %get3A_1153 = arith.constant 560 : index
    %get3A_1154 = tpu.vector_load %arg5[%get3A_1153] {strides = array<i32>} : memref<1024xf32, #tpu.memory_space<vmem>>, vector<16xf32>,
    %get3A_1155 = vector.shape_cast %get3A_1154 : vector<16xf32> to vector<16xf32>
    %mul3A_1156 = arith.constant 1.020000e+00 : f32
    %mul3A_1157 = vector.broadcast %mul3A_1156 : f32 to vector<16xf32>
    %mul3A_1158 = arith.mulf %get3A_1152, %mul3A_1157 : vector<16xf32>
    %sub3A_1159 = arith.constant 0.00999999977 : f32
    %sub3A_1160 = vector.broadcast %sub3A_1159 : f32 to vector<16xf32>
    %sub3A_1161 = arith.subf %mul3A_1158, %sub3A_1160 : vector<16xf32>
    %mul3A_1162 = arith.constant 5.120000e+02 : f32
    %mul3A_1163 = vector.broadcast %mul3A_1162 : f32 to vector<16xf32>
    %mul3A_1164 = arith.mulf %sub3A_1161, %mul3A_1163 : vector<16xf32>
    %convert_element_type3A_1165 = arith.fptosi %mul3A_1164 : vector<16xf32> to vector<16xi32>
    %max3A_1166 = arith.constant 0 : i32
    %max3A_1167 = vector.broadcast %max3A_1166 : i32 to vector<16xi32>
    %max3A_1168 = arith.maxsi %convert_element_type3A_1165, %max3A_1167 : vector<16xi32>
    %min3A_1169 = arith.constant 512 : i32
    %min3A_1170 = vector.broadcast %min3A_1169 : i32 to vector<16xi32>
    %min3A_1171 = arith.minsi %max3A_1168, %min3A_1170 : vector<16xi32>
    %mul3A_1172 = arith.constant 1.020000e+00 : f32
    %mul3A_1173 = vector.broadcast %mul3A_1172 : f32 to vector<16xf32>
    %mul3A_1174 = arith.mulf %get3A_1155, %mul3A_1173 : vector<16xf32>
    %sub3A_1175 = arith.constant 0.00999999977 : f32
    %sub3A_1176 = vector.broadcast %sub3A_1175 : f32 to vector<16xf32>
    %sub3A_1177 = arith.subf %mul3A_1174, %sub3A_1176 : vector<16xf32>
    %mul3A_1178 = arith.constant 5.120000e+02 : f32
    %mul3A_1179 = vector.broadcast %mul3A_1178 : f32 to vector<16xf32>
    %mul3A_1180 = arith.mulf %sub3A_1177, %mul3A_1179 : vector<16xf32>
    %convert_element_type3A_1181 = arith.fptosi %mul3A_1180 : vector<16xf32> to vector<16xi32>
    %max3A_1182 = arith.constant 0 : i32
    %max3A_1183 = vector.broadcast %max3A_1182 : i32 to vector<16xi32>
    %max3A_1184 = arith.maxsi %convert_element_type3A_1181, %max3A_1183 : vector<16xi32>
    %min3A_1185 = arith.constant 512 : i32
    %min3A_1186 = vector.broadcast %min3A_1185 : i32 to vector<16xi32>
    %min3A_1187 = arith.minsi %max3A_1184, %min3A_1186 : vector<16xi32>
    %mul3A_1188 = arith.muli %min3A_1171, %select_n3A : vector<16xi32>
    %mul3A_1189 = arith.muli %min3A_1187, %select_n3A : vector<16xi32>
    %broadcast_in_dim3A_1190 = vector.shape_cast %xor3A_6 : vector<16xi32> to vector<16x1xi32>
    %gather3A_1191 = vector.shape_cast %broadcast_in_dim3A_1190 : vector<16x1xi32> to vector<16xi32>
    %gather3A_1192 = tpu.dynamic_gather %mul3A_1188[%gather3A_1191] in [0] : vector<16xi32>, vector<16xi32> -> vector<16xi32>
    %add3A_1193 = arith.addi %mul3A_1188, %gather3A_1192 : vector<16xi32>
    %broadcast_in_dim3A_1194 = vector.shape_cast %xor3A_6 : vector<16xi32> to vector<16x1xi32>
    %gather3A_1195 = vector.shape_cast %broadcast_in_dim3A_1194 : vector<16x1xi32> to vector<16xi32>
    %gather3A_1196 = tpu.dynamic_gather %mul3A_1189[%gather3A_1195] in [0] : vector<16xi32>, vector<16xi32> -> vector<16xi32>
    %add3A_1197 = arith.addi %mul3A_1189, %gather3A_1196 : vector<16xi32>
    %lt3A_1198 = arith.constant 8 : i32
    %lt3A_1199 = vector.broadcast %lt3A_1198 : i32 to vector<16xi32>
    %lt3A_1200 = arith.cmpi slt, %iota3A, %lt3A_1199 : vector<16xi32>
    %broadcast_in_dim3A_1201 = vector.shape_cast %and3A_11 : vector<16xi32> to vector<16x1xi32>
    %gather3A_1202 = vector.shape_cast %broadcast_in_dim3A_1201 : vector<16x1xi32> to vector<16xi32>
    %gather3A_1203 = tpu.dynamic_gather %add3A_1193[%gather3A_1202] in [0] : vector<16xi32>, vector<16xi32> -> vector<16xi32>
    %broadcast_in_dim3A_1204 = vector.shape_cast %and3A_11 : vector<16xi32> to vector<16x1xi32>
    %gather3A_1205 = vector.shape_cast %broadcast_in_dim3A_1204 : vector<16x1xi32> to vector<16xi32>
    %gather3A_1206 = tpu.dynamic_gather %add3A_1197[%gather3A_1205] in [0] : vector<16xi32>, vector<16xi32> -> vector<16xi32>
    %select_n3A_1207 = arith.select %lt3A_1200, %gather3A_1203, %gather3A_1206 : vector<16xi1>, vector<16xi32>
    %min3A_1208 = arith.constant 262143 : i32
    %min3A_1209 = vector.broadcast %min3A_1208 : i32 to vector<16xi32>
    %min3A_1210 = arith.minsi %select_n3A_1207, %min3A_1209 : vector<16xi32>
    %swap3A_1211 = arith.constant 2 : i32
    %swap3A_1212 = arith.index_cast %swap3A_1211 : i32 to index
    %swap3A_1213 = arith.constant 16 : index
    %swap3A_1214 = tpu.vector_load %arg6[%swap3A_1212, %swap3A_1213] {strides = array<i32>} : memref<4x128xi32, #tpu.memory_space<vmem>>, vector<1x16xi32>,
    %swap3A_1215 = vector.shape_cast %swap3A_1214 : vector<1x16xi32> to vector<16xi32>
    %swap3A_1216 = vector.shape_cast %min3A_1210 : vector<16xi32> to vector<1x16xi32>
    tpu.vector_store %arg6[%swap3A_1212, %swap3A_1213], %swap3A_1216 {strides = array<i32>} : memref<4x128xi32, #tpu.memory_space<vmem>>, vector<1x16xi32>,
    %get3A_1217 = arith.constant 576 : index
    %get3A_1218 = tpu.vector_load %arg5[%get3A_1217] {strides = array<i32>} : memref<1024xf32, #tpu.memory_space<vmem>>, vector<16xf32>,
    %get3A_1219 = vector.shape_cast %get3A_1218 : vector<16xf32> to vector<16xf32>
    %get3A_1220 = arith.constant 592 : index
    %get3A_1221 = tpu.vector_load %arg5[%get3A_1220] {strides = array<i32>} : memref<1024xf32, #tpu.memory_space<vmem>>, vector<16xf32>,
    %get3A_1222 = vector.shape_cast %get3A_1221 : vector<16xf32> to vector<16xf32>
    %mul3A_1223 = arith.constant 1.020000e+00 : f32
    %mul3A_1224 = vector.broadcast %mul3A_1223 : f32 to vector<16xf32>
    %mul3A_1225 = arith.mulf %get3A_1219, %mul3A_1224 : vector<16xf32>
    %sub3A_1226 = arith.constant 0.00999999977 : f32
    %sub3A_1227 = vector.broadcast %sub3A_1226 : f32 to vector<16xf32>
    %sub3A_1228 = arith.subf %mul3A_1225, %sub3A_1227 : vector<16xf32>
    %mul3A_1229 = arith.constant 5.120000e+02 : f32
    %mul3A_1230 = vector.broadcast %mul3A_1229 : f32 to vector<16xf32>
    %mul3A_1231 = arith.mulf %sub3A_1228, %mul3A_1230 : vector<16xf32>
    %convert_element_type3A_1232 = arith.fptosi %mul3A_1231 : vector<16xf32> to vector<16xi32>
    %max3A_1233 = arith.constant 0 : i32
    %max3A_1234 = vector.broadcast %max3A_1233 : i32 to vector<16xi32>
    %max3A_1235 = arith.maxsi %convert_element_type3A_1232, %max3A_1234 : vector<16xi32>
    %min3A_1236 = arith.constant 512 : i32
    %min3A_1237 = vector.broadcast %min3A_1236 : i32 to vector<16xi32>
    %min3A_1238 = arith.minsi %max3A_1235, %min3A_1237 : vector<16xi32>
    %mul3A_1239 = arith.constant 1.020000e+00 : f32
    %mul3A_1240 = vector.broadcast %mul3A_1239 : f32 to vector<16xf32>
    %mul3A_1241 = arith.mulf %get3A_1222, %mul3A_1240 : vector<16xf32>
    %sub3A_1242 = arith.constant 0.00999999977 : f32
    %sub3A_1243 = vector.broadcast %sub3A_1242 : f32 to vector<16xf32>
    %sub3A_1244 = arith.subf %mul3A_1241, %sub3A_1243 : vector<16xf32>
    %mul3A_1245 = arith.constant 5.120000e+02 : f32
    %mul3A_1246 = vector.broadcast %mul3A_1245 : f32 to vector<16xf32>
    %mul3A_1247 = arith.mulf %sub3A_1244, %mul3A_1246 : vector<16xf32>
    %convert_element_type3A_1248 = arith.fptosi %mul3A_1247 : vector<16xf32> to vector<16xi32>
    %max3A_1249 = arith.constant 0 : i32
    %max3A_1250 = vector.broadcast %max3A_1249 : i32 to vector<16xi32>
    %max3A_1251 = arith.maxsi %convert_element_type3A_1248, %max3A_1250 : vector<16xi32>
    %min3A_1252 = arith.constant 512 : i32
    %min3A_1253 = vector.broadcast %min3A_1252 : i32 to vector<16xi32>
    %min3A_1254 = arith.minsi %max3A_1251, %min3A_1253 : vector<16xi32>
    %mul3A_1255 = arith.muli %min3A_1238, %select_n3A : vector<16xi32>
    %mul3A_1256 = arith.muli %min3A_1254, %select_n3A : vector<16xi32>
    %broadcast_in_dim3A_1257 = vector.shape_cast %xor3A_6 : vector<16xi32> to vector<16x1xi32>
    %gather3A_1258 = vector.shape_cast %broadcast_in_dim3A_1257 : vector<16x1xi32> to vector<16xi32>
    %gather3A_1259 = tpu.dynamic_gather %mul3A_1255[%gather3A_1258] in [0] : vector<16xi32>, vector<16xi32> -> vector<16xi32>
    %add3A_1260 = arith.addi %mul3A_1255, %gather3A_1259 : vector<16xi32>
    %broadcast_in_dim3A_1261 = vector.shape_cast %xor3A_6 : vector<16xi32> to vector<16x1xi32>
    %gather3A_1262 = vector.shape_cast %broadcast_in_dim3A_1261 : vector<16x1xi32> to vector<16xi32>
    %gather3A_1263 = tpu.dynamic_gather %mul3A_1256[%gather3A_1262] in [0] : vector<16xi32>, vector<16xi32> -> vector<16xi32>
    %add3A_1264 = arith.addi %mul3A_1256, %gather3A_1263 : vector<16xi32>
    %lt3A_1265 = arith.constant 8 : i32
    %lt3A_1266 = vector.broadcast %lt3A_1265 : i32 to vector<16xi32>
    %lt3A_1267 = arith.cmpi slt, %iota3A, %lt3A_1266 : vector<16xi32>
    %broadcast_in_dim3A_1268 = vector.shape_cast %and3A_11 : vector<16xi32> to vector<16x1xi32>
    %gather3A_1269 = vector.shape_cast %broadcast_in_dim3A_1268 : vector<16x1xi32> to vector<16xi32>
    %gather3A_1270 = tpu.dynamic_gather %add3A_1260[%gather3A_1269] in [0] : vector<16xi32>, vector<16xi32> -> vector<16xi32>
    %broadcast_in_dim3A_1271 = vector.shape_cast %and3A_11 : vector<16xi32> to vector<16x1xi32>
    %gather3A_1272 = vector.shape_cast %broadcast_in_dim3A_1271 : vector<16x1xi32> to vector<16xi32>
    %gather3A_1273 = tpu.dynamic_gather %add3A_1264[%gather3A_1272] in [0] : vector<16xi32>, vector<16xi32> -> vector<16xi32>
    %select_n3A_1274 = arith.select %lt3A_1267, %gather3A_1270, %gather3A_1273 : vector<16xi1>, vector<16xi32>
    %min3A_1275 = arith.constant 262143 : i32
    %min3A_1276 = vector.broadcast %min3A_1275 : i32 to vector<16xi32>
    %min3A_1277 = arith.minsi %select_n3A_1274, %min3A_1276 : vector<16xi32>
    %swap3A_1278 = arith.constant 2 : i32
    %swap3A_1279 = arith.index_cast %swap3A_1278 : i32 to index
    %swap3A_1280 = arith.constant 32 : index
    %swap3A_1281 = tpu.vector_load %arg6[%swap3A_1279, %swap3A_1280] {strides = array<i32>} : memref<4x128xi32, #tpu.memory_space<vmem>>, vector<1x16xi32>,
    %swap3A_1282 = vector.shape_cast %swap3A_1281 : vector<1x16xi32> to vector<16xi32>
    %swap3A_1283 = vector.shape_cast %min3A_1277 : vector<16xi32> to vector<1x16xi32>
    tpu.vector_store %arg6[%swap3A_1279, %swap3A_1280], %swap3A_1283 {strides = array<i32>} : memref<4x128xi32, #tpu.memory_space<vmem>>, vector<1x16xi32>,
    %get3A_1284 = arith.constant 608 : index
    %get3A_1285 = tpu.vector_load %arg5[%get3A_1284] {strides = array<i32>} : memref<1024xf32, #tpu.memory_space<vmem>>, vector<16xf32>,
    %get3A_1286 = vector.shape_cast %get3A_1285 : vector<16xf32> to vector<16xf32>
    %get3A_1287 = arith.constant 624 : index
    %get3A_1288 = tpu.vector_load %arg5[%get3A_1287] {strides = array<i32>} : memref<1024xf32, #tpu.memory_space<vmem>>, vector<16xf32>,
    %get3A_1289 = vector.shape_cast %get3A_1288 : vector<16xf32> to vector<16xf32>
    %mul3A_1290 = arith.constant 1.020000e+00 : f32
    %mul3A_1291 = vector.broadcast %mul3A_1290 : f32 to vector<16xf32>
    %mul3A_1292 = arith.mulf %get3A_1286, %mul3A_1291 : vector<16xf32>
    %sub3A_1293 = arith.constant 0.00999999977 : f32
    %sub3A_1294 = vector.broadcast %sub3A_1293 : f32 to vector<16xf32>
    %sub3A_1295 = arith.subf %mul3A_1292, %sub3A_1294 : vector<16xf32>
    %mul3A_1296 = arith.constant 5.120000e+02 : f32
    %mul3A_1297 = vector.broadcast %mul3A_1296 : f32 to vector<16xf32>
    %mul3A_1298 = arith.mulf %sub3A_1295, %mul3A_1297 : vector<16xf32>
    %convert_element_type3A_1299 = arith.fptosi %mul3A_1298 : vector<16xf32> to vector<16xi32>
    %max3A_1300 = arith.constant 0 : i32
    %max3A_1301 = vector.broadcast %max3A_1300 : i32 to vector<16xi32>
    %max3A_1302 = arith.maxsi %convert_element_type3A_1299, %max3A_1301 : vector<16xi32>
    %min3A_1303 = arith.constant 512 : i32
    %min3A_1304 = vector.broadcast %min3A_1303 : i32 to vector<16xi32>
    %min3A_1305 = arith.minsi %max3A_1302, %min3A_1304 : vector<16xi32>
    %mul3A_1306 = arith.constant 1.020000e+00 : f32
    %mul3A_1307 = vector.broadcast %mul3A_1306 : f32 to vector<16xf32>
    %mul3A_1308 = arith.mulf %get3A_1289, %mul3A_1307 : vector<16xf32>
    %sub3A_1309 = arith.constant 0.00999999977 : f32
    %sub3A_1310 = vector.broadcast %sub3A_1309 : f32 to vector<16xf32>
    %sub3A_1311 = arith.subf %mul3A_1308, %sub3A_1310 : vector<16xf32>
    %mul3A_1312 = arith.constant 5.120000e+02 : f32
    %mul3A_1313 = vector.broadcast %mul3A_1312 : f32 to vector<16xf32>
    %mul3A_1314 = arith.mulf %sub3A_1311, %mul3A_1313 : vector<16xf32>
    %convert_element_type3A_1315 = arith.fptosi %mul3A_1314 : vector<16xf32> to vector<16xi32>
    %max3A_1316 = arith.constant 0 : i32
    %max3A_1317 = vector.broadcast %max3A_1316 : i32 to vector<16xi32>
    %max3A_1318 = arith.maxsi %convert_element_type3A_1315, %max3A_1317 : vector<16xi32>
    %min3A_1319 = arith.constant 512 : i32
    %min3A_1320 = vector.broadcast %min3A_1319 : i32 to vector<16xi32>
    %min3A_1321 = arith.minsi %max3A_1318, %min3A_1320 : vector<16xi32>
    %mul3A_1322 = arith.muli %min3A_1305, %select_n3A : vector<16xi32>
    %mul3A_1323 = arith.muli %min3A_1321, %select_n3A : vector<16xi32>
    %broadcast_in_dim3A_1324 = vector.shape_cast %xor3A_6 : vector<16xi32> to vector<16x1xi32>
    %gather3A_1325 = vector.shape_cast %broadcast_in_dim3A_1324 : vector<16x1xi32> to vector<16xi32>
    %gather3A_1326 = tpu.dynamic_gather %mul3A_1322[%gather3A_1325] in [0] : vector<16xi32>, vector<16xi32> -> vector<16xi32>
    %add3A_1327 = arith.addi %mul3A_1322, %gather3A_1326 : vector<16xi32>
    %broadcast_in_dim3A_1328 = vector.shape_cast %xor3A_6 : vector<16xi32> to vector<16x1xi32>
    %gather3A_1329 = vector.shape_cast %broadcast_in_dim3A_1328 : vector<16x1xi32> to vector<16xi32>
    %gather3A_1330 = tpu.dynamic_gather %mul3A_1323[%gather3A_1329] in [0] : vector<16xi32>, vector<16xi32> -> vector<16xi32>
    %add3A_1331 = arith.addi %mul3A_1323, %gather3A_1330 : vector<16xi32>
    %lt3A_1332 = arith.constant 8 : i32
    %lt3A_1333 = vector.broadcast %lt3A_1332 : i32 to vector<16xi32>
    %lt3A_1334 = arith.cmpi slt, %iota3A, %lt3A_1333 : vector<16xi32>
    %broadcast_in_dim3A_1335 = vector.shape_cast %and3A_11 : vector<16xi32> to vector<16x1xi32>
    %gather3A_1336 = vector.shape_cast %broadcast_in_dim3A_1335 : vector<16x1xi32> to vector<16xi32>
    %gather3A_1337 = tpu.dynamic_gather %add3A_1327[%gather3A_1336] in [0] : vector<16xi32>, vector<16xi32> -> vector<16xi32>
    %broadcast_in_dim3A_1338 = vector.shape_cast %and3A_11 : vector<16xi32> to vector<16x1xi32>
    %gather3A_1339 = vector.shape_cast %broadcast_in_dim3A_1338 : vector<16x1xi32> to vector<16xi32>
    %gather3A_1340 = tpu.dynamic_gather %add3A_1331[%gather3A_1339] in [0] : vector<16xi32>, vector<16xi32> -> vector<16xi32>
    %select_n3A_1341 = arith.select %lt3A_1334, %gather3A_1337, %gather3A_1340 : vector<16xi1>, vector<16xi32>
    %min3A_1342 = arith.constant 262143 : i32
    %min3A_1343 = vector.broadcast %min3A_1342 : i32 to vector<16xi32>
    %min3A_1344 = arith.minsi %select_n3A_1341, %min3A_1343 : vector<16xi32>
    %swap3A_1345 = arith.constant 2 : i32
    %swap3A_1346 = arith.index_cast %swap3A_1345 : i32 to index
    %swap3A_1347 = arith.constant 48 : index
    %swap3A_1348 = tpu.vector_load %arg6[%swap3A_1346, %swap3A_1347] {strides = array<i32>} : memref<4x128xi32, #tpu.memory_space<vmem>>, vector<1x16xi32>,
    %swap3A_1349 = vector.shape_cast %swap3A_1348 : vector<1x16xi32> to vector<16xi32>
    %swap3A_1350 = vector.shape_cast %min3A_1344 : vector<16xi32> to vector<1x16xi32>
    tpu.vector_store %arg6[%swap3A_1346, %swap3A_1347], %swap3A_1350 {strides = array<i32>} : memref<4x128xi32, #tpu.memory_space<vmem>>, vector<1x16xi32>,
    %get3A_1351 = arith.constant 640 : index
    %get3A_1352 = tpu.vector_load %arg5[%get3A_1351] {strides = array<i32>} : memref<1024xf32, #tpu.memory_space<vmem>>, vector<16xf32>,
    %get3A_1353 = vector.shape_cast %get3A_1352 : vector<16xf32> to vector<16xf32>
    %get3A_1354 = arith.constant 656 : index
    %get3A_1355 = tpu.vector_load %arg5[%get3A_1354] {strides = array<i32>} : memref<1024xf32, #tpu.memory_space<vmem>>, vector<16xf32>,
    %get3A_1356 = vector.shape_cast %get3A_1355 : vector<16xf32> to vector<16xf32>
    %mul3A_1357 = arith.constant 1.020000e+00 : f32
    %mul3A_1358 = vector.broadcast %mul3A_1357 : f32 to vector<16xf32>
    %mul3A_1359 = arith.mulf %get3A_1353, %mul3A_1358 : vector<16xf32>
    %sub3A_1360 = arith.constant 0.00999999977 : f32
    %sub3A_1361 = vector.broadcast %sub3A_1360 : f32 to vector<16xf32>
    %sub3A_1362 = arith.subf %mul3A_1359, %sub3A_1361 : vector<16xf32>
    %mul3A_1363 = arith.constant 5.120000e+02 : f32
    %mul3A_1364 = vector.broadcast %mul3A_1363 : f32 to vector<16xf32>
    %mul3A_1365 = arith.mulf %sub3A_1362, %mul3A_1364 : vector<16xf32>
    %convert_element_type3A_1366 = arith.fptosi %mul3A_1365 : vector<16xf32> to vector<16xi32>
    %max3A_1367 = arith.constant 0 : i32
    %max3A_1368 = vector.broadcast %max3A_1367 : i32 to vector<16xi32>
    %max3A_1369 = arith.maxsi %convert_element_type3A_1366, %max3A_1368 : vector<16xi32>
    %min3A_1370 = arith.constant 512 : i32
    %min3A_1371 = vector.broadcast %min3A_1370 : i32 to vector<16xi32>
    %min3A_1372 = arith.minsi %max3A_1369, %min3A_1371 : vector<16xi32>
    %mul3A_1373 = arith.constant 1.020000e+00 : f32
    %mul3A_1374 = vector.broadcast %mul3A_1373 : f32 to vector<16xf32>
    %mul3A_1375 = arith.mulf %get3A_1356, %mul3A_1374 : vector<16xf32>
    %sub3A_1376 = arith.constant 0.00999999977 : f32
    %sub3A_1377 = vector.broadcast %sub3A_1376 : f32 to vector<16xf32>
    %sub3A_1378 = arith.subf %mul3A_1375, %sub3A_1377 : vector<16xf32>
    %mul3A_1379 = arith.constant 5.120000e+02 : f32
    %mul3A_1380 = vector.broadcast %mul3A_1379 : f32 to vector<16xf32>
    %mul3A_1381 = arith.mulf %sub3A_1378, %mul3A_1380 : vector<16xf32>
    %convert_element_type3A_1382 = arith.fptosi %mul3A_1381 : vector<16xf32> to vector<16xi32>
    %max3A_1383 = arith.constant 0 : i32
    %max3A_1384 = vector.broadcast %max3A_1383 : i32 to vector<16xi32>
    %max3A_1385 = arith.maxsi %convert_element_type3A_1382, %max3A_1384 : vector<16xi32>
    %min3A_1386 = arith.constant 512 : i32
    %min3A_1387 = vector.broadcast %min3A_1386 : i32 to vector<16xi32>
    %min3A_1388 = arith.minsi %max3A_1385, %min3A_1387 : vector<16xi32>
    %mul3A_1389 = arith.muli %min3A_1372, %select_n3A : vector<16xi32>
    %mul3A_1390 = arith.muli %min3A_1388, %select_n3A : vector<16xi32>
    %broadcast_in_dim3A_1391 = vector.shape_cast %xor3A_6 : vector<16xi32> to vector<16x1xi32>
    %gather3A_1392 = vector.shape_cast %broadcast_in_dim3A_1391 : vector<16x1xi32> to vector<16xi32>
    %gather3A_1393 = tpu.dynamic_gather %mul3A_1389[%gather3A_1392] in [0] : vector<16xi32>, vector<16xi32> -> vector<16xi32>
    %add3A_1394 = arith.addi %mul3A_1389, %gather3A_1393 : vector<16xi32>
    %broadcast_in_dim3A_1395 = vector.shape_cast %xor3A_6 : vector<16xi32> to vector<16x1xi32>
    %gather3A_1396 = vector.shape_cast %broadcast_in_dim3A_1395 : vector<16x1xi32> to vector<16xi32>
    %gather3A_1397 = tpu.dynamic_gather %mul3A_1390[%gather3A_1396] in [0] : vector<16xi32>, vector<16xi32> -> vector<16xi32>
    %add3A_1398 = arith.addi %mul3A_1390, %gather3A_1397 : vector<16xi32>
    %lt3A_1399 = arith.constant 8 : i32
    %lt3A_1400 = vector.broadcast %lt3A_1399 : i32 to vector<16xi32>
    %lt3A_1401 = arith.cmpi slt, %iota3A, %lt3A_1400 : vector<16xi32>
    %broadcast_in_dim3A_1402 = vector.shape_cast %and3A_11 : vector<16xi32> to vector<16x1xi32>
    %gather3A_1403 = vector.shape_cast %broadcast_in_dim3A_1402 : vector<16x1xi32> to vector<16xi32>
    %gather3A_1404 = tpu.dynamic_gather %add3A_1394[%gather3A_1403] in [0] : vector<16xi32>, vector<16xi32> -> vector<16xi32>
    %broadcast_in_dim3A_1405 = vector.shape_cast %and3A_11 : vector<16xi32> to vector<16x1xi32>
    %gather3A_1406 = vector.shape_cast %broadcast_in_dim3A_1405 : vector<16x1xi32> to vector<16xi32>
    %gather3A_1407 = tpu.dynamic_gather %add3A_1398[%gather3A_1406] in [0] : vector<16xi32>, vector<16xi32> -> vector<16xi32>
    %select_n3A_1408 = arith.select %lt3A_1401, %gather3A_1404, %gather3A_1407 : vector<16xi1>, vector<16xi32>
    %min3A_1409 = arith.constant 262143 : i32
    %min3A_1410 = vector.broadcast %min3A_1409 : i32 to vector<16xi32>
    %min3A_1411 = arith.minsi %select_n3A_1408, %min3A_1410 : vector<16xi32>
    %swap3A_1412 = arith.constant 2 : i32
    %swap3A_1413 = arith.index_cast %swap3A_1412 : i32 to index
    %swap3A_1414 = arith.constant 64 : index
    %swap3A_1415 = tpu.vector_load %arg6[%swap3A_1413, %swap3A_1414] {strides = array<i32>} : memref<4x128xi32, #tpu.memory_space<vmem>>, vector<1x16xi32>,
    %swap3A_1416 = vector.shape_cast %swap3A_1415 : vector<1x16xi32> to vector<16xi32>
    %swap3A_1417 = vector.shape_cast %min3A_1411 : vector<16xi32> to vector<1x16xi32>
    tpu.vector_store %arg6[%swap3A_1413, %swap3A_1414], %swap3A_1417 {strides = array<i32>} : memref<4x128xi32, #tpu.memory_space<vmem>>, vector<1x16xi32>,
    %get3A_1418 = arith.constant 672 : index
    %get3A_1419 = tpu.vector_load %arg5[%get3A_1418] {strides = array<i32>} : memref<1024xf32, #tpu.memory_space<vmem>>, vector<16xf32>,
    %get3A_1420 = vector.shape_cast %get3A_1419 : vector<16xf32> to vector<16xf32>
    %get3A_1421 = arith.constant 688 : index
    %get3A_1422 = tpu.vector_load %arg5[%get3A_1421] {strides = array<i32>} : memref<1024xf32, #tpu.memory_space<vmem>>, vector<16xf32>,
    %get3A_1423 = vector.shape_cast %get3A_1422 : vector<16xf32> to vector<16xf32>
    %mul3A_1424 = arith.constant 1.020000e+00 : f32
    %mul3A_1425 = vector.broadcast %mul3A_1424 : f32 to vector<16xf32>
    %mul3A_1426 = arith.mulf %get3A_1420, %mul3A_1425 : vector<16xf32>
    %sub3A_1427 = arith.constant 0.00999999977 : f32
    %sub3A_1428 = vector.broadcast %sub3A_1427 : f32 to vector<16xf32>
    %sub3A_1429 = arith.subf %mul3A_1426, %sub3A_1428 : vector<16xf32>
    %mul3A_1430 = arith.constant 5.120000e+02 : f32
    %mul3A_1431 = vector.broadcast %mul3A_1430 : f32 to vector<16xf32>
    %mul3A_1432 = arith.mulf %sub3A_1429, %mul3A_1431 : vector<16xf32>
    %convert_element_type3A_1433 = arith.fptosi %mul3A_1432 : vector<16xf32> to vector<16xi32>
    %max3A_1434 = arith.constant 0 : i32
    %max3A_1435 = vector.broadcast %max3A_1434 : i32 to vector<16xi32>
    %max3A_1436 = arith.maxsi %convert_element_type3A_1433, %max3A_1435 : vector<16xi32>
    %min3A_1437 = arith.constant 512 : i32
    %min3A_1438 = vector.broadcast %min3A_1437 : i32 to vector<16xi32>
    %min3A_1439 = arith.minsi %max3A_1436, %min3A_1438 : vector<16xi32>
    %mul3A_1440 = arith.constant 1.020000e+00 : f32
    %mul3A_1441 = vector.broadcast %mul3A_1440 : f32 to vector<16xf32>
    %mul3A_1442 = arith.mulf %get3A_1423, %mul3A_1441 : vector<16xf32>
    %sub3A_1443 = arith.constant 0.00999999977 : f32
    %sub3A_1444 = vector.broadcast %sub3A_1443 : f32 to vector<16xf32>
    %sub3A_1445 = arith.subf %mul3A_1442, %sub3A_1444 : vector<16xf32>
    %mul3A_1446 = arith.constant 5.120000e+02 : f32
    %mul3A_1447 = vector.broadcast %mul3A_1446 : f32 to vector<16xf32>
    %mul3A_1448 = arith.mulf %sub3A_1445, %mul3A_1447 : vector<16xf32>
    %convert_element_type3A_1449 = arith.fptosi %mul3A_1448 : vector<16xf32> to vector<16xi32>
    %max3A_1450 = arith.constant 0 : i32
    %max3A_1451 = vector.broadcast %max3A_1450 : i32 to vector<16xi32>
    %max3A_1452 = arith.maxsi %convert_element_type3A_1449, %max3A_1451 : vector<16xi32>
    %min3A_1453 = arith.constant 512 : i32
    %min3A_1454 = vector.broadcast %min3A_1453 : i32 to vector<16xi32>
    %min3A_1455 = arith.minsi %max3A_1452, %min3A_1454 : vector<16xi32>
    %mul3A_1456 = arith.muli %min3A_1439, %select_n3A : vector<16xi32>
    %mul3A_1457 = arith.muli %min3A_1455, %select_n3A : vector<16xi32>
    %broadcast_in_dim3A_1458 = vector.shape_cast %xor3A_6 : vector<16xi32> to vector<16x1xi32>
    %gather3A_1459 = vector.shape_cast %broadcast_in_dim3A_1458 : vector<16x1xi32> to vector<16xi32>
    %gather3A_1460 = tpu.dynamic_gather %mul3A_1456[%gather3A_1459] in [0] : vector<16xi32>, vector<16xi32> -> vector<16xi32>
    %add3A_1461 = arith.addi %mul3A_1456, %gather3A_1460 : vector<16xi32>
    %broadcast_in_dim3A_1462 = vector.shape_cast %xor3A_6 : vector<16xi32> to vector<16x1xi32>
    %gather3A_1463 = vector.shape_cast %broadcast_in_dim3A_1462 : vector<16x1xi32> to vector<16xi32>
    %gather3A_1464 = tpu.dynamic_gather %mul3A_1457[%gather3A_1463] in [0] : vector<16xi32>, vector<16xi32> -> vector<16xi32>
    %add3A_1465 = arith.addi %mul3A_1457, %gather3A_1464 : vector<16xi32>
    %lt3A_1466 = arith.constant 8 : i32
    %lt3A_1467 = vector.broadcast %lt3A_1466 : i32 to vector<16xi32>
    %lt3A_1468 = arith.cmpi slt, %iota3A, %lt3A_1467 : vector<16xi32>
    %broadcast_in_dim3A_1469 = vector.shape_cast %and3A_11 : vector<16xi32> to vector<16x1xi32>
    %gather3A_1470 = vector.shape_cast %broadcast_in_dim3A_1469 : vector<16x1xi32> to vector<16xi32>
    %gather3A_1471 = tpu.dynamic_gather %add3A_1461[%gather3A_1470] in [0] : vector<16xi32>, vector<16xi32> -> vector<16xi32>
    %broadcast_in_dim3A_1472 = vector.shape_cast %and3A_11 : vector<16xi32> to vector<16x1xi32>
    %gather3A_1473 = vector.shape_cast %broadcast_in_dim3A_1472 : vector<16x1xi32> to vector<16xi32>
    %gather3A_1474 = tpu.dynamic_gather %add3A_1465[%gather3A_1473] in [0] : vector<16xi32>, vector<16xi32> -> vector<16xi32>
    %select_n3A_1475 = arith.select %lt3A_1468, %gather3A_1471, %gather3A_1474 : vector<16xi1>, vector<16xi32>
    %min3A_1476 = arith.constant 262143 : i32
    %min3A_1477 = vector.broadcast %min3A_1476 : i32 to vector<16xi32>
    %min3A_1478 = arith.minsi %select_n3A_1475, %min3A_1477 : vector<16xi32>
    %swap3A_1479 = arith.constant 2 : i32
    %swap3A_1480 = arith.index_cast %swap3A_1479 : i32 to index
    %swap3A_1481 = arith.constant 80 : index
    %swap3A_1482 = tpu.vector_load %arg6[%swap3A_1480, %swap3A_1481] {strides = array<i32>} : memref<4x128xi32, #tpu.memory_space<vmem>>, vector<1x16xi32>,
    %swap3A_1483 = vector.shape_cast %swap3A_1482 : vector<1x16xi32> to vector<16xi32>
    %swap3A_1484 = vector.shape_cast %min3A_1478 : vector<16xi32> to vector<1x16xi32>
    tpu.vector_store %arg6[%swap3A_1480, %swap3A_1481], %swap3A_1484 {strides = array<i32>} : memref<4x128xi32, #tpu.memory_space<vmem>>, vector<1x16xi32>,
    %get3A_1485 = arith.constant 704 : index
    %get3A_1486 = tpu.vector_load %arg5[%get3A_1485] {strides = array<i32>} : memref<1024xf32, #tpu.memory_space<vmem>>, vector<16xf32>,
    %get3A_1487 = vector.shape_cast %get3A_1486 : vector<16xf32> to vector<16xf32>
    %get3A_1488 = arith.constant 720 : index
    %get3A_1489 = tpu.vector_load %arg5[%get3A_1488] {strides = array<i32>} : memref<1024xf32, #tpu.memory_space<vmem>>, vector<16xf32>,
    %get3A_1490 = vector.shape_cast %get3A_1489 : vector<16xf32> to vector<16xf32>
    %mul3A_1491 = arith.constant 1.020000e+00 : f32
    %mul3A_1492 = vector.broadcast %mul3A_1491 : f32 to vector<16xf32>
    %mul3A_1493 = arith.mulf %get3A_1487, %mul3A_1492 : vector<16xf32>
    %sub3A_1494 = arith.constant 0.00999999977 : f32
    %sub3A_1495 = vector.broadcast %sub3A_1494 : f32 to vector<16xf32>
    %sub3A_1496 = arith.subf %mul3A_1493, %sub3A_1495 : vector<16xf32>
    %mul3A_1497 = arith.constant 5.120000e+02 : f32
    %mul3A_1498 = vector.broadcast %mul3A_1497 : f32 to vector<16xf32>
    %mul3A_1499 = arith.mulf %sub3A_1496, %mul3A_1498 : vector<16xf32>
    %convert_element_type3A_1500 = arith.fptosi %mul3A_1499 : vector<16xf32> to vector<16xi32>
    %max3A_1501 = arith.constant 0 : i32
    %max3A_1502 = vector.broadcast %max3A_1501 : i32 to vector<16xi32>
    %max3A_1503 = arith.maxsi %convert_element_type3A_1500, %max3A_1502 : vector<16xi32>
    %min3A_1504 = arith.constant 512 : i32
    %min3A_1505 = vector.broadcast %min3A_1504 : i32 to vector<16xi32>
    %min3A_1506 = arith.minsi %max3A_1503, %min3A_1505 : vector<16xi32>
    %mul3A_1507 = arith.constant 1.020000e+00 : f32
    %mul3A_1508 = vector.broadcast %mul3A_1507 : f32 to vector<16xf32>
    %mul3A_1509 = arith.mulf %get3A_1490, %mul3A_1508 : vector<16xf32>
    %sub3A_1510 = arith.constant 0.00999999977 : f32
    %sub3A_1511 = vector.broadcast %sub3A_1510 : f32 to vector<16xf32>
    %sub3A_1512 = arith.subf %mul3A_1509, %sub3A_1511 : vector<16xf32>
    %mul3A_1513 = arith.constant 5.120000e+02 : f32
    %mul3A_1514 = vector.broadcast %mul3A_1513 : f32 to vector<16xf32>
    %mul3A_1515 = arith.mulf %sub3A_1512, %mul3A_1514 : vector<16xf32>
    %convert_element_type3A_1516 = arith.fptosi %mul3A_1515 : vector<16xf32> to vector<16xi32>
    %max3A_1517 = arith.constant 0 : i32
    %max3A_1518 = vector.broadcast %max3A_1517 : i32 to vector<16xi32>
    %max3A_1519 = arith.maxsi %convert_element_type3A_1516, %max3A_1518 : vector<16xi32>
    %min3A_1520 = arith.constant 512 : i32
    %min3A_1521 = vector.broadcast %min3A_1520 : i32 to vector<16xi32>
    %min3A_1522 = arith.minsi %max3A_1519, %min3A_1521 : vector<16xi32>
    %mul3A_1523 = arith.muli %min3A_1506, %select_n3A : vector<16xi32>
    %mul3A_1524 = arith.muli %min3A_1522, %select_n3A : vector<16xi32>
    %broadcast_in_dim3A_1525 = vector.shape_cast %xor3A_6 : vector<16xi32> to vector<16x1xi32>
    %gather3A_1526 = vector.shape_cast %broadcast_in_dim3A_1525 : vector<16x1xi32> to vector<16xi32>
    %gather3A_1527 = tpu.dynamic_gather %mul3A_1523[%gather3A_1526] in [0] : vector<16xi32>, vector<16xi32> -> vector<16xi32>
    %add3A_1528 = arith.addi %mul3A_1523, %gather3A_1527 : vector<16xi32>
    %broadcast_in_dim3A_1529 = vector.shape_cast %xor3A_6 : vector<16xi32> to vector<16x1xi32>
    %gather3A_1530 = vector.shape_cast %broadcast_in_dim3A_1529 : vector<16x1xi32> to vector<16xi32>
    %gather3A_1531 = tpu.dynamic_gather %mul3A_1524[%gather3A_1530] in [0] : vector<16xi32>, vector<16xi32> -> vector<16xi32>
    %add3A_1532 = arith.addi %mul3A_1524, %gather3A_1531 : vector<16xi32>
    %lt3A_1533 = arith.constant 8 : i32
    %lt3A_1534 = vector.broadcast %lt3A_1533 : i32 to vector<16xi32>
    %lt3A_1535 = arith.cmpi slt, %iota3A, %lt3A_1534 : vector<16xi32>
    %broadcast_in_dim3A_1536 = vector.shape_cast %and3A_11 : vector<16xi32> to vector<16x1xi32>
    %gather3A_1537 = vector.shape_cast %broadcast_in_dim3A_1536 : vector<16x1xi32> to vector<16xi32>
    %gather3A_1538 = tpu.dynamic_gather %add3A_1528[%gather3A_1537] in [0] : vector<16xi32>, vector<16xi32> -> vector<16xi32>
    %broadcast_in_dim3A_1539 = vector.shape_cast %and3A_11 : vector<16xi32> to vector<16x1xi32>
    %gather3A_1540 = vector.shape_cast %broadcast_in_dim3A_1539 : vector<16x1xi32> to vector<16xi32>
    %gather3A_1541 = tpu.dynamic_gather %add3A_1532[%gather3A_1540] in [0] : vector<16xi32>, vector<16xi32> -> vector<16xi32>
    %select_n3A_1542 = arith.select %lt3A_1535, %gather3A_1538, %gather3A_1541 : vector<16xi1>, vector<16xi32>
    %min3A_1543 = arith.constant 262143 : i32
    %min3A_1544 = vector.broadcast %min3A_1543 : i32 to vector<16xi32>
    %min3A_1545 = arith.minsi %select_n3A_1542, %min3A_1544 : vector<16xi32>
    %swap3A_1546 = arith.constant 2 : i32
    %swap3A_1547 = arith.index_cast %swap3A_1546 : i32 to index
    %swap3A_1548 = arith.constant 96 : index
    %swap3A_1549 = tpu.vector_load %arg6[%swap3A_1547, %swap3A_1548] {strides = array<i32>} : memref<4x128xi32, #tpu.memory_space<vmem>>, vector<1x16xi32>,
    %swap3A_1550 = vector.shape_cast %swap3A_1549 : vector<1x16xi32> to vector<16xi32>
    %swap3A_1551 = vector.shape_cast %min3A_1545 : vector<16xi32> to vector<1x16xi32>
    tpu.vector_store %arg6[%swap3A_1547, %swap3A_1548], %swap3A_1551 {strides = array<i32>} : memref<4x128xi32, #tpu.memory_space<vmem>>, vector<1x16xi32>,
    %get3A_1552 = arith.constant 736 : index
    %get3A_1553 = tpu.vector_load %arg5[%get3A_1552] {strides = array<i32>} : memref<1024xf32, #tpu.memory_space<vmem>>, vector<16xf32>,
    %get3A_1554 = vector.shape_cast %get3A_1553 : vector<16xf32> to vector<16xf32>
    %get3A_1555 = arith.constant 752 : index
    %get3A_1556 = tpu.vector_load %arg5[%get3A_1555] {strides = array<i32>} : memref<1024xf32, #tpu.memory_space<vmem>>, vector<16xf32>,
    %get3A_1557 = vector.shape_cast %get3A_1556 : vector<16xf32> to vector<16xf32>
    %mul3A_1558 = arith.constant 1.020000e+00 : f32
    %mul3A_1559 = vector.broadcast %mul3A_1558 : f32 to vector<16xf32>
    %mul3A_1560 = arith.mulf %get3A_1554, %mul3A_1559 : vector<16xf32>
    %sub3A_1561 = arith.constant 0.00999999977 : f32
    %sub3A_1562 = vector.broadcast %sub3A_1561 : f32 to vector<16xf32>
    %sub3A_1563 = arith.subf %mul3A_1560, %sub3A_1562 : vector<16xf32>
    %mul3A_1564 = arith.constant 5.120000e+02 : f32
    %mul3A_1565 = vector.broadcast %mul3A_1564 : f32 to vector<16xf32>
    %mul3A_1566 = arith.mulf %sub3A_1563, %mul3A_1565 : vector<16xf32>
    %convert_element_type3A_1567 = arith.fptosi %mul3A_1566 : vector<16xf32> to vector<16xi32>
    %max3A_1568 = arith.constant 0 : i32
    %max3A_1569 = vector.broadcast %max3A_1568 : i32 to vector<16xi32>
    %max3A_1570 = arith.maxsi %convert_element_type3A_1567, %max3A_1569 : vector<16xi32>
    %min3A_1571 = arith.constant 512 : i32
    %min3A_1572 = vector.broadcast %min3A_1571 : i32 to vector<16xi32>
    %min3A_1573 = arith.minsi %max3A_1570, %min3A_1572 : vector<16xi32>
    %mul3A_1574 = arith.constant 1.020000e+00 : f32
    %mul3A_1575 = vector.broadcast %mul3A_1574 : f32 to vector<16xf32>
    %mul3A_1576 = arith.mulf %get3A_1557, %mul3A_1575 : vector<16xf32>
    %sub3A_1577 = arith.constant 0.00999999977 : f32
    %sub3A_1578 = vector.broadcast %sub3A_1577 : f32 to vector<16xf32>
    %sub3A_1579 = arith.subf %mul3A_1576, %sub3A_1578 : vector<16xf32>
    %mul3A_1580 = arith.constant 5.120000e+02 : f32
    %mul3A_1581 = vector.broadcast %mul3A_1580 : f32 to vector<16xf32>
    %mul3A_1582 = arith.mulf %sub3A_1579, %mul3A_1581 : vector<16xf32>
    %convert_element_type3A_1583 = arith.fptosi %mul3A_1582 : vector<16xf32> to vector<16xi32>
    %max3A_1584 = arith.constant 0 : i32
    %max3A_1585 = vector.broadcast %max3A_1584 : i32 to vector<16xi32>
    %max3A_1586 = arith.maxsi %convert_element_type3A_1583, %max3A_1585 : vector<16xi32>
    %min3A_1587 = arith.constant 512 : i32
    %min3A_1588 = vector.broadcast %min3A_1587 : i32 to vector<16xi32>
    %min3A_1589 = arith.minsi %max3A_1586, %min3A_1588 : vector<16xi32>
    %mul3A_1590 = arith.muli %min3A_1573, %select_n3A : vector<16xi32>
    %mul3A_1591 = arith.muli %min3A_1589, %select_n3A : vector<16xi32>
    %broadcast_in_dim3A_1592 = vector.shape_cast %xor3A_6 : vector<16xi32> to vector<16x1xi32>
    %gather3A_1593 = vector.shape_cast %broadcast_in_dim3A_1592 : vector<16x1xi32> to vector<16xi32>
    %gather3A_1594 = tpu.dynamic_gather %mul3A_1590[%gather3A_1593] in [0] : vector<16xi32>, vector<16xi32> -> vector<16xi32>
    %add3A_1595 = arith.addi %mul3A_1590, %gather3A_1594 : vector<16xi32>
    %broadcast_in_dim3A_1596 = vector.shape_cast %xor3A_6 : vector<16xi32> to vector<16x1xi32>
    %gather3A_1597 = vector.shape_cast %broadcast_in_dim3A_1596 : vector<16x1xi32> to vector<16xi32>
    %gather3A_1598 = tpu.dynamic_gather %mul3A_1591[%gather3A_1597] in [0] : vector<16xi32>, vector<16xi32> -> vector<16xi32>
    %add3A_1599 = arith.addi %mul3A_1591, %gather3A_1598 : vector<16xi32>
    %lt3A_1600 = arith.constant 8 : i32
    %lt3A_1601 = vector.broadcast %lt3A_1600 : i32 to vector<16xi32>
    %lt3A_1602 = arith.cmpi slt, %iota3A, %lt3A_1601 : vector<16xi32>
    %broadcast_in_dim3A_1603 = vector.shape_cast %and3A_11 : vector<16xi32> to vector<16x1xi32>
    %gather3A_1604 = vector.shape_cast %broadcast_in_dim3A_1603 : vector<16x1xi32> to vector<16xi32>
    %gather3A_1605 = tpu.dynamic_gather %add3A_1595[%gather3A_1604] in [0] : vector<16xi32>, vector<16xi32> -> vector<16xi32>
    %broadcast_in_dim3A_1606 = vector.shape_cast %and3A_11 : vector<16xi32> to vector<16x1xi32>
    %gather3A_1607 = vector.shape_cast %broadcast_in_dim3A_1606 : vector<16x1xi32> to vector<16xi32>
    %gather3A_1608 = tpu.dynamic_gather %add3A_1599[%gather3A_1607] in [0] : vector<16xi32>, vector<16xi32> -> vector<16xi32>
    %select_n3A_1609 = arith.select %lt3A_1602, %gather3A_1605, %gather3A_1608 : vector<16xi1>, vector<16xi32>
    %min3A_1610 = arith.constant 262143 : i32
    %min3A_1611 = vector.broadcast %min3A_1610 : i32 to vector<16xi32>
    %min3A_1612 = arith.minsi %select_n3A_1609, %min3A_1611 : vector<16xi32>
    %swap3A_1613 = arith.constant 2 : i32
    %swap3A_1614 = arith.index_cast %swap3A_1613 : i32 to index
    %swap3A_1615 = arith.constant 112 : index
    %swap3A_1616 = tpu.vector_load %arg6[%swap3A_1614, %swap3A_1615] {strides = array<i32>} : memref<4x128xi32, #tpu.memory_space<vmem>>, vector<1x16xi32>,
    %swap3A_1617 = vector.shape_cast %swap3A_1616 : vector<1x16xi32> to vector<16xi32>
    %swap3A_1618 = vector.shape_cast %min3A_1612 : vector<16xi32> to vector<1x16xi32>
    tpu.vector_store %arg6[%swap3A_1614, %swap3A_1615], %swap3A_1618 {strides = array<i32>} : memref<4x128xi32, #tpu.memory_space<vmem>>, vector<1x16xi32>,
    %get3A_1619 = arith.constant 768 : index
    %get3A_1620 = tpu.vector_load %arg5[%get3A_1619] {strides = array<i32>} : memref<1024xf32, #tpu.memory_space<vmem>>, vector<16xf32>,
    %get3A_1621 = vector.shape_cast %get3A_1620 : vector<16xf32> to vector<16xf32>
    %get3A_1622 = arith.constant 784 : index
    %get3A_1623 = tpu.vector_load %arg5[%get3A_1622] {strides = array<i32>} : memref<1024xf32, #tpu.memory_space<vmem>>, vector<16xf32>,
    %get3A_1624 = vector.shape_cast %get3A_1623 : vector<16xf32> to vector<16xf32>
    %mul3A_1625 = arith.constant 1.020000e+00 : f32
    %mul3A_1626 = vector.broadcast %mul3A_1625 : f32 to vector<16xf32>
    %mul3A_1627 = arith.mulf %get3A_1621, %mul3A_1626 : vector<16xf32>
    %sub3A_1628 = arith.constant 0.00999999977 : f32
    %sub3A_1629 = vector.broadcast %sub3A_1628 : f32 to vector<16xf32>
    %sub3A_1630 = arith.subf %mul3A_1627, %sub3A_1629 : vector<16xf32>
    %mul3A_1631 = arith.constant 5.120000e+02 : f32
    %mul3A_1632 = vector.broadcast %mul3A_1631 : f32 to vector<16xf32>
    %mul3A_1633 = arith.mulf %sub3A_1630, %mul3A_1632 : vector<16xf32>
    %convert_element_type3A_1634 = arith.fptosi %mul3A_1633 : vector<16xf32> to vector<16xi32>
    %max3A_1635 = arith.constant 0 : i32
    %max3A_1636 = vector.broadcast %max3A_1635 : i32 to vector<16xi32>
    %max3A_1637 = arith.maxsi %convert_element_type3A_1634, %max3A_1636 : vector<16xi32>
    %min3A_1638 = arith.constant 512 : i32
    %min3A_1639 = vector.broadcast %min3A_1638 : i32 to vector<16xi32>
    %min3A_1640 = arith.minsi %max3A_1637, %min3A_1639 : vector<16xi32>
    %mul3A_1641 = arith.constant 1.020000e+00 : f32
    %mul3A_1642 = vector.broadcast %mul3A_1641 : f32 to vector<16xf32>
    %mul3A_1643 = arith.mulf %get3A_1624, %mul3A_1642 : vector<16xf32>
    %sub3A_1644 = arith.constant 0.00999999977 : f32
    %sub3A_1645 = vector.broadcast %sub3A_1644 : f32 to vector<16xf32>
    %sub3A_1646 = arith.subf %mul3A_1643, %sub3A_1645 : vector<16xf32>
    %mul3A_1647 = arith.constant 5.120000e+02 : f32
    %mul3A_1648 = vector.broadcast %mul3A_1647 : f32 to vector<16xf32>
    %mul3A_1649 = arith.mulf %sub3A_1646, %mul3A_1648 : vector<16xf32>
    %convert_element_type3A_1650 = arith.fptosi %mul3A_1649 : vector<16xf32> to vector<16xi32>
    %max3A_1651 = arith.constant 0 : i32
    %max3A_1652 = vector.broadcast %max3A_1651 : i32 to vector<16xi32>
    %max3A_1653 = arith.maxsi %convert_element_type3A_1650, %max3A_1652 : vector<16xi32>
    %min3A_1654 = arith.constant 512 : i32
    %min3A_1655 = vector.broadcast %min3A_1654 : i32 to vector<16xi32>
    %min3A_1656 = arith.minsi %max3A_1653, %min3A_1655 : vector<16xi32>
    %mul3A_1657 = arith.muli %min3A_1640, %select_n3A : vector<16xi32>
    %mul3A_1658 = arith.muli %min3A_1656, %select_n3A : vector<16xi32>
    %broadcast_in_dim3A_1659 = vector.shape_cast %xor3A_6 : vector<16xi32> to vector<16x1xi32>
    %gather3A_1660 = vector.shape_cast %broadcast_in_dim3A_1659 : vector<16x1xi32> to vector<16xi32>
    %gather3A_1661 = tpu.dynamic_gather %mul3A_1657[%gather3A_1660] in [0] : vector<16xi32>, vector<16xi32> -> vector<16xi32>
    %add3A_1662 = arith.addi %mul3A_1657, %gather3A_1661 : vector<16xi32>
    %broadcast_in_dim3A_1663 = vector.shape_cast %xor3A_6 : vector<16xi32> to vector<16x1xi32>
    %gather3A_1664 = vector.shape_cast %broadcast_in_dim3A_1663 : vector<16x1xi32> to vector<16xi32>
    %gather3A_1665 = tpu.dynamic_gather %mul3A_1658[%gather3A_1664] in [0] : vector<16xi32>, vector<16xi32> -> vector<16xi32>
    %add3A_1666 = arith.addi %mul3A_1658, %gather3A_1665 : vector<16xi32>
    %lt3A_1667 = arith.constant 8 : i32
    %lt3A_1668 = vector.broadcast %lt3A_1667 : i32 to vector<16xi32>
    %lt3A_1669 = arith.cmpi slt, %iota3A, %lt3A_1668 : vector<16xi32>
    %broadcast_in_dim3A_1670 = vector.shape_cast %and3A_11 : vector<16xi32> to vector<16x1xi32>
    %gather3A_1671 = vector.shape_cast %broadcast_in_dim3A_1670 : vector<16x1xi32> to vector<16xi32>
    %gather3A_1672 = tpu.dynamic_gather %add3A_1662[%gather3A_1671] in [0] : vector<16xi32>, vector<16xi32> -> vector<16xi32>
    %broadcast_in_dim3A_1673 = vector.shape_cast %and3A_11 : vector<16xi32> to vector<16x1xi32>
    %gather3A_1674 = vector.shape_cast %broadcast_in_dim3A_1673 : vector<16x1xi32> to vector<16xi32>
    %gather3A_1675 = tpu.dynamic_gather %add3A_1666[%gather3A_1674] in [0] : vector<16xi32>, vector<16xi32> -> vector<16xi32>
    %select_n3A_1676 = arith.select %lt3A_1669, %gather3A_1672, %gather3A_1675 : vector<16xi1>, vector<16xi32>
    %min3A_1677 = arith.constant 262143 : i32
    %min3A_1678 = vector.broadcast %min3A_1677 : i32 to vector<16xi32>
    %min3A_1679 = arith.minsi %select_n3A_1676, %min3A_1678 : vector<16xi32>
    %swap3A_1680 = arith.constant 3 : i32
    %swap3A_1681 = arith.index_cast %swap3A_1680 : i32 to index
    %swap3A_1682 = arith.constant 0 : index
    %swap3A_1683 = tpu.vector_load %arg6[%swap3A_1681, %swap3A_1682] {strides = array<i32>} : memref<4x128xi32, #tpu.memory_space<vmem>>, vector<1x16xi32>,
    %swap3A_1684 = vector.shape_cast %swap3A_1683 : vector<1x16xi32> to vector<16xi32>
    %swap3A_1685 = vector.shape_cast %min3A_1679 : vector<16xi32> to vector<1x16xi32>
    tpu.vector_store %arg6[%swap3A_1681, %swap3A_1682], %swap3A_1685 {strides = array<i32>} : memref<4x128xi32, #tpu.memory_space<vmem>>, vector<1x16xi32>,
    %get3A_1686 = arith.constant 800 : index
    %get3A_1687 = tpu.vector_load %arg5[%get3A_1686] {strides = array<i32>} : memref<1024xf32, #tpu.memory_space<vmem>>, vector<16xf32>,
    %get3A_1688 = vector.shape_cast %get3A_1687 : vector<16xf32> to vector<16xf32>
    %get3A_1689 = arith.constant 816 : index
    %get3A_1690 = tpu.vector_load %arg5[%get3A_1689] {strides = array<i32>} : memref<1024xf32, #tpu.memory_space<vmem>>, vector<16xf32>,
    %get3A_1691 = vector.shape_cast %get3A_1690 : vector<16xf32> to vector<16xf32>
    %mul3A_1692 = arith.constant 1.020000e+00 : f32
    %mul3A_1693 = vector.broadcast %mul3A_1692 : f32 to vector<16xf32>
    %mul3A_1694 = arith.mulf %get3A_1688, %mul3A_1693 : vector<16xf32>
    %sub3A_1695 = arith.constant 0.00999999977 : f32
    %sub3A_1696 = vector.broadcast %sub3A_1695 : f32 to vector<16xf32>
    %sub3A_1697 = arith.subf %mul3A_1694, %sub3A_1696 : vector<16xf32>
    %mul3A_1698 = arith.constant 5.120000e+02 : f32
    %mul3A_1699 = vector.broadcast %mul3A_1698 : f32 to vector<16xf32>
    %mul3A_1700 = arith.mulf %sub3A_1697, %mul3A_1699 : vector<16xf32>
    %convert_element_type3A_1701 = arith.fptosi %mul3A_1700 : vector<16xf32> to vector<16xi32>
    %max3A_1702 = arith.constant 0 : i32
    %max3A_1703 = vector.broadcast %max3A_1702 : i32 to vector<16xi32>
    %max3A_1704 = arith.maxsi %convert_element_type3A_1701, %max3A_1703 : vector<16xi32>
    %min3A_1705 = arith.constant 512 : i32
    %min3A_1706 = vector.broadcast %min3A_1705 : i32 to vector<16xi32>
    %min3A_1707 = arith.minsi %max3A_1704, %min3A_1706 : vector<16xi32>
    %mul3A_1708 = arith.constant 1.020000e+00 : f32
    %mul3A_1709 = vector.broadcast %mul3A_1708 : f32 to vector<16xf32>
    %mul3A_1710 = arith.mulf %get3A_1691, %mul3A_1709 : vector<16xf32>
    %sub3A_1711 = arith.constant 0.00999999977 : f32
    %sub3A_1712 = vector.broadcast %sub3A_1711 : f32 to vector<16xf32>
    %sub3A_1713 = arith.subf %mul3A_1710, %sub3A_1712 : vector<16xf32>
    %mul3A_1714 = arith.constant 5.120000e+02 : f32
    %mul3A_1715 = vector.broadcast %mul3A_1714 : f32 to vector<16xf32>
    %mul3A_1716 = arith.mulf %sub3A_1713, %mul3A_1715 : vector<16xf32>
    %convert_element_type3A_1717 = arith.fptosi %mul3A_1716 : vector<16xf32> to vector<16xi32>
    %max3A_1718 = arith.constant 0 : i32
    %max3A_1719 = vector.broadcast %max3A_1718 : i32 to vector<16xi32>
    %max3A_1720 = arith.maxsi %convert_element_type3A_1717, %max3A_1719 : vector<16xi32>
    %min3A_1721 = arith.constant 512 : i32
    %min3A_1722 = vector.broadcast %min3A_1721 : i32 to vector<16xi32>
    %min3A_1723 = arith.minsi %max3A_1720, %min3A_1722 : vector<16xi32>
    %mul3A_1724 = arith.muli %min3A_1707, %select_n3A : vector<16xi32>
    %mul3A_1725 = arith.muli %min3A_1723, %select_n3A : vector<16xi32>
    %broadcast_in_dim3A_1726 = vector.shape_cast %xor3A_6 : vector<16xi32> to vector<16x1xi32>
    %gather3A_1727 = vector.shape_cast %broadcast_in_dim3A_1726 : vector<16x1xi32> to vector<16xi32>
    %gather3A_1728 = tpu.dynamic_gather %mul3A_1724[%gather3A_1727] in [0] : vector<16xi32>, vector<16xi32> -> vector<16xi32>
    %add3A_1729 = arith.addi %mul3A_1724, %gather3A_1728 : vector<16xi32>
    %broadcast_in_dim3A_1730 = vector.shape_cast %xor3A_6 : vector<16xi32> to vector<16x1xi32>
    %gather3A_1731 = vector.shape_cast %broadcast_in_dim3A_1730 : vector<16x1xi32> to vector<16xi32>
    %gather3A_1732 = tpu.dynamic_gather %mul3A_1725[%gather3A_1731] in [0] : vector<16xi32>, vector<16xi32> -> vector<16xi32>
    %add3A_1733 = arith.addi %mul3A_1725, %gather3A_1732 : vector<16xi32>
    %lt3A_1734 = arith.constant 8 : i32
    %lt3A_1735 = vector.broadcast %lt3A_1734 : i32 to vector<16xi32>
    %lt3A_1736 = arith.cmpi slt, %iota3A, %lt3A_1735 : vector<16xi32>
    %broadcast_in_dim3A_1737 = vector.shape_cast %and3A_11 : vector<16xi32> to vector<16x1xi32>
    %gather3A_1738 = vector.shape_cast %broadcast_in_dim3A_1737 : vector<16x1xi32> to vector<16xi32>
    %gather3A_1739 = tpu.dynamic_gather %add3A_1729[%gather3A_1738] in [0] : vector<16xi32>, vector<16xi32> -> vector<16xi32>
    %broadcast_in_dim3A_1740 = vector.shape_cast %and3A_11 : vector<16xi32> to vector<16x1xi32>
    %gather3A_1741 = vector.shape_cast %broadcast_in_dim3A_1740 : vector<16x1xi32> to vector<16xi32>
    %gather3A_1742 = tpu.dynamic_gather %add3A_1733[%gather3A_1741] in [0] : vector<16xi32>, vector<16xi32> -> vector<16xi32>
    %select_n3A_1743 = arith.select %lt3A_1736, %gather3A_1739, %gather3A_1742 : vector<16xi1>, vector<16xi32>
    %min3A_1744 = arith.constant 262143 : i32
    %min3A_1745 = vector.broadcast %min3A_1744 : i32 to vector<16xi32>
    %min3A_1746 = arith.minsi %select_n3A_1743, %min3A_1745 : vector<16xi32>
    %swap3A_1747 = arith.constant 3 : i32
    %swap3A_1748 = arith.index_cast %swap3A_1747 : i32 to index
    %swap3A_1749 = arith.constant 16 : index
    %swap3A_1750 = tpu.vector_load %arg6[%swap3A_1748, %swap3A_1749] {strides = array<i32>} : memref<4x128xi32, #tpu.memory_space<vmem>>, vector<1x16xi32>,
    %swap3A_1751 = vector.shape_cast %swap3A_1750 : vector<1x16xi32> to vector<16xi32>
    %swap3A_1752 = vector.shape_cast %min3A_1746 : vector<16xi32> to vector<1x16xi32>
    tpu.vector_store %arg6[%swap3A_1748, %swap3A_1749], %swap3A_1752 {strides = array<i32>} : memref<4x128xi32, #tpu.memory_space<vmem>>, vector<1x16xi32>,
    %get3A_1753 = arith.constant 832 : index
    %get3A_1754 = tpu.vector_load %arg5[%get3A_1753] {strides = array<i32>} : memref<1024xf32, #tpu.memory_space<vmem>>, vector<16xf32>,
    %get3A_1755 = vector.shape_cast %get3A_1754 : vector<16xf32> to vector<16xf32>
    %get3A_1756 = arith.constant 848 : index
    %get3A_1757 = tpu.vector_load %arg5[%get3A_1756] {strides = array<i32>} : memref<1024xf32, #tpu.memory_space<vmem>>, vector<16xf32>,
    %get3A_1758 = vector.shape_cast %get3A_1757 : vector<16xf32> to vector<16xf32>
    %mul3A_1759 = arith.constant 1.020000e+00 : f32
    %mul3A_1760 = vector.broadcast %mul3A_1759 : f32 to vector<16xf32>
    %mul3A_1761 = arith.mulf %get3A_1755, %mul3A_1760 : vector<16xf32>
    %sub3A_1762 = arith.constant 0.00999999977 : f32
    %sub3A_1763 = vector.broadcast %sub3A_1762 : f32 to vector<16xf32>
    %sub3A_1764 = arith.subf %mul3A_1761, %sub3A_1763 : vector<16xf32>
    %mul3A_1765 = arith.constant 5.120000e+02 : f32
    %mul3A_1766 = vector.broadcast %mul3A_1765 : f32 to vector<16xf32>
    %mul3A_1767 = arith.mulf %sub3A_1764, %mul3A_1766 : vector<16xf32>
    %convert_element_type3A_1768 = arith.fptosi %mul3A_1767 : vector<16xf32> to vector<16xi32>
    %max3A_1769 = arith.constant 0 : i32
    %max3A_1770 = vector.broadcast %max3A_1769 : i32 to vector<16xi32>
    %max3A_1771 = arith.maxsi %convert_element_type3A_1768, %max3A_1770 : vector<16xi32>
    %min3A_1772 = arith.constant 512 : i32
    %min3A_1773 = vector.broadcast %min3A_1772 : i32 to vector<16xi32>
    %min3A_1774 = arith.minsi %max3A_1771, %min3A_1773 : vector<16xi32>
    %mul3A_1775 = arith.constant 1.020000e+00 : f32
    %mul3A_1776 = vector.broadcast %mul3A_1775 : f32 to vector<16xf32>
    %mul3A_1777 = arith.mulf %get3A_1758, %mul3A_1776 : vector<16xf32>
    %sub3A_1778 = arith.constant 0.00999999977 : f32
    %sub3A_1779 = vector.broadcast %sub3A_1778 : f32 to vector<16xf32>
    %sub3A_1780 = arith.subf %mul3A_1777, %sub3A_1779 : vector<16xf32>
    %mul3A_1781 = arith.constant 5.120000e+02 : f32
    %mul3A_1782 = vector.broadcast %mul3A_1781 : f32 to vector<16xf32>
    %mul3A_1783 = arith.mulf %sub3A_1780, %mul3A_1782 : vector<16xf32>
    %convert_element_type3A_1784 = arith.fptosi %mul3A_1783 : vector<16xf32> to vector<16xi32>
    %max3A_1785 = arith.constant 0 : i32
    %max3A_1786 = vector.broadcast %max3A_1785 : i32 to vector<16xi32>
    %max3A_1787 = arith.maxsi %convert_element_type3A_1784, %max3A_1786 : vector<16xi32>
    %min3A_1788 = arith.constant 512 : i32
    %min3A_1789 = vector.broadcast %min3A_1788 : i32 to vector<16xi32>
    %min3A_1790 = arith.minsi %max3A_1787, %min3A_1789 : vector<16xi32>
    %mul3A_1791 = arith.muli %min3A_1774, %select_n3A : vector<16xi32>
    %mul3A_1792 = arith.muli %min3A_1790, %select_n3A : vector<16xi32>
    %broadcast_in_dim3A_1793 = vector.shape_cast %xor3A_6 : vector<16xi32> to vector<16x1xi32>
    %gather3A_1794 = vector.shape_cast %broadcast_in_dim3A_1793 : vector<16x1xi32> to vector<16xi32>
    %gather3A_1795 = tpu.dynamic_gather %mul3A_1791[%gather3A_1794] in [0] : vector<16xi32>, vector<16xi32> -> vector<16xi32>
    %add3A_1796 = arith.addi %mul3A_1791, %gather3A_1795 : vector<16xi32>
    %broadcast_in_dim3A_1797 = vector.shape_cast %xor3A_6 : vector<16xi32> to vector<16x1xi32>
    %gather3A_1798 = vector.shape_cast %broadcast_in_dim3A_1797 : vector<16x1xi32> to vector<16xi32>
    %gather3A_1799 = tpu.dynamic_gather %mul3A_1792[%gather3A_1798] in [0] : vector<16xi32>, vector<16xi32> -> vector<16xi32>
    %add3A_1800 = arith.addi %mul3A_1792, %gather3A_1799 : vector<16xi32>
    %lt3A_1801 = arith.constant 8 : i32
    %lt3A_1802 = vector.broadcast %lt3A_1801 : i32 to vector<16xi32>
    %lt3A_1803 = arith.cmpi slt, %iota3A, %lt3A_1802 : vector<16xi32>
    %broadcast_in_dim3A_1804 = vector.shape_cast %and3A_11 : vector<16xi32> to vector<16x1xi32>
    %gather3A_1805 = vector.shape_cast %broadcast_in_dim3A_1804 : vector<16x1xi32> to vector<16xi32>
    %gather3A_1806 = tpu.dynamic_gather %add3A_1796[%gather3A_1805] in [0] : vector<16xi32>, vector<16xi32> -> vector<16xi32>
    %broadcast_in_dim3A_1807 = vector.shape_cast %and3A_11 : vector<16xi32> to vector<16x1xi32>
    %gather3A_1808 = vector.shape_cast %broadcast_in_dim3A_1807 : vector<16x1xi32> to vector<16xi32>
    %gather3A_1809 = tpu.dynamic_gather %add3A_1800[%gather3A_1808] in [0] : vector<16xi32>, vector<16xi32> -> vector<16xi32>
    %select_n3A_1810 = arith.select %lt3A_1803, %gather3A_1806, %gather3A_1809 : vector<16xi1>, vector<16xi32>
    %min3A_1811 = arith.constant 262143 : i32
    %min3A_1812 = vector.broadcast %min3A_1811 : i32 to vector<16xi32>
    %min3A_1813 = arith.minsi %select_n3A_1810, %min3A_1812 : vector<16xi32>
    %swap3A_1814 = arith.constant 3 : i32
    %swap3A_1815 = arith.index_cast %swap3A_1814 : i32 to index
    %swap3A_1816 = arith.constant 32 : index
    %swap3A_1817 = tpu.vector_load %arg6[%swap3A_1815, %swap3A_1816] {strides = array<i32>} : memref<4x128xi32, #tpu.memory_space<vmem>>, vector<1x16xi32>,
    %swap3A_1818 = vector.shape_cast %swap3A_1817 : vector<1x16xi32> to vector<16xi32>
    %swap3A_1819 = vector.shape_cast %min3A_1813 : vector<16xi32> to vector<1x16xi32>
    tpu.vector_store %arg6[%swap3A_1815, %swap3A_1816], %swap3A_1819 {strides = array<i32>} : memref<4x128xi32, #tpu.memory_space<vmem>>, vector<1x16xi32>,
    %get3A_1820 = arith.constant 864 : index
    %get3A_1821 = tpu.vector_load %arg5[%get3A_1820] {strides = array<i32>} : memref<1024xf32, #tpu.memory_space<vmem>>, vector<16xf32>,
    %get3A_1822 = vector.shape_cast %get3A_1821 : vector<16xf32> to vector<16xf32>
    %get3A_1823 = arith.constant 880 : index
    %get3A_1824 = tpu.vector_load %arg5[%get3A_1823] {strides = array<i32>} : memref<1024xf32, #tpu.memory_space<vmem>>, vector<16xf32>,
    %get3A_1825 = vector.shape_cast %get3A_1824 : vector<16xf32> to vector<16xf32>
    %mul3A_1826 = arith.constant 1.020000e+00 : f32
    %mul3A_1827 = vector.broadcast %mul3A_1826 : f32 to vector<16xf32>
    %mul3A_1828 = arith.mulf %get3A_1822, %mul3A_1827 : vector<16xf32>
    %sub3A_1829 = arith.constant 0.00999999977 : f32
    %sub3A_1830 = vector.broadcast %sub3A_1829 : f32 to vector<16xf32>
    %sub3A_1831 = arith.subf %mul3A_1828, %sub3A_1830 : vector<16xf32>
    %mul3A_1832 = arith.constant 5.120000e+02 : f32
    %mul3A_1833 = vector.broadcast %mul3A_1832 : f32 to vector<16xf32>
    %mul3A_1834 = arith.mulf %sub3A_1831, %mul3A_1833 : vector<16xf32>
    %convert_element_type3A_1835 = arith.fptosi %mul3A_1834 : vector<16xf32> to vector<16xi32>
    %max3A_1836 = arith.constant 0 : i32
    %max3A_1837 = vector.broadcast %max3A_1836 : i32 to vector<16xi32>
    %max3A_1838 = arith.maxsi %convert_element_type3A_1835, %max3A_1837 : vector<16xi32>
    %min3A_1839 = arith.constant 512 : i32
    %min3A_1840 = vector.broadcast %min3A_1839 : i32 to vector<16xi32>
    %min3A_1841 = arith.minsi %max3A_1838, %min3A_1840 : vector<16xi32>
    %mul3A_1842 = arith.constant 1.020000e+00 : f32
    %mul3A_1843 = vector.broadcast %mul3A_1842 : f32 to vector<16xf32>
    %mul3A_1844 = arith.mulf %get3A_1825, %mul3A_1843 : vector<16xf32>
    %sub3A_1845 = arith.constant 0.00999999977 : f32
    %sub3A_1846 = vector.broadcast %sub3A_1845 : f32 to vector<16xf32>
    %sub3A_1847 = arith.subf %mul3A_1844, %sub3A_1846 : vector<16xf32>
    %mul3A_1848 = arith.constant 5.120000e+02 : f32
    %mul3A_1849 = vector.broadcast %mul3A_1848 : f32 to vector<16xf32>
    %mul3A_1850 = arith.mulf %sub3A_1847, %mul3A_1849 : vector<16xf32>
    %convert_element_type3A_1851 = arith.fptosi %mul3A_1850 : vector<16xf32> to vector<16xi32>
    %max3A_1852 = arith.constant 0 : i32
    %max3A_1853 = vector.broadcast %max3A_1852 : i32 to vector<16xi32>
    %max3A_1854 = arith.maxsi %convert_element_type3A_1851, %max3A_1853 : vector<16xi32>
    %min3A_1855 = arith.constant 512 : i32
    %min3A_1856 = vector.broadcast %min3A_1855 : i32 to vector<16xi32>
    %min3A_1857 = arith.minsi %max3A_1854, %min3A_1856 : vector<16xi32>
    %mul3A_1858 = arith.muli %min3A_1841, %select_n3A : vector<16xi32>
    %mul3A_1859 = arith.muli %min3A_1857, %select_n3A : vector<16xi32>
    %broadcast_in_dim3A_1860 = vector.shape_cast %xor3A_6 : vector<16xi32> to vector<16x1xi32>
    %gather3A_1861 = vector.shape_cast %broadcast_in_dim3A_1860 : vector<16x1xi32> to vector<16xi32>
    %gather3A_1862 = tpu.dynamic_gather %mul3A_1858[%gather3A_1861] in [0] : vector<16xi32>, vector<16xi32> -> vector<16xi32>
    %add3A_1863 = arith.addi %mul3A_1858, %gather3A_1862 : vector<16xi32>
    %broadcast_in_dim3A_1864 = vector.shape_cast %xor3A_6 : vector<16xi32> to vector<16x1xi32>
    %gather3A_1865 = vector.shape_cast %broadcast_in_dim3A_1864 : vector<16x1xi32> to vector<16xi32>
    %gather3A_1866 = tpu.dynamic_gather %mul3A_1859[%gather3A_1865] in [0] : vector<16xi32>, vector<16xi32> -> vector<16xi32>
    %add3A_1867 = arith.addi %mul3A_1859, %gather3A_1866 : vector<16xi32>
    %lt3A_1868 = arith.constant 8 : i32
    %lt3A_1869 = vector.broadcast %lt3A_1868 : i32 to vector<16xi32>
    %lt3A_1870 = arith.cmpi slt, %iota3A, %lt3A_1869 : vector<16xi32>
    %broadcast_in_dim3A_1871 = vector.shape_cast %and3A_11 : vector<16xi32> to vector<16x1xi32>
    %gather3A_1872 = vector.shape_cast %broadcast_in_dim3A_1871 : vector<16x1xi32> to vector<16xi32>
    %gather3A_1873 = tpu.dynamic_gather %add3A_1863[%gather3A_1872] in [0] : vector<16xi32>, vector<16xi32> -> vector<16xi32>
    %broadcast_in_dim3A_1874 = vector.shape_cast %and3A_11 : vector<16xi32> to vector<16x1xi32>
    %gather3A_1875 = vector.shape_cast %broadcast_in_dim3A_1874 : vector<16x1xi32> to vector<16xi32>
    %gather3A_1876 = tpu.dynamic_gather %add3A_1867[%gather3A_1875] in [0] : vector<16xi32>, vector<16xi32> -> vector<16xi32>
    %select_n3A_1877 = arith.select %lt3A_1870, %gather3A_1873, %gather3A_1876 : vector<16xi1>, vector<16xi32>
    %min3A_1878 = arith.constant 262143 : i32
    %min3A_1879 = vector.broadcast %min3A_1878 : i32 to vector<16xi32>
    %min3A_1880 = arith.minsi %select_n3A_1877, %min3A_1879 : vector<16xi32>
    %swap3A_1881 = arith.constant 3 : i32
    %swap3A_1882 = arith.index_cast %swap3A_1881 : i32 to index
    %swap3A_1883 = arith.constant 48 : index
    %swap3A_1884 = tpu.vector_load %arg6[%swap3A_1882, %swap3A_1883] {strides = array<i32>} : memref<4x128xi32, #tpu.memory_space<vmem>>, vector<1x16xi32>,
    %swap3A_1885 = vector.shape_cast %swap3A_1884 : vector<1x16xi32> to vector<16xi32>
    %swap3A_1886 = vector.shape_cast %min3A_1880 : vector<16xi32> to vector<1x16xi32>
    tpu.vector_store %arg6[%swap3A_1882, %swap3A_1883], %swap3A_1886 {strides = array<i32>} : memref<4x128xi32, #tpu.memory_space<vmem>>, vector<1x16xi32>,
    %get3A_1887 = arith.constant 896 : index
    %get3A_1888 = tpu.vector_load %arg5[%get3A_1887] {strides = array<i32>} : memref<1024xf32, #tpu.memory_space<vmem>>, vector<16xf32>,
    %get3A_1889 = vector.shape_cast %get3A_1888 : vector<16xf32> to vector<16xf32>
    %get3A_1890 = arith.constant 912 : index
    %get3A_1891 = tpu.vector_load %arg5[%get3A_1890] {strides = array<i32>} : memref<1024xf32, #tpu.memory_space<vmem>>, vector<16xf32>,
    %get3A_1892 = vector.shape_cast %get3A_1891 : vector<16xf32> to vector<16xf32>
    %mul3A_1893 = arith.constant 1.020000e+00 : f32
    %mul3A_1894 = vector.broadcast %mul3A_1893 : f32 to vector<16xf32>
    %mul3A_1895 = arith.mulf %get3A_1889, %mul3A_1894 : vector<16xf32>
    %sub3A_1896 = arith.constant 0.00999999977 : f32
    %sub3A_1897 = vector.broadcast %sub3A_1896 : f32 to vector<16xf32>
    %sub3A_1898 = arith.subf %mul3A_1895, %sub3A_1897 : vector<16xf32>
    %mul3A_1899 = arith.constant 5.120000e+02 : f32
    %mul3A_1900 = vector.broadcast %mul3A_1899 : f32 to vector<16xf32>
    %mul3A_1901 = arith.mulf %sub3A_1898, %mul3A_1900 : vector<16xf32>
    %convert_element_type3A_1902 = arith.fptosi %mul3A_1901 : vector<16xf32> to vector<16xi32>
    %max3A_1903 = arith.constant 0 : i32
    %max3A_1904 = vector.broadcast %max3A_1903 : i32 to vector<16xi32>
    %max3A_1905 = arith.maxsi %convert_element_type3A_1902, %max3A_1904 : vector<16xi32>
    %min3A_1906 = arith.constant 512 : i32
    %min3A_1907 = vector.broadcast %min3A_1906 : i32 to vector<16xi32>
    %min3A_1908 = arith.minsi %max3A_1905, %min3A_1907 : vector<16xi32>
    %mul3A_1909 = arith.constant 1.020000e+00 : f32
    %mul3A_1910 = vector.broadcast %mul3A_1909 : f32 to vector<16xf32>
    %mul3A_1911 = arith.mulf %get3A_1892, %mul3A_1910 : vector<16xf32>
    %sub3A_1912 = arith.constant 0.00999999977 : f32
    %sub3A_1913 = vector.broadcast %sub3A_1912 : f32 to vector<16xf32>
    %sub3A_1914 = arith.subf %mul3A_1911, %sub3A_1913 : vector<16xf32>
    %mul3A_1915 = arith.constant 5.120000e+02 : f32
    %mul3A_1916 = vector.broadcast %mul3A_1915 : f32 to vector<16xf32>
    %mul3A_1917 = arith.mulf %sub3A_1914, %mul3A_1916 : vector<16xf32>
    %convert_element_type3A_1918 = arith.fptosi %mul3A_1917 : vector<16xf32> to vector<16xi32>
    %max3A_1919 = arith.constant 0 : i32
    %max3A_1920 = vector.broadcast %max3A_1919 : i32 to vector<16xi32>
    %max3A_1921 = arith.maxsi %convert_element_type3A_1918, %max3A_1920 : vector<16xi32>
    %min3A_1922 = arith.constant 512 : i32
    %min3A_1923 = vector.broadcast %min3A_1922 : i32 to vector<16xi32>
    %min3A_1924 = arith.minsi %max3A_1921, %min3A_1923 : vector<16xi32>
    %mul3A_1925 = arith.muli %min3A_1908, %select_n3A : vector<16xi32>
    %mul3A_1926 = arith.muli %min3A_1924, %select_n3A : vector<16xi32>
    %broadcast_in_dim3A_1927 = vector.shape_cast %xor3A_6 : vector<16xi32> to vector<16x1xi32>
    %gather3A_1928 = vector.shape_cast %broadcast_in_dim3A_1927 : vector<16x1xi32> to vector<16xi32>
    %gather3A_1929 = tpu.dynamic_gather %mul3A_1925[%gather3A_1928] in [0] : vector<16xi32>, vector<16xi32> -> vector<16xi32>
    %add3A_1930 = arith.addi %mul3A_1925, %gather3A_1929 : vector<16xi32>
    %broadcast_in_dim3A_1931 = vector.shape_cast %xor3A_6 : vector<16xi32> to vector<16x1xi32>
    %gather3A_1932 = vector.shape_cast %broadcast_in_dim3A_1931 : vector<16x1xi32> to vector<16xi32>
    %gather3A_1933 = tpu.dynamic_gather %mul3A_1926[%gather3A_1932] in [0] : vector<16xi32>, vector<16xi32> -> vector<16xi32>
    %add3A_1934 = arith.addi %mul3A_1926, %gather3A_1933 : vector<16xi32>
    %lt3A_1935 = arith.constant 8 : i32
    %lt3A_1936 = vector.broadcast %lt3A_1935 : i32 to vector<16xi32>
    %lt3A_1937 = arith.cmpi slt, %iota3A, %lt3A_1936 : vector<16xi32>
    %broadcast_in_dim3A_1938 = vector.shape_cast %and3A_11 : vector<16xi32> to vector<16x1xi32>
    %gather3A_1939 = vector.shape_cast %broadcast_in_dim3A_1938 : vector<16x1xi32> to vector<16xi32>
    %gather3A_1940 = tpu.dynamic_gather %add3A_1930[%gather3A_1939] in [0] : vector<16xi32>, vector<16xi32> -> vector<16xi32>
    %broadcast_in_dim3A_1941 = vector.shape_cast %and3A_11 : vector<16xi32> to vector<16x1xi32>
    %gather3A_1942 = vector.shape_cast %broadcast_in_dim3A_1941 : vector<16x1xi32> to vector<16xi32>
    %gather3A_1943 = tpu.dynamic_gather %add3A_1934[%gather3A_1942] in [0] : vector<16xi32>, vector<16xi32> -> vector<16xi32>
    %select_n3A_1944 = arith.select %lt3A_1937, %gather3A_1940, %gather3A_1943 : vector<16xi1>, vector<16xi32>
    %min3A_1945 = arith.constant 262143 : i32
    %min3A_1946 = vector.broadcast %min3A_1945 : i32 to vector<16xi32>
    %min3A_1947 = arith.minsi %select_n3A_1944, %min3A_1946 : vector<16xi32>
    %swap3A_1948 = arith.constant 3 : i32
    %swap3A_1949 = arith.index_cast %swap3A_1948 : i32 to index
    %swap3A_1950 = arith.constant 64 : index
    %swap3A_1951 = tpu.vector_load %arg6[%swap3A_1949, %swap3A_1950] {strides = array<i32>} : memref<4x128xi32, #tpu.memory_space<vmem>>, vector<1x16xi32>,
    %swap3A_1952 = vector.shape_cast %swap3A_1951 : vector<1x16xi32> to vector<16xi32>
    %swap3A_1953 = vector.shape_cast %min3A_1947 : vector<16xi32> to vector<1x16xi32>
    tpu.vector_store %arg6[%swap3A_1949, %swap3A_1950], %swap3A_1953 {strides = array<i32>} : memref<4x128xi32, #tpu.memory_space<vmem>>, vector<1x16xi32>,
    %get3A_1954 = arith.constant 928 : index
    %get3A_1955 = tpu.vector_load %arg5[%get3A_1954] {strides = array<i32>} : memref<1024xf32, #tpu.memory_space<vmem>>, vector<16xf32>,
    %get3A_1956 = vector.shape_cast %get3A_1955 : vector<16xf32> to vector<16xf32>
    %get3A_1957 = arith.constant 944 : index
    %get3A_1958 = tpu.vector_load %arg5[%get3A_1957] {strides = array<i32>} : memref<1024xf32, #tpu.memory_space<vmem>>, vector<16xf32>,
    %get3A_1959 = vector.shape_cast %get3A_1958 : vector<16xf32> to vector<16xf32>
    %mul3A_1960 = arith.constant 1.020000e+00 : f32
    %mul3A_1961 = vector.broadcast %mul3A_1960 : f32 to vector<16xf32>
    %mul3A_1962 = arith.mulf %get3A_1956, %mul3A_1961 : vector<16xf32>
    %sub3A_1963 = arith.constant 0.00999999977 : f32
    %sub3A_1964 = vector.broadcast %sub3A_1963 : f32 to vector<16xf32>
    %sub3A_1965 = arith.subf %mul3A_1962, %sub3A_1964 : vector<16xf32>
    %mul3A_1966 = arith.constant 5.120000e+02 : f32
    %mul3A_1967 = vector.broadcast %mul3A_1966 : f32 to vector<16xf32>
    %mul3A_1968 = arith.mulf %sub3A_1965, %mul3A_1967 : vector<16xf32>
    %convert_element_type3A_1969 = arith.fptosi %mul3A_1968 : vector<16xf32> to vector<16xi32>
    %max3A_1970 = arith.constant 0 : i32
    %max3A_1971 = vector.broadcast %max3A_1970 : i32 to vector<16xi32>
    %max3A_1972 = arith.maxsi %convert_element_type3A_1969, %max3A_1971 : vector<16xi32>
    %min3A_1973 = arith.constant 512 : i32
    %min3A_1974 = vector.broadcast %min3A_1973 : i32 to vector<16xi32>
    %min3A_1975 = arith.minsi %max3A_1972, %min3A_1974 : vector<16xi32>
    %mul3A_1976 = arith.constant 1.020000e+00 : f32
    %mul3A_1977 = vector.broadcast %mul3A_1976 : f32 to vector<16xf32>
    %mul3A_1978 = arith.mulf %get3A_1959, %mul3A_1977 : vector<16xf32>
    %sub3A_1979 = arith.constant 0.00999999977 : f32
    %sub3A_1980 = vector.broadcast %sub3A_1979 : f32 to vector<16xf32>
    %sub3A_1981 = arith.subf %mul3A_1978, %sub3A_1980 : vector<16xf32>
    %mul3A_1982 = arith.constant 5.120000e+02 : f32
    %mul3A_1983 = vector.broadcast %mul3A_1982 : f32 to vector<16xf32>
    %mul3A_1984 = arith.mulf %sub3A_1981, %mul3A_1983 : vector<16xf32>
    %convert_element_type3A_1985 = arith.fptosi %mul3A_1984 : vector<16xf32> to vector<16xi32>
    %max3A_1986 = arith.constant 0 : i32
    %max3A_1987 = vector.broadcast %max3A_1986 : i32 to vector<16xi32>
    %max3A_1988 = arith.maxsi %convert_element_type3A_1985, %max3A_1987 : vector<16xi32>
    %min3A_1989 = arith.constant 512 : i32
    %min3A_1990 = vector.broadcast %min3A_1989 : i32 to vector<16xi32>
    %min3A_1991 = arith.minsi %max3A_1988, %min3A_1990 : vector<16xi32>
    %mul3A_1992 = arith.muli %min3A_1975, %select_n3A : vector<16xi32>
    %mul3A_1993 = arith.muli %min3A_1991, %select_n3A : vector<16xi32>
    %broadcast_in_dim3A_1994 = vector.shape_cast %xor3A_6 : vector<16xi32> to vector<16x1xi32>
    %gather3A_1995 = vector.shape_cast %broadcast_in_dim3A_1994 : vector<16x1xi32> to vector<16xi32>
    %gather3A_1996 = tpu.dynamic_gather %mul3A_1992[%gather3A_1995] in [0] : vector<16xi32>, vector<16xi32> -> vector<16xi32>
    %add3A_1997 = arith.addi %mul3A_1992, %gather3A_1996 : vector<16xi32>
    %broadcast_in_dim3A_1998 = vector.shape_cast %xor3A_6 : vector<16xi32> to vector<16x1xi32>
    %gather3A_1999 = vector.shape_cast %broadcast_in_dim3A_1998 : vector<16x1xi32> to vector<16xi32>
    %gather3A_2000 = tpu.dynamic_gather %mul3A_1993[%gather3A_1999] in [0] : vector<16xi32>, vector<16xi32> -> vector<16xi32>
    %add3A_2001 = arith.addi %mul3A_1993, %gather3A_2000 : vector<16xi32>
    %lt3A_2002 = arith.constant 8 : i32
    %lt3A_2003 = vector.broadcast %lt3A_2002 : i32 to vector<16xi32>
    %lt3A_2004 = arith.cmpi slt, %iota3A, %lt3A_2003 : vector<16xi32>
    %broadcast_in_dim3A_2005 = vector.shape_cast %and3A_11 : vector<16xi32> to vector<16x1xi32>
    %gather3A_2006 = vector.shape_cast %broadcast_in_dim3A_2005 : vector<16x1xi32> to vector<16xi32>
    %gather3A_2007 = tpu.dynamic_gather %add3A_1997[%gather3A_2006] in [0] : vector<16xi32>, vector<16xi32> -> vector<16xi32>
    %broadcast_in_dim3A_2008 = vector.shape_cast %and3A_11 : vector<16xi32> to vector<16x1xi32>
    %gather3A_2009 = vector.shape_cast %broadcast_in_dim3A_2008 : vector<16x1xi32> to vector<16xi32>
    %gather3A_2010 = tpu.dynamic_gather %add3A_2001[%gather3A_2009] in [0] : vector<16xi32>, vector<16xi32> -> vector<16xi32>
    %select_n3A_2011 = arith.select %lt3A_2004, %gather3A_2007, %gather3A_2010 : vector<16xi1>, vector<16xi32>
    %min3A_2012 = arith.constant 262143 : i32
    %min3A_2013 = vector.broadcast %min3A_2012 : i32 to vector<16xi32>
    %min3A_2014 = arith.minsi %select_n3A_2011, %min3A_2013 : vector<16xi32>
    %swap3A_2015 = arith.constant 3 : i32
    %swap3A_2016 = arith.index_cast %swap3A_2015 : i32 to index
    %swap3A_2017 = arith.constant 80 : index
    %swap3A_2018 = tpu.vector_load %arg6[%swap3A_2016, %swap3A_2017] {strides = array<i32>} : memref<4x128xi32, #tpu.memory_space<vmem>>, vector<1x16xi32>,
    %swap3A_2019 = vector.shape_cast %swap3A_2018 : vector<1x16xi32> to vector<16xi32>
    %swap3A_2020 = vector.shape_cast %min3A_2014 : vector<16xi32> to vector<1x16xi32>
    tpu.vector_store %arg6[%swap3A_2016, %swap3A_2017], %swap3A_2020 {strides = array<i32>} : memref<4x128xi32, #tpu.memory_space<vmem>>, vector<1x16xi32>,
    %get3A_2021 = arith.constant 960 : index
    %get3A_2022 = tpu.vector_load %arg5[%get3A_2021] {strides = array<i32>} : memref<1024xf32, #tpu.memory_space<vmem>>, vector<16xf32>,
    %get3A_2023 = vector.shape_cast %get3A_2022 : vector<16xf32> to vector<16xf32>
    %get3A_2024 = arith.constant 976 : index
    %get3A_2025 = tpu.vector_load %arg5[%get3A_2024] {strides = array<i32>} : memref<1024xf32, #tpu.memory_space<vmem>>, vector<16xf32>,
    %get3A_2026 = vector.shape_cast %get3A_2025 : vector<16xf32> to vector<16xf32>
    %mul3A_2027 = arith.constant 1.020000e+00 : f32
    %mul3A_2028 = vector.broadcast %mul3A_2027 : f32 to vector<16xf32>
    %mul3A_2029 = arith.mulf %get3A_2023, %mul3A_2028 : vector<16xf32>
    %sub3A_2030 = arith.constant 0.00999999977 : f32
    %sub3A_2031 = vector.broadcast %sub3A_2030 : f32 to vector<16xf32>
    %sub3A_2032 = arith.subf %mul3A_2029, %sub3A_2031 : vector<16xf32>
    %mul3A_2033 = arith.constant 5.120000e+02 : f32
    %mul3A_2034 = vector.broadcast %mul3A_2033 : f32 to vector<16xf32>
    %mul3A_2035 = arith.mulf %sub3A_2032, %mul3A_2034 : vector<16xf32>
    %convert_element_type3A_2036 = arith.fptosi %mul3A_2035 : vector<16xf32> to vector<16xi32>
    %max3A_2037 = arith.constant 0 : i32
    %max3A_2038 = vector.broadcast %max3A_2037 : i32 to vector<16xi32>
    %max3A_2039 = arith.maxsi %convert_element_type3A_2036, %max3A_2038 : vector<16xi32>
    %min3A_2040 = arith.constant 512 : i32
    %min3A_2041 = vector.broadcast %min3A_2040 : i32 to vector<16xi32>
    %min3A_2042 = arith.minsi %max3A_2039, %min3A_2041 : vector<16xi32>
    %mul3A_2043 = arith.constant 1.020000e+00 : f32
    %mul3A_2044 = vector.broadcast %mul3A_2043 : f32 to vector<16xf32>
    %mul3A_2045 = arith.mulf %get3A_2026, %mul3A_2044 : vector<16xf32>
    %sub3A_2046 = arith.constant 0.00999999977 : f32
    %sub3A_2047 = vector.broadcast %sub3A_2046 : f32 to vector<16xf32>
    %sub3A_2048 = arith.subf %mul3A_2045, %sub3A_2047 : vector<16xf32>
    %mul3A_2049 = arith.constant 5.120000e+02 : f32
    %mul3A_2050 = vector.broadcast %mul3A_2049 : f32 to vector<16xf32>
    %mul3A_2051 = arith.mulf %sub3A_2048, %mul3A_2050 : vector<16xf32>
    %convert_element_type3A_2052 = arith.fptosi %mul3A_2051 : vector<16xf32> to vector<16xi32>
    %max3A_2053 = arith.constant 0 : i32
    %max3A_2054 = vector.broadcast %max3A_2053 : i32 to vector<16xi32>
    %max3A_2055 = arith.maxsi %convert_element_type3A_2052, %max3A_2054 : vector<16xi32>
    %min3A_2056 = arith.constant 512 : i32
    %min3A_2057 = vector.broadcast %min3A_2056 : i32 to vector<16xi32>
    %min3A_2058 = arith.minsi %max3A_2055, %min3A_2057 : vector<16xi32>
    %mul3A_2059 = arith.muli %min3A_2042, %select_n3A : vector<16xi32>
    %mul3A_2060 = arith.muli %min3A_2058, %select_n3A : vector<16xi32>
    %broadcast_in_dim3A_2061 = vector.shape_cast %xor3A_6 : vector<16xi32> to vector<16x1xi32>
    %gather3A_2062 = vector.shape_cast %broadcast_in_dim3A_2061 : vector<16x1xi32> to vector<16xi32>
    %gather3A_2063 = tpu.dynamic_gather %mul3A_2059[%gather3A_2062] in [0] : vector<16xi32>, vector<16xi32> -> vector<16xi32>
    %add3A_2064 = arith.addi %mul3A_2059, %gather3A_2063 : vector<16xi32>
    %broadcast_in_dim3A_2065 = vector.shape_cast %xor3A_6 : vector<16xi32> to vector<16x1xi32>
    %gather3A_2066 = vector.shape_cast %broadcast_in_dim3A_2065 : vector<16x1xi32> to vector<16xi32>
    %gather3A_2067 = tpu.dynamic_gather %mul3A_2060[%gather3A_2066] in [0] : vector<16xi32>, vector<16xi32> -> vector<16xi32>
    %add3A_2068 = arith.addi %mul3A_2060, %gather3A_2067 : vector<16xi32>
    %lt3A_2069 = arith.constant 8 : i32
    %lt3A_2070 = vector.broadcast %lt3A_2069 : i32 to vector<16xi32>
    %lt3A_2071 = arith.cmpi slt, %iota3A, %lt3A_2070 : vector<16xi32>
    %broadcast_in_dim3A_2072 = vector.shape_cast %and3A_11 : vector<16xi32> to vector<16x1xi32>
    %gather3A_2073 = vector.shape_cast %broadcast_in_dim3A_2072 : vector<16x1xi32> to vector<16xi32>
    %gather3A_2074 = tpu.dynamic_gather %add3A_2064[%gather3A_2073] in [0] : vector<16xi32>, vector<16xi32> -> vector<16xi32>
    %broadcast_in_dim3A_2075 = vector.shape_cast %and3A_11 : vector<16xi32> to vector<16x1xi32>
    %gather3A_2076 = vector.shape_cast %broadcast_in_dim3A_2075 : vector<16x1xi32> to vector<16xi32>
    %gather3A_2077 = tpu.dynamic_gather %add3A_2068[%gather3A_2076] in [0] : vector<16xi32>, vector<16xi32> -> vector<16xi32>
    %select_n3A_2078 = arith.select %lt3A_2071, %gather3A_2074, %gather3A_2077 : vector<16xi1>, vector<16xi32>
    %min3A_2079 = arith.constant 262143 : i32
    %min3A_2080 = vector.broadcast %min3A_2079 : i32 to vector<16xi32>
    %min3A_2081 = arith.minsi %select_n3A_2078, %min3A_2080 : vector<16xi32>
    %swap3A_2082 = arith.constant 3 : i32
    %swap3A_2083 = arith.index_cast %swap3A_2082 : i32 to index
    %swap3A_2084 = arith.constant 96 : index
    %swap3A_2085 = tpu.vector_load %arg6[%swap3A_2083, %swap3A_2084] {strides = array<i32>} : memref<4x128xi32, #tpu.memory_space<vmem>>, vector<1x16xi32>,
    %swap3A_2086 = vector.shape_cast %swap3A_2085 : vector<1x16xi32> to vector<16xi32>
    %swap3A_2087 = vector.shape_cast %min3A_2081 : vector<16xi32> to vector<1x16xi32>
    tpu.vector_store %arg6[%swap3A_2083, %swap3A_2084], %swap3A_2087 {strides = array<i32>} : memref<4x128xi32, #tpu.memory_space<vmem>>, vector<1x16xi32>,
    %get3A_2088 = arith.constant 992 : index
    %get3A_2089 = tpu.vector_load %arg5[%get3A_2088] {strides = array<i32>} : memref<1024xf32, #tpu.memory_space<vmem>>, vector<16xf32>,
    %get3A_2090 = vector.shape_cast %get3A_2089 : vector<16xf32> to vector<16xf32>
    %get3A_2091 = arith.constant 1008 : index
    %get3A_2092 = tpu.vector_load %arg5[%get3A_2091] {strides = array<i32>} : memref<1024xf32, #tpu.memory_space<vmem>>, vector<16xf32>,
    %get3A_2093 = vector.shape_cast %get3A_2092 : vector<16xf32> to vector<16xf32>
    %mul3A_2094 = arith.constant 1.020000e+00 : f32
    %mul3A_2095 = vector.broadcast %mul3A_2094 : f32 to vector<16xf32>
    %mul3A_2096 = arith.mulf %get3A_2090, %mul3A_2095 : vector<16xf32>
    %sub3A_2097 = arith.constant 0.00999999977 : f32
    %sub3A_2098 = vector.broadcast %sub3A_2097 : f32 to vector<16xf32>
    %sub3A_2099 = arith.subf %mul3A_2096, %sub3A_2098 : vector<16xf32>
    %mul3A_2100 = arith.constant 5.120000e+02 : f32
    %mul3A_2101 = vector.broadcast %mul3A_2100 : f32 to vector<16xf32>
    %mul3A_2102 = arith.mulf %sub3A_2099, %mul3A_2101 : vector<16xf32>
    %convert_element_type3A_2103 = arith.fptosi %mul3A_2102 : vector<16xf32> to vector<16xi32>
    %max3A_2104 = arith.constant 0 : i32
    %max3A_2105 = vector.broadcast %max3A_2104 : i32 to vector<16xi32>
    %max3A_2106 = arith.maxsi %convert_element_type3A_2103, %max3A_2105 : vector<16xi32>
    %min3A_2107 = arith.constant 512 : i32
    %min3A_2108 = vector.broadcast %min3A_2107 : i32 to vector<16xi32>
    %min3A_2109 = arith.minsi %max3A_2106, %min3A_2108 : vector<16xi32>
    %mul3A_2110 = arith.constant 1.020000e+00 : f32
    %mul3A_2111 = vector.broadcast %mul3A_2110 : f32 to vector<16xf32>
    %mul3A_2112 = arith.mulf %get3A_2093, %mul3A_2111 : vector<16xf32>
    %sub3A_2113 = arith.constant 0.00999999977 : f32
    %sub3A_2114 = vector.broadcast %sub3A_2113 : f32 to vector<16xf32>
    %sub3A_2115 = arith.subf %mul3A_2112, %sub3A_2114 : vector<16xf32>
    %mul3A_2116 = arith.constant 5.120000e+02 : f32
    %mul3A_2117 = vector.broadcast %mul3A_2116 : f32 to vector<16xf32>
    %mul3A_2118 = arith.mulf %sub3A_2115, %mul3A_2117 : vector<16xf32>
    %convert_element_type3A_2119 = arith.fptosi %mul3A_2118 : vector<16xf32> to vector<16xi32>
    %max3A_2120 = arith.constant 0 : i32
    %max3A_2121 = vector.broadcast %max3A_2120 : i32 to vector<16xi32>
    %max3A_2122 = arith.maxsi %convert_element_type3A_2119, %max3A_2121 : vector<16xi32>
    %min3A_2123 = arith.constant 512 : i32
    %min3A_2124 = vector.broadcast %min3A_2123 : i32 to vector<16xi32>
    %min3A_2125 = arith.minsi %max3A_2122, %min3A_2124 : vector<16xi32>
    %mul3A_2126 = arith.muli %min3A_2109, %select_n3A : vector<16xi32>
    %mul3A_2127 = arith.muli %min3A_2125, %select_n3A : vector<16xi32>
    %broadcast_in_dim3A_2128 = vector.shape_cast %xor3A_6 : vector<16xi32> to vector<16x1xi32>
    %gather3A_2129 = vector.shape_cast %broadcast_in_dim3A_2128 : vector<16x1xi32> to vector<16xi32>
    %gather3A_2130 = tpu.dynamic_gather %mul3A_2126[%gather3A_2129] in [0] : vector<16xi32>, vector<16xi32> -> vector<16xi32>
    %add3A_2131 = arith.addi %mul3A_2126, %gather3A_2130 : vector<16xi32>
    %broadcast_in_dim3A_2132 = vector.shape_cast %xor3A_6 : vector<16xi32> to vector<16x1xi32>
    %gather3A_2133 = vector.shape_cast %broadcast_in_dim3A_2132 : vector<16x1xi32> to vector<16xi32>
    %gather3A_2134 = tpu.dynamic_gather %mul3A_2127[%gather3A_2133] in [0] : vector<16xi32>, vector<16xi32> -> vector<16xi32>
    %add3A_2135 = arith.addi %mul3A_2127, %gather3A_2134 : vector<16xi32>
    %lt3A_2136 = arith.constant 8 : i32
    %lt3A_2137 = vector.broadcast %lt3A_2136 : i32 to vector<16xi32>
    %lt3A_2138 = arith.cmpi slt, %iota3A, %lt3A_2137 : vector<16xi32>
    %broadcast_in_dim3A_2139 = vector.shape_cast %and3A_11 : vector<16xi32> to vector<16x1xi32>
    %gather3A_2140 = vector.shape_cast %broadcast_in_dim3A_2139 : vector<16x1xi32> to vector<16xi32>
    %gather3A_2141 = tpu.dynamic_gather %add3A_2131[%gather3A_2140] in [0] : vector<16xi32>, vector<16xi32> -> vector<16xi32>
    %broadcast_in_dim3A_2142 = vector.shape_cast %and3A_11 : vector<16xi32> to vector<16x1xi32>
    %gather3A_2143 = vector.shape_cast %broadcast_in_dim3A_2142 : vector<16x1xi32> to vector<16xi32>
    %gather3A_2144 = tpu.dynamic_gather %add3A_2135[%gather3A_2143] in [0] : vector<16xi32>, vector<16xi32> -> vector<16xi32>
    %select_n3A_2145 = arith.select %lt3A_2138, %gather3A_2141, %gather3A_2144 : vector<16xi1>, vector<16xi32>
    %min3A_2146 = arith.constant 262143 : i32
    %min3A_2147 = vector.broadcast %min3A_2146 : i32 to vector<16xi32>
    %min3A_2148 = arith.minsi %select_n3A_2145, %min3A_2147 : vector<16xi32>
    %swap3A_2149 = arith.constant 3 : i32
    %swap3A_2150 = arith.index_cast %swap3A_2149 : i32 to index
    %swap3A_2151 = arith.constant 112 : index
    %swap3A_2152 = tpu.vector_load %arg6[%swap3A_2150, %swap3A_2151] {strides = array<i32>} : memref<4x128xi32, #tpu.memory_space<vmem>>, vector<1x16xi32>,
    %swap3A_2153 = vector.shape_cast %swap3A_2152 : vector<1x16xi32> to vector<16xi32>
    %swap3A_2154 = vector.shape_cast %min3A_2148 : vector<16xi32> to vector<1x16xi32>
    tpu.vector_store %arg6[%swap3A_2150, %swap3A_2151], %swap3A_2154 {strides = array<i32>} : memref<4x128xi32, #tpu.memory_space<vmem>>, vector<1x16xi32>,
    %dma_start3A = arith.constant 0 : i32
    %dma_start3A_2155 = arith.constant 0 : i32
    %dma_start3A_2156 = arith.constant 0 : i32
    %dma_start3A_2157 = tpu.memref_slice %arg7[%dma_start3A_2155, %dma_start3A_2156] : memref<512x128xf32, #tpu.memory_space<vmem>> -> memref<128x128xf32, #tpu.memory_space<vmem>>
    %dma_start3A_2158 = arith.constant 0 : i32
    %dma_start3A_2159 = tpu.memref_slice %arg6[%dma_start3A, %dma_start3A_2158] : memref<4x128xi32, #tpu.memory_space<vmem>> -> memref<1x128xi32, #tpu.memory_space<vmem>>
    %dma_start3A_2160 = tpu.memref_squeeze %dma_start3A_2159 : memref<1x128xi32, #tpu.memory_space<vmem>> -> memref<128xi32, #tpu.memory_space<vmem>>
    %dma_start3A_2161 = arith.constant 0 : i32
    %dma_start3A_2162 = arith.constant 0 : i32
    %dma_start3A_2163 = tpu.memref_slice %arg3[%dma_start3A_2161, %dma_start3A_2162] : memref<262144x128xf32, #tpu.memory_space<hbm>> -> memref<262144x128xf32, #tpu.memory_space<hbm>>
    tpu.enqueue_indirect_dma source(%dma_start3A_2163 : memref<262144x128xf32, #tpu.memory_space<hbm>>) target(%dma_start3A_2157 : memref<128x128xf32, #tpu.memory_space<vmem>>) offsets(%dma_start3A_2160 : memref<128xi32, #tpu.memory_space<vmem>>) semaphore(%arg8 : memref<!tpu.dma_semaphore, #tpu.memory_space<semaphore_mem>>)
    %dma_start3A_2164 = arith.constant 1 : i32
    %dma_start3A_2165 = arith.constant 128 : i32
    %dma_start3A_2166 = arith.constant 0 : i32
    %dma_start3A_2167 = tpu.memref_slice %arg7[%dma_start3A_2165, %dma_start3A_2166] : memref<512x128xf32, #tpu.memory_space<vmem>> -> memref<128x128xf32, #tpu.memory_space<vmem>>
    %dma_start3A_2168 = arith.constant 0 : i32
    %dma_start3A_2169 = tpu.memref_slice %arg6[%dma_start3A_2164, %dma_start3A_2168] : memref<4x128xi32, #tpu.memory_space<vmem>> -> memref<1x128xi32, #tpu.memory_space<vmem>>
    %dma_start3A_2170 = tpu.memref_squeeze %dma_start3A_2169 : memref<1x128xi32, #tpu.memory_space<vmem>> -> memref<128xi32, #tpu.memory_space<vmem>>
    %dma_start3A_2171 = arith.constant 0 : i32
    %dma_start3A_2172 = arith.constant 0 : i32
    %dma_start3A_2173 = tpu.memref_slice %arg3[%dma_start3A_2171, %dma_start3A_2172] : memref<262144x128xf32, #tpu.memory_space<hbm>> -> memref<262144x128xf32, #tpu.memory_space<hbm>>
    tpu.enqueue_indirect_dma source(%dma_start3A_2173 : memref<262144x128xf32, #tpu.memory_space<hbm>>) target(%dma_start3A_2167 : memref<128x128xf32, #tpu.memory_space<vmem>>) offsets(%dma_start3A_2170 : memref<128xi32, #tpu.memory_space<vmem>>) semaphore(%arg8 : memref<!tpu.dma_semaphore, #tpu.memory_space<semaphore_mem>>)
    %dma_start3A_2174 = arith.constant 2 : i32
    %dma_start3A_2175 = arith.constant 256 : i32
    %dma_start3A_2176 = arith.constant 0 : i32
    %dma_start3A_2177 = tpu.memref_slice %arg7[%dma_start3A_2175, %dma_start3A_2176] : memref<512x128xf32, #tpu.memory_space<vmem>> -> memref<128x128xf32, #tpu.memory_space<vmem>>
    %dma_start3A_2178 = arith.constant 0 : i32
    %dma_start3A_2179 = tpu.memref_slice %arg6[%dma_start3A_2174, %dma_start3A_2178] : memref<4x128xi32, #tpu.memory_space<vmem>> -> memref<1x128xi32, #tpu.memory_space<vmem>>
    %dma_start3A_2180 = tpu.memref_squeeze %dma_start3A_2179 : memref<1x128xi32, #tpu.memory_space<vmem>> -> memref<128xi32, #tpu.memory_space<vmem>>
    %dma_start3A_2181 = arith.constant 0 : i32
    %dma_start3A_2182 = arith.constant 0 : i32
    %dma_start3A_2183 = tpu.memref_slice %arg3[%dma_start3A_2181, %dma_start3A_2182] : memref<262144x128xf32, #tpu.memory_space<hbm>> -> memref<262144x128xf32, #tpu.memory_space<hbm>>
    tpu.enqueue_indirect_dma source(%dma_start3A_2183 : memref<262144x128xf32, #tpu.memory_space<hbm>>) target(%dma_start3A_2177 : memref<128x128xf32, #tpu.memory_space<vmem>>) offsets(%dma_start3A_2180 : memref<128xi32, #tpu.memory_space<vmem>>) semaphore(%arg8 : memref<!tpu.dma_semaphore, #tpu.memory_space<semaphore_mem>>)
    %dma_start3A_2184 = arith.constant 3 : i32
    %dma_start3A_2185 = arith.constant 384 : i32
    %dma_start3A_2186 = arith.constant 0 : i32
    %dma_start3A_2187 = tpu.memref_slice %arg7[%dma_start3A_2185, %dma_start3A_2186] : memref<512x128xf32, #tpu.memory_space<vmem>> -> memref<128x128xf32, #tpu.memory_space<vmem>>
    %dma_start3A_2188 = arith.constant 0 : i32
    %dma_start3A_2189 = tpu.memref_slice %arg6[%dma_start3A_2184, %dma_start3A_2188] : memref<4x128xi32, #tpu.memory_space<vmem>> -> memref<1x128xi32, #tpu.memory_space<vmem>>
    %dma_start3A_2190 = tpu.memref_squeeze %dma_start3A_2189 : memref<1x128xi32, #tpu.memory_space<vmem>> -> memref<128xi32, #tpu.memory_space<vmem>>
    %dma_start3A_2191 = arith.constant 0 : i32
    %dma_start3A_2192 = arith.constant 0 : i32
    %dma_start3A_2193 = tpu.memref_slice %arg3[%dma_start3A_2191, %dma_start3A_2192] : memref<262144x128xf32, #tpu.memory_space<hbm>> -> memref<262144x128xf32, #tpu.memory_space<hbm>>
    tpu.enqueue_indirect_dma source(%dma_start3A_2193 : memref<262144x128xf32, #tpu.memory_space<hbm>>) target(%dma_start3A_2187 : memref<128x128xf32, #tpu.memory_space<vmem>>) offsets(%dma_start3A_2190 : memref<128xi32, #tpu.memory_space<vmem>>) semaphore(%arg8 : memref<!tpu.dma_semaphore, #tpu.memory_space<semaphore_mem>>)
    %dma_wait3A = arith.constant 0 : i32
    %dma_wait3A_2194 = arith.constant 0 : i32
    %dma_wait3A_2195 = arith.constant 0 : i32
    %dma_wait3A_2196 = tpu.memref_slice %arg7[%dma_wait3A_2194, %dma_wait3A_2195] : memref<512x128xf32, #tpu.memory_space<vmem>> -> memref<128x128xf32, #tpu.memory_space<vmem>>
    %dma_wait3A_2197 = arith.constant 0 : i32
    %dma_wait3A_2198 = tpu.memref_slice %arg6[%dma_wait3A, %dma_wait3A_2197] : memref<4x128xi32, #tpu.memory_space<vmem>> -> memref<1x128xi32, #tpu.memory_space<vmem>>
    %dma_wait3A_2199 = tpu.memref_squeeze %dma_wait3A_2198 : memref<1x128xi32, #tpu.memory_space<vmem>> -> memref<128xi32, #tpu.memory_space<vmem>>
    %dma_wait3A_2200 = arith.constant 0 : i32
    %dma_wait3A_2201 = arith.constant 0 : i32
    %dma_wait3A_2202 = tpu.memref_slice %arg3[%dma_wait3A_2200, %dma_wait3A_2201] : memref<262144x128xf32, #tpu.memory_space<hbm>> -> memref<262144x128xf32, #tpu.memory_space<hbm>>
    tpu.wait_indirect_dma semaphore(%arg8 : memref<!tpu.dma_semaphore, #tpu.memory_space<semaphore_mem>>) src(%dma_wait3A_2202 : memref<262144x128xf32, #tpu.memory_space<hbm>>) dst(%dma_wait3A_2196 : memref<128x128xf32, #tpu.memory_space<vmem>>)
    %dma_wait3A_2203 = arith.constant 1 : i32
    %dma_wait3A_2204 = arith.constant 128 : i32
    %dma_wait3A_2205 = arith.constant 0 : i32
    %dma_wait3A_2206 = tpu.memref_slice %arg7[%dma_wait3A_2204, %dma_wait3A_2205] : memref<512x128xf32, #tpu.memory_space<vmem>> -> memref<128x128xf32, #tpu.memory_space<vmem>>
    %dma_wait3A_2207 = arith.constant 0 : i32
    %dma_wait3A_2208 = tpu.memref_slice %arg6[%dma_wait3A_2203, %dma_wait3A_2207] : memref<4x128xi32, #tpu.memory_space<vmem>> -> memref<1x128xi32, #tpu.memory_space<vmem>>
    %dma_wait3A_2209 = tpu.memref_squeeze %dma_wait3A_2208 : memref<1x128xi32, #tpu.memory_space<vmem>> -> memref<128xi32, #tpu.memory_space<vmem>>
    %dma_wait3A_2210 = arith.constant 0 : i32
    %dma_wait3A_2211 = arith.constant 0 : i32
    %dma_wait3A_2212 = tpu.memref_slice %arg3[%dma_wait3A_2210, %dma_wait3A_2211] : memref<262144x128xf32, #tpu.memory_space<hbm>> -> memref<262144x128xf32, #tpu.memory_space<hbm>>
    tpu.wait_indirect_dma semaphore(%arg8 : memref<!tpu.dma_semaphore, #tpu.memory_space<semaphore_mem>>) src(%dma_wait3A_2212 : memref<262144x128xf32, #tpu.memory_space<hbm>>) dst(%dma_wait3A_2206 : memref<128x128xf32, #tpu.memory_space<vmem>>)
    %dma_wait3A_2213 = arith.constant 2 : i32
    %dma_wait3A_2214 = arith.constant 256 : i32
    %dma_wait3A_2215 = arith.constant 0 : i32
    %dma_wait3A_2216 = tpu.memref_slice %arg7[%dma_wait3A_2214, %dma_wait3A_2215] : memref<512x128xf32, #tpu.memory_space<vmem>> -> memref<128x128xf32, #tpu.memory_space<vmem>>
    %dma_wait3A_2217 = arith.constant 0 : i32
    %dma_wait3A_2218 = tpu.memref_slice %arg6[%dma_wait3A_2213, %dma_wait3A_2217] : memref<4x128xi32, #tpu.memory_space<vmem>> -> memref<1x128xi32, #tpu.memory_space<vmem>>
    %dma_wait3A_2219 = tpu.memref_squeeze %dma_wait3A_2218 : memref<1x128xi32, #tpu.memory_space<vmem>> -> memref<128xi32, #tpu.memory_space<vmem>>
    %dma_wait3A_2220 = arith.constant 0 : i32
    %dma_wait3A_2221 = arith.constant 0 : i32
    %dma_wait3A_2222 = tpu.memref_slice %arg3[%dma_wait3A_2220, %dma_wait3A_2221] : memref<262144x128xf32, #tpu.memory_space<hbm>> -> memref<262144x128xf32, #tpu.memory_space<hbm>>
    tpu.wait_indirect_dma semaphore(%arg8 : memref<!tpu.dma_semaphore, #tpu.memory_space<semaphore_mem>>) src(%dma_wait3A_2222 : memref<262144x128xf32, #tpu.memory_space<hbm>>) dst(%dma_wait3A_2216 : memref<128x128xf32, #tpu.memory_space<vmem>>)
    %dma_wait3A_2223 = arith.constant 3 : i32
    %dma_wait3A_2224 = arith.constant 384 : i32
    %dma_wait3A_2225 = arith.constant 0 : i32
    %dma_wait3A_2226 = tpu.memref_slice %arg7[%dma_wait3A_2224, %dma_wait3A_2225] : memref<512x128xf32, #tpu.memory_space<vmem>> -> memref<128x128xf32, #tpu.memory_space<vmem>>
    %dma_wait3A_2227 = arith.constant 0 : i32
    %dma_wait3A_2228 = tpu.memref_slice %arg6[%dma_wait3A_2223, %dma_wait3A_2227] : memref<4x128xi32, #tpu.memory_space<vmem>> -> memref<1x128xi32, #tpu.memory_space<vmem>>
    %dma_wait3A_2229 = tpu.memref_squeeze %dma_wait3A_2228 : memref<1x128xi32, #tpu.memory_space<vmem>> -> memref<128xi32, #tpu.memory_space<vmem>>
    %dma_wait3A_2230 = arith.constant 0 : i32
    %dma_wait3A_2231 = arith.constant 0 : i32
    %dma_wait3A_2232 = tpu.memref_slice %arg3[%dma_wait3A_2230, %dma_wait3A_2231] : memref<262144x128xf32, #tpu.memory_space<hbm>> -> memref<262144x128xf32, #tpu.memory_space<hbm>>
    tpu.wait_indirect_dma semaphore(%arg8 : memref<!tpu.dma_semaphore, #tpu.memory_space<semaphore_mem>>) src(%dma_wait3A_2232 : memref<262144x128xf32, #tpu.memory_space<hbm>>) dst(%dma_wait3A_2226 : memref<128x128xf32, #tpu.memory_space<vmem>>)
    "tpu.region"() ({
      %run_scoped3A = tpu.sem_alloc : memref<!tpu.dma_semaphore, #tpu.memory_space<semaphore_mem>>
      %dma_start3A_2233 = arith.constant 0 : i32
      %dma_start3A_2234 = tpu.memref_slice %arg4[%mul3A_2, %dma_start3A_2233] : memref<16384x128xf32, #tpu.memory_space<hbm>> -> memref<512x128xf32, #tpu.memory_space<hbm>>
      %dma_start3A_2235 = arith.constant 0 : i32
      %dma_start3A_2236 = tpu.memref_slice %arg4[%mul3A_2, %dma_start3A_2235] : memref<16384x128xf32, #tpu.memory_space<hbm>> -> memref<512x128xf32, #tpu.memory_space<hbm>>
      tpu.enqueue_dma source(%arg7 : memref<512x128xf32, #tpu.memory_space<vmem>>) target(%dma_start3A_2236 : memref<512x128xf32, #tpu.memory_space<hbm>>) target_semaphore(%run_scoped3A : memref<!tpu.dma_semaphore, #tpu.memory_space<semaphore_mem>>)
      %dma_wait3A_2237 = arith.constant 0 : i32
      %dma_wait3A_2238 = tpu.memref_slice %arg4[%mul3A_2, %dma_wait3A_2237] : memref<16384x128xf32, #tpu.memory_space<hbm>> -> memref<512x128xf32, #tpu.memory_space<hbm>>
      %dma_wait3A_2239 = arith.constant 0 : i32
      %dma_wait3A_2240 = tpu.memref_slice %arg4[%mul3A_2, %dma_wait3A_2239] : memref<16384x128xf32, #tpu.memory_space<hbm>> -> memref<512x128xf32, #tpu.memory_space<hbm>>
      tpu.wait_dma2 semaphore(%run_scoped3A : memref<!tpu.dma_semaphore, #tpu.memory_space<semaphore_mem>>) src(%arg7 : memref<512x128xf32, #tpu.memory_space<vmem>>) dst(%dma_wait3A_2240 : memref<512x128xf32, #tpu.memory_space<hbm>>)
      tpu.yield
    }) : () -> ()
    return
  }
}

</mosaic_0001>

<sc_bundles>
// kernel: branch_0_fun.3.cloned.1.call-start
scs
__scs_entry_jumppad:
0x0: {  	(pc) =	sbr.rel $0x88, $3  }
0x1: {  	(tag) =	ssettag $0x0;
	lr =	simm.s32 $0x1  }
0x2: {  	[smem:$0x3F9E] =	sst lr;
	_ =	strace $0xD0000000  }
0x3: {  	_ = 	snop  }
0x4: {  	_ = 	snop  }
0x5: {  	_ = 	snop  }
0x6: {  	_ = 	snop  }
0x7: {  	_ = 	snop  }
__scs_overlays_trampoline_lowered:
0x8: {  	[smem:$0x3FAD] =	sst s0  }
0x9: {  	[smem:$0x3FAE] =	sst s1  }
0xa: {  	[smem:$0x3FAF] =	sst s2  }
0xb: {  	[smem:$0x3FB0] =	sst s3  }
0xc: {  	[smem:$0x3FB1] =	sst s4  }
0xd: {  	[smem:$0x3FB2] =	sst s5  }
0xe: {  	[smem:$0x3FB3] =	sst s6  }
0xf: {  	[smem:$0x3FB4] =	sst s7  }
0x10: {  	[smem:$0x3FB5] =	sst s8  }
0x11: {  	[smem:$0x3FB6] =	sst s9;
	s0 =	simm.s32 @!p0 $0x0  }
0x12: {  	s1 =	sld [smem:$0x3F9C];
	s0 =	simm.s32 @p0 $0x1  }
0x13: {  	[smem:$0x3FB7] =	sst s0;
	s0 =	simm.s32 @!p1 $0x0  }
0x14: {  	s2 =	sld [smem:$0x3F9B];
	s0 =	simm.s32 @p1 $0x1  }
0x15: {  	[smem:$0x3FB8] =	sst s0;
	s0 =	simm.s32 @!p2 $0x0  }
0x16: {  	s3 =	sld [smem:$0x3FDB];
	s0 =	simm.s32 @p2 $0x1  }
0x17: {  	s4 =	simm.s32 $0x1BF5;
	[smem:$0x3FBA] =	sst s0  }
0x18: {  	s0 =	sld [smem:$0x3F9D];
	_ =	swait.ge [sflag:s4], $0x0  }
0x19: {  	s7 =	sld [smem:$0x3F9E]  }
0x1a: {  	s8 =	sadd.s32 $0xFFFFE003, lr  }
0x1b: {  	s9 =	sadd.s32 $0xFFFFFEF7, lr;
	s5 =	simm.s32 $0xFFFFFFFF;
	p2 =	slt.u32 s8, $0xFFFFF086  }
0x1c: {  	p1 =	slt.u32 s9, $0xF7A;
	s5 =	simm.s32 @!p2 $0x0  }
0x1d: {  	s5 =	simm.s32 @p1 $0x1;
	p0 =	seq.s32 s7, s2  }
0x1e: {  	s7 =	smul.u32 @!p0 $0xF7A, s2;
	p2 =	seq.s32 @!p0 s5, $0x0  }
0x1f: {  	s9 =	smul.u32 $0xF7A, s1;
	s8 =	simm.s32 @!p0 $0x1BF5;
	p2 =	por !p2, p0  }
0x20: {  	[sflag:s8] =	ssyncset.s32 @!p0 $0xFFFFF086;
	s6 =	sadd.s32 @!p0 s3, s7;
	s7 =	simm.s32 @!p0 $0x108  }
0x21: {  	s3 =	sadd.s32 s3, s9;
	s6 =	sadd.s32 @!p0 $0x88, s6;
	s7 =	simm.s32 @p2 $0x1082  }
0x22: {  	[simem:s7], [sflag:s8] =	dma.local @!p0 [hbm:s6], $0xF7A  }
0x23: {  	s9 =	sor.u32 $0xD0000000, s2;
	s6 =	simm.s32 $0x108;
	_ =	swait.ge @!p0 [sflag:s8], $0x0  }
0x24: {  	s3 =	sadd.s32 $0x88, s3;
	s6 =	simm.s32 @!p1 $0x1082;
	[sflag:s4] =	ssyncset.s32 $0xFFFFF086  }
0x25: {  	[simem:s6], [sflag:s4] =	dma.local [hbm:s3], $0xF7A  }
0x26: {  	[smem:$0x3F9E] =	sst s1;
	(tag) =	ssettag s2;
	_ =	strace s9  }
0x27: {  	s1 =	sld [smem:$0x3FAE]  }
0x28: {  	s2 =	sld [smem:$0x3FAF]  }
0x29: {  	s4 =	sld [smem:$0x3FB1]  }
0x2a: {  	p0 =	seq.s32 s5, $0x0;
	s5 =	sld [smem:$0x3FB2]  }
0x2b: {  	s6 =	sld [smem:$0x3FB3]  }
0x2c: {  	s7 =	sld [smem:$0x3FB4]  }
0x2d: {  	s3 =	simm.s32 $0x108;
	s8 =	sld [smem:$0x3FB5]  }
0x2e: {  	s3 =	simm.s32 @!p0 $0x1082;
	s9 =	sld [smem:$0x3FB6]  }
0x2f: {  	lr =	sadd.s32 s0, s3;
	s0 =	sld [smem:$0x3FAD]  }
0x30: {  	s3 =	sld [smem:$0x3FB0]  }
0x31: {  	[smem:$0x3FB9] =	sst s10  }
0x32: {  	s10 =	sld [smem:$0x3FB7];
	_ =	sdelay $0x3  }
0x33: {  	p0 =	seq.s32 s10, $0x1;
	s10 =	sld [smem:$0x3FB9];
	_ =	sdelay $0x3  }
0x34: {  	[smem:$0x3FB9] =	sst s10  }
0x35: {  	s10 =	sld [smem:$0x3FB8];
	_ =	sdelay $0x3  }
0x36: {  	p1 =	seq.s32 s10, $0x1;
	s10 =	sld [smem:$0x3FB9];
	_ =	sdelay $0x3  }
0x37: {  	[smem:$0x3FB9] =	sst s10  }
0x38: {  	s10 =	sld [smem:$0x3FBA]  }
0x39: {  	_ = 	snop;
	(pc) =	sbr.ind lr, $3  }
0x3a: {  	_ = 	snop  }
0x3b: {  	_ = 	snop  }
0x3c: {  	p2 =	seq.s32 s10, $0x1;
	s10 =	sld [smem:$0x3FB9]  }
0x3d: {  	_ =	shalt  }
0x3e: {  	_ =	shalt  }
0x3f: {  	_ =	shalt  }
0x40: {  	_ =	shalt  }
0x41: {  	_ =	shalt  }
0x42: {  	_ =	shalt  }
0x43: {  	_ =	shalt  }
0x44: {  	_ =	shalt  }
0x45: {  	_ =	shalt  }
0x46: {  	_ =	shalt  }
0x47: {  	_ =	shalt  }
0x48: {  	_ =	shalt  }
0x49: {  	_ =	shalt  }
0x4a: {  	_ =	shalt  }
0x4b: {  	_ =	shalt  }
0x4c: {  	_ =	shalt  }
0x4d: {  	_ =	shalt  }
0x4e: {  	_ =	shalt  }
0x4f: {  	_ =	shalt  }
0x50: {  	_ =	shalt  }
0x51: {  	_ =	shalt  }
0x52: {  	_ =	shalt  }
0x53: {  	_ =	shalt  }
0x54: {  	_ =	shalt  }
0x55: {  	_ =	shalt  }
0x56: {  	_ =	shalt  }
0x57: {  	_ =	shalt  }
0x58: {  	_ =	shalt  }
0x59: {  	_ =	shalt  }
0x5a: {  	_ =	shalt  }
0x5b: {  	_ =	shalt  }
0x5c: {  	_ =	shalt  }
0x5d: {  	_ =	shalt  }
0x5e: {  	_ =	shalt  }
0x5f: {  	_ =	shalt  }
0x60: {  	_ =	shalt  }
0x61: {  	_ =	shalt  }
0x62: {  	_ =	shalt  }
0x63: {  	_ =	shalt  }
0x64: {  	_ =	shalt  }
0x65: {  	_ =	shalt  }
0x66: {  	_ =	shalt  }
0x67: {  	_ =	shalt  }
0x68: {  	_ =	shalt  }
0x69: {  	_ =	shalt  }
0x6a: {  	_ =	shalt  }
0x6b: {  	_ =	shalt  }
0x6c: {  	_ =	shalt  }
0x6d: {  	_ =	shalt  }
0x6e: {  	_ =	shalt  }
0x6f: {  	_ =	shalt  }
0x70: {  	_ =	shalt  }
0x71: {  	_ =	shalt  }
0x72: {  	_ =	shalt  }
0x73: {  	_ =	shalt  }
0x74: {  	_ =	shalt  }
0x75: {  	_ =	shalt  }
0x76: {  	_ =	shalt  }
0x77: {  	_ =	shalt  }
0x78: {  	_ =	shalt  }
0x79: {  	_ =	shalt  }
0x7a: {  	_ =	shalt  }
0x7b: {  	_ =	shalt  }
0x7c: {  	_ =	shalt  }
0x7d: {  	_ =	shalt  }
0x7e: {  	_ =	shalt  }
0x7f: {  	_ =	shalt  }
0x80: {  	_ =	shalt  }
0x81: {  	_ =	shalt  }
0x82: {  	_ =	shalt  }
0x83: {  	_ =	shalt  }
0x84: {  	_ =	shalt  }
0x85: {  	_ =	shalt  }
0x86: {  	_ =	shalt  }
0x87: {  	_ =	shalt  }
.Lfunc_end0:
.L_simem_size_0:
called_computation_lowered:
.L_overlay_start_0:
0x88: {  	s2 =	sld [smem:$0x3FD9]  }
0x89: {  	s3 =	sld [smem:$0x3FFE];
	_ =	sdelay $0x1  }
0x8a: {  	s1 =	srdreg.scid  }
0x8b: {  	s0 =	sand.u32 $0x1, s1  }
0x8c: {  	s17 =	sshll.u32 s0, $0xA;
	s2 =	sadd.s32 s3, s2  }
0x8d: {  	s2 =	sadd.s32 s2, s17  }
0x8e: {  	[smem:$0x3FC5] =	sst s2  }
0x8f: {  	_ = 	snop  }
0x90: {  	s2 =	sld [smem:$0x3FC8]  }
0x91: {  	s18 =	sld [smem:$0x3FD0];
	(tm) =	ssettm $0x1  }
0x92: {  	s4 =	sld [smem:$0x3FFB];
	_ =	sdelay $0x3  }
0x93: {  	_ =	strace s4  }
0x94: {  	s4 =	sld [smem:$0x3FFC];
	_ =	sdelay $0x3  }
0x95: {  	_ =	strace s4  }
0x96: {  	s4 =	sld [smem:$0x3FFD];
	_ =	sdelay $0x3  }
0x97: {  	_ =	strace s4  }
0x98: {  	_ =	strace $0x8FFFFFFF  }
0x99: {  	s19 =	sld [smem:$0x3FDB];
	_ =	sdelay $0x1  }
0x9a: {  	s5 =	simm.s32 $_scs_section_size  }
0x9b: {  	s6 =	simm.s32 $_size__tile_overlayer_lowered;
	s7 =	simm.s32 $_tile_overlayer_lowered  }
0x9c: {  	s22 =	simm.s32 $0x1BFF;
	s21 =	sshll.u32 s7, $0x1;
	s4 =	sadd.s32 s5, s19  }
0x9d: {  	s8 =	simm.s32 $0x0;
	s20 =	sshll.u32 s6, $0x1;
	s6 =	sadd.s32 s21, s4  }
0x9e: {  	[timem:s8], [sflag:s22] =	dma.local [hbm:s6], s20  }
0x9f: {  	_ =	swait.ge [sflag:s22], s20  }
0xa0: {  	s5 =	ssub.s32 $0x0, s20;
	[sflag:s22] =	ssyncset.done $0x0  }
0xa1: {  	[sflag:s22] =	ssyncadd.s32 s5;
	_ =	sdelay $0x1  }
0xa2: {  	s23 =	simm.s32 $0x1B8B  }
0xa3: {  	_ =	swait.ge [sflag:s23], $0x1  }
0xa4: {  	[sflag:s23] =	ssyncset.done $0x0  }
0xa5: {  	s25 =	simm.s32 $0x1B8E;
	s24 =	sld [smem:$0x3FFE];
	[sflag:s23] =	ssyncadd.s32 $0xFFFFFFFF  }
0xa6: {  	s26 =	simm.s32 $execute0_lowered;
	[smem:$0x3FD2] =	sst s25  }
0xa7: {  	s6 =	sshll.u32 s26, $0x1;
	_ =	strace $0x80000046;
	[dreg:$0x1] =	wrdreg $0xFFFFFFFF  }
0xa8: {  	s28 =	simm.s32 $_size_execute0_lowered;
	s4 =	sadd.s32 s4, s6;
	[dreg:$0x0] =	wrdreg $0x0  }
0xa9: {  	s6 =	sshll.u32 s28, $0x1;
	[dreg:$0x2] =	wrdreg s4  }
0xaa: {  	[dreg:$0x3] =	wrdreg s6  }
0xab: {  	[dreg:$0x4] =	wrdreg $0xC0  }
0xac: {  	_ =	task [dreg:s8], $0x5FFFF  }
0xad: {  	[dreg:$0x1] =	wrdreg $0xFFFFFFFF  }
0xae: {  	[dreg:$0x0] =	wrdreg $0x60  }
0xaf: {  	[dreg:$0x2] =	wrdreg s24  }
0xb0: {  	[dreg:$0x3] =	wrdreg s2  }
0xb1: {  	[dreg:$0x4] =	wrdreg s18  }
0xb2: {  	[dreg:$0x5] =	wrdreg $0x9  }
0xb3: {  	_ =	task.clear_ibuf [dreg:s8], $0x6FFFF;
	_ =	strace $0x90000046  }
0xb4: {  	s29 =	simm.s32 $0x9;
	_ =	strace $0x80000048  }
0xb5: {  	_ =	swait.ge [sflag:s29], $0x1  }
0xb6: {  	[sflag:s29] =	ssyncadd.s32 $0xFFFFFFFF  }
0xb7: {  	_ =	strace $0x90000048  }
0xb8: {  	_ =	sfence  }
0xb9: {  	s30 =	sld [smem:$0x0];
	_ =	sdelay $0x2  }
0xba: {  	s31 =	sshll.u32 s1, $0xD;
	s1 =	sshrl.u32 s1, $0x2  }
0xbb: {  	s3 =	sand.u32 $0x4000, s31;
	s1 =	sadd.s32 s1, s30  }
0xbc: {  	s0 =	sor.u32 s3, s0;
	s1 =	sshll.u32 s1, $0x11  }
0xbd: {  	s0 =	sor.u32 s1, s0  }
0xbe: {  	s0 =	sadd.s32 $0x8F2B, s0  }
0xbf: {  	[sflag:s0] =	ssyncadd.remote.s32 $0x1  }
0xc0: {  	_ =	sfence.sel $0xFFFF  }
0xc1: {  	[dreg:$0x0] =	wrdreg $0xFFFFFFFF;
	(pc) =	sbr.abs _section_cstart, $3  }
0xc2: {  	[dreg:$0x1] =	wrdreg $0xFFFFFFFF  }
0xc3: {  	_ =	task.clear_ibuf [dreg:s8], $0x2FFFF;
	_ =	strace $0x9FFFFFFF  }
0xc4: {  	(tm) =	ssettm $0x7FFFFFFF  }
0xc5: {  	_ =	shalt  }
tec
execute0_lowered:
.L_overlay_start_1:
0x0: {  	(tag) =	ssettag $0x1  }
0x1: {  	s4 =	rddreg [dreg:$0x0]  }
0x2: {  	s2 =	rddreg [dreg:$0x1]  }
0x3: {  	s5 =	rddreg [dreg:$0x2]  }
0x4: {  	s0 =	rddreg [dreg:$0x3];
	s6 =	srdreg.scid  }
0x5: {  	s1 =	stileid.u32;
	s3 =	simm.s32 $0x0;
	v0 =	vimm.s32 $0xEFCDAB89;
	s9 =	simm.s32 $0x400  }
0x6: {  	v1 =	vimm.s32 $0x67452301;
	s10 =	simm.s32 $0x600;
	s11 =	simm.s32 $0x480;
	s12 =	simm.s32 $0x4600  }
0x7: {  	s13 =	simm.s32 $0x500;
	s14 =	simm.s32 $0x8600;
	s15 =	simm.s32 $0x580;
	v0 =	vunpack.c.l.s4.s8 v0;
	v1 =	vunpack.c.l.s4.s8 v1  }
0x8: {  	s16 =	simm.s32 $0xC600;
	s6 =	sand.u32 $0x1, s6;
	s7 =	sshll.u32 s1, $0x1  }
0x9: {  	v2 =	vlaneseq.u32;
	s17 =	simm.s32 $0x1;
	[smem:$0x7FF] =	sst s3;
	s7 =	sor.u32 s6, s7;
	v0 =	vunpack.c.0.s8.s32 v0;
	v1 =	vunpack.c.0.s8.s32 v1  }
0xa: {  	v3 =	vand.u32 $0x1, v2;
	_ =	strace $0x80000047;
	s6 =	ssub.s32 $0x2, s6;
	s8 =	sshll.u32 s7, $0x7  }
0xb: {  	v3 =	vmul.u32 $0xFFFFFFF7, v3;
	s31 =	sshrl.u32 s6, $0x1;
	s7 =	sshll.u32 s7, $0xD;
	s4 =	sadd.s32 s8, s4;
	v1 =	vcombine.low v1, v0  }
0xc: {  	vm0 =	vmmov $0xff;
	v2 =	vand.u32 $0x7, v2;
	s6 =	ssub.s32 s6, s31;
	s5 =	sadd.s32 s5, s7;
	s7 =	simm.s32 $0x2  }
0xd: {  	v2 =	vmul.u32 $0x2, v2;
	s8 =	simm.s32 $0x80;
	s4 =	sadd.s32 $0xC00, s4;
	s6 =	smax.u32 s6, $0x1;
	v0 =	vadd.s32 $0x9, v3;
	v1 =	vand.u32 $0xF, v1  }
.LBB2_1:
0xe: {  	[tilespmem:s3], [sflag:$0x2] =	stream.linear.gather [hbm4b:s4+s3], $0x400, $0x38;
	[tilespmem:$0x10600] =	vst v63  }
0xf: {  	_ =	swait.ge [sflag:s7], $0x400  }
0x10: {  	[sflag:s7] =	ssyncset.done $0x0  }
0x11: {  	[sflag:s7] =	ssyncadd.s32 $0xFFFFFC00  }
0x12: {  	v3 =	vld [tilespmem:$0x0]  }
0x13: {  	v4 =	vld [tilespmem:$0x10]  }
0x14: {  	v5 =	vld [tilespmem:$0x20]  }
0x15: {  	v6 =	vld [tilespmem:$0x30]  }
0x16: {  	v8 =	vld [tilespmem:$0x40]  }
0x17: {  	v10 =	vld [tilespmem:$0x50]  }
0x18: {  	v36 =	vld [tilespmem:$0x70]  }
0x19: {  	v12 =	vld [tilespmem:$0x80]  }
0x1a: {  	v13 =	vld [tilespmem:$0x90]  }
0x1b: {  	v48 =	vld [tilespmem:$0xB0]  }
0x1c: {  	v14 =	vld [tilespmem:$0xC0]  }
0x1d: {  	v15 =	vld [tilespmem:$0xD0]  }
0x1e: {  	v60 =	vld [tilespmem:$0xE0];
	v3 =	vmul.f32 $1.019999980e+00, v3  }
0x1f: {  	v61 =	vld [tilespmem:$0xF0];
	v4 =	vmul.f32 $1.019999980e+00, v4;
	v5 =	vmul.f32 $1.019999980e+00, v5  }
0x20: {  	v16 =	vld [tilespmem:$0x100];
	v6 =	vmul.f32 $1.019999980e+00, v6;
	v30 =	vmul.f32 $1.019999980e+00, v8  }
0x21: {  	v17 =	vld [tilespmem:$0x110];
	v31 =	vmul.f32 $1.019999980e+00, v10;
	v10 =	vmul.f32 $1.019999980e+00, v36  }
0x22: {  	v29 =	vld [tilespmem:$0x120];
	v42 =	vmul.f32 $1.019999980e+00, v12;
	v43 =	vmul.f32 $1.019999980e+00, v13  }
0x23: {  	v12 =	vmul.f32 $1.019999980e+00, v48;
	v55 =	vmul.f32 $1.019999980e+00, v14  }
0x24: {  	v56 =	vmul.f32 $1.019999980e+00, v15;
	v13 =	vmul.f32 $1.019999980e+00, v60  }
0x25: {  	v14 =	vmul.f32 $1.019999980e+00, v61;
	v24 =	vmul.f32 $1.019999980e+00, v16;
	v3 =	vadd.f32 $-9.999999770e-03, v3  }
0x26: {  	v25 =	vmul.f32 $1.019999980e+00, v17;
	v4 =	vadd.f32 $-9.999999770e-03, v4;
	v5 =	vadd.f32 $-9.999999770e-03, v5  }
0x27: {  	v15 =	vmul.f32 $1.019999980e+00, v29;
	v6 =	vadd.f32 $-9.999999770e-03, v6;
	v39 =	vadd.f32 $-9.999999770e-03, v10  }
0x28: {  	v52 =	vadd.f32 $-9.999999770e-03, v12;
	v13 =	vadd.f32 $-9.999999770e-03, v13;
	v3 =	vmul.f32 $5.120000000e+02, v3  }
0x29: {  	v21 =	vadd.f32 $-9.999999770e-03, v14;
	v4 =	vmul.f32 $5.120000000e+02, v4;
	v5 =	vmul.f32 $5.120000000e+02, v5  }
0x2a: {  	v15 =	vadd.f32 $-9.999999770e-03, v15;
	v6 =	vmul.f32 $5.120000000e+02, v6;
	v8 =	vmul.f32 $5.120000000e+02, v39  }
0x2b: {  	v10 =	vmul.f32 $5.120000000e+02, v52;
	v23 =	vmul.f32 $5.120000000e+02, v13  }
0x2c: {  	v12 =	vmul.f32 $5.120000000e+02, v21;
	v36 =	vmul.f32 $5.120000000e+02, v15  }
0x2d: {  	v3 =	vtrunc.f32 v3;
	v4 =	vtrunc.f32 v4  }
0x2e: {  	v13 =	vadd.f32 $-9.999999770e-03, v24;
	v5 =	vtrunc.f32 v5;
	v6 =	vtrunc.f32 v6  }
0x2f: {  	v8 =	vtrunc.f32 v8;
	v10 =	vtrunc.f32 v10  }
0x30: {  	v12 =	vtrunc.f32 v12;
	v13 =	vmul.f32 $5.120000000e+02, v13  }
0x31: {  	v33 =	vadd.f32 $-9.999999770e-03, v31;
	v3 =	vcvt.f32.s32 v3;
	v4 =	vcvt.f32.s32 v4  }
0x32: {  	v45 =	vadd.f32 $-9.999999770e-03, v43;
	v5 =	vcvt.f32.s32 v5;
	v32 =	vcvt.f32.s32 v6  }
0x33: {  	v58 =	vadd.f32 $-9.999999770e-03, v56;
	v6 =	vmul.f32 $5.120000000e+02, v33;
	v44 =	vcvt.f32.s32 v8  }
0x34: {  	v27 =	vadd.f32 $-9.999999770e-03, v25;
	v8 =	vmul.f32 $5.120000000e+02, v45;
	v57 =	vcvt.f32.s32 v10  }
0x35: {  	v10 =	vmul.f32 $5.120000000e+02, v58;
	v26 =	vcvt.f32.s32 v12  }
0x36: {  	v12 =	vmul.f32 $5.120000000e+02, v27;
	v13 =	vtrunc.f32 v13  }
0x37: {  	vm1 =	vgt.s32 v3, $0x0;
	v6 =	vtrunc.f32 v6;
	v8 =	vtrunc.f32 v8  }
0x38: {  	vm2 =	vgt.s32 v5, $0x0;
	v10 =	vtrunc.f32 v10;
	v13 =	vcvt.f32.s32 v13  }
0x39: {  	v12 =	vtrunc.f32 v12;
	v3 =	vnsel vm1, $0x0, v3;
	vm1 =	vgt.s32 v4, $0x0  }
0x3a: {  	v35 =	vld [tilespmem:$0x60];
	v5 =	vnsel vm2, $0x0, v5;
	v3 =	vmin.u32 v3, $0x200;
	v4 =	vnsel vm1, $0x0, v4  }
0x3b: {  	v6 =	vcvt.f32.s32 v6;
	v4 =	vmin.u32 v4, $0x200;
	v3 =	vshll.u32 v3, v0  }
0x3c: {  	v5 =	vmin.u32 v5, $0x200;
	v4 =	vshll.u32 v4, v0;
	v7 =	vperm.xlane v3, v1  }
0x3d: {  	v8 =	vcvt.f32.s32 v8;
	v5 =	vshll.u32 v5, v0;
	v9 =	vperm.xlane v4, v1  }
0x3e: {  	v34 =	vperm.xlane v5, v1;
	v3 =	vadd.s32 v7, v3;
	v7 =	vadd.f32 $-9.999999770e-03, v30  }
0x3f: {  	v4 =	vadd.s32 v9, v4;
	v3 =	vperm.xlane v3, v2;
	v9 =	vmul.f32 $1.019999980e+00, v35  }
0x40: {  	vm2 =	vgt.s32 v32, $0x0;
	v30 =	vld [tilespmem:$0x130];
	v4 =	vperm.xlane v4, v2;
	v7 =	vmul.f32 $5.120000000e+02, v7  }
0x41: {  	v10 =	vcvt.f32.s32 v10;
	v12 =	vcvt.f32.s32 v12;
	v5 =	vadd.s32 v34, v5  }
0x42: {  	v9 =	vadd.f32 $-9.999999770e-03, v9;
	v3 =	vsel vm0, v3, v4;
	v7 =	vtrunc.f32 v7  }
0x43: {  	v4 =	vnsel vm2, $0x0, v32;
	vm1 =	vlt.s32 v3, $0x3FFFF;
	v7 =	vcvt.f32.s32 v7  }
0x44: {  	v18 =	vld [tilespmem:$0x140];
	v4 =	vmin.u32 v4, $0x200;
	v41 =	vmul.f32 $5.120000000e+02, v9;
	v9 =	vadd.f32 $-9.999999770e-03, v42  }
0x45: {  	v43 =	vld [tilespmem:$0x170];
	v16 =	vmul.f32 $1.019999980e+00, v30;
	v3 =	vnsel vm1, $0x3FFFF, v3;
	v4 =	vshll.u32 v4, v0  }
0x46: {  	vm1 =	vgt.s32 v7, $0x0;
	v37 =	vperm.xlane v4, v1;
	v9 =	vmul.f32 $5.120000000e+02, v9  }
0x47: {  	v42 =	vld [tilespmem:$0x160];
	v34 =	vadd.f32 $-9.999999770e-03, v16;
	v7 =	vnsel vm1, $0x0, v7;
	vm1 =	vgt.s32 v6, $0x0  }
0x48: {  	v5 =	vperm.xlane v5, v2;
	v7 =	vmin.u32 v7, $0x200;
	v6 =	vnsel vm1, $0x0, v6  }
0x49: {  	v4 =	vadd.s32 v37, v4;
	v9 =	vtrunc.f32 v9;
	v14 =	vmul.f32 $5.120000000e+02, v34  }
0x4a: {  	v47 =	vld [tilespmem:$0xA0];
	v37 =	vmul.f32 $1.019999980e+00, v18;
	v18 =	vmul.f32 $1.019999980e+00, v43;
	v6 =	vmin.u32 v6, $0x200  }
0x4b: {  	v19 =	vld [tilespmem:$0x150];
	v7 =	vshll.u32 v7, v0;
	v4 =	vperm.xlane v4, v2;
	v9 =	vcvt.f32.s32 v9  }
0x4c: {  	v17 =	vmul.f32 $1.019999980e+00, v42;
	v6 =	vshll.u32 v6, v0;
	v11 =	vperm.xlane v7, v1  }
0x4d: {  	v14 =	vtrunc.f32 v14;
	v15 =	vadd.f32 $-9.999999770e-03, v37;
	v38 =	vperm.xlane v6, v1  }
0x4e: {  	v4 =	vsel vm0, v5, v4;
	v39 =	vcvt.f32.s32 v14;
	v7 =	vadd.s32 v11, v7  }
0x4f: {  	v11 =	vmul.f32 $1.019999980e+00, v47;
	v15 =	vmul.f32 $5.120000000e+02, v15;
	v47 =	vadd.f32 $-9.999999770e-03, v18  }
0x50: {  	v6 =	vadd.s32 v38, v6;
	v7 =	vperm.xlane v7, v2;
	v38 =	vmul.f32 $1.019999980e+00, v19  }
0x51: {  	vm1 =	vlt.s32 v4, $0x3FFFF;
	v40 =	vperm.xlane v6, v2;
	v6 =	vtrunc.f32 v41  }
0x52: {  	v11 =	vadd.f32 $-9.999999770e-03, v11;
	v15 =	vtrunc.f32 v15;
	v16 =	vmul.f32 $5.120000000e+02, v47  }
0x53: {  	v4 =	vnsel vm1, $0x3FFFF, v4;
	v6 =	vcvt.f32.s32 v6;
	v15 =	vcvt.f32.s32 v15  }
0x54: {  	v5 =	vsel vm0, v7, v40;
	v54 =	vmul.f32 $5.120000000e+02, v11;
	v11 =	vadd.f32 $-9.999999770e-03, v55  }
0x55: {  	v40 =	vadd.f32 $-9.999999770e-03, v38;
	v16 =	vtrunc.f32 v16;
	vm2 =	vgt.s32 v6, $0x0  }
0x56: {  	vm1 =	vlt.s32 v5, $0x3FFFF;
	v52 =	vcvt.f32.s32 v16;
	v6 =	vnsel vm2, $0x0, v6  }
0x57: {  	vm2 =	vgt.s32 v44, $0x0;
	v5 =	vnsel vm1, $0x3FFFF, v5;
	vm1 =	vgt.s32 v9, $0x0  }
0x58: {  	v11 =	vmul.f32 $5.120000000e+02, v11;
	v14 =	vmul.f32 $5.120000000e+02, v40;
	v6 =	vmin.u32 v6, $0x200  }
0x59: {  	v7 =	vnsel vm2, $0x0, v44;
	v9 =	vnsel vm1, $0x0, v9;
	vm1 =	vgt.s32 v8, $0x0  }
0x5a: {  	v55 =	vld [tilespmem:$0x1A0];
	v6 =	vshll.u32 v6, v0;
	v7 =	vmin.u32 v7, $0x200;
	v9 =	vmin.u32 v9, $0x200  }
0x5b: {  	v8 =	vnsel vm1, $0x0, v8;
	v11 =	vtrunc.f32 v11;
	v14 =	vtrunc.f32 v14  }
0x5c: {  	v46 =	vperm.xlane v6, v1;
	v7 =	vshll.u32 v7, v0;
	v8 =	vmin.u32 v8, $0x200  }
0x5d: {  	v9 =	vshll.u32 v9, v0;
	v11 =	vcvt.f32.s32 v11;
	v14 =	vcvt.f32.s32 v14  }
0x5e: {  	v21 =	vld [tilespmem:$0x190];
	v49 =	vperm.xlane v7, v1;
	v8 =	vshll.u32 v8, v0;
	v50 =	vperm.xlane v9, v1  }
0x5f: {  	v19 =	vmul.f32 $1.019999980e+00, v55;
	v6 =	vadd.s32 v46, v6;
	v51 =	vperm.xlane v8, v1  }
0x60: {  	v6 =	vperm.xlane v6, v2;
	v7 =	vadd.s32 v49, v7;
	v9 =	vadd.s32 v50, v9  }
0x61: {  	v7 =	vperm.xlane v7, v2;
	v8 =	vadd.s32 v51, v8;
	v9 =	vperm.xlane v9, v2  }
0x62: {  	v17 =	vadd.f32 $-9.999999770e-03, v17;
	v53 =	vperm.xlane v8, v2;
	v8 =	vtrunc.f32 v54  }
0x63: {  	v51 =	vmul.f32 $1.019999980e+00, v21;
	v6 =	vsel vm0, v6, v7;
	v8 =	vcvt.f32.s32 v8  }
0x64: {  	v49 =	vmul.f32 $5.120000000e+02, v17;
	vm1 =	vlt.s32 v6, $0x3FFFF;
	v7 =	vsel vm0, v9, v53  }
0x65: {  	v53 =	vadd.f32 $-9.999999770e-03, v51;
	v6 =	vnsel vm1, $0x3FFFF, v6;
	vm2 =	vgt.s32 v8, $0x0  }
0x66: {  	vm1 =	vlt.s32 v7, $0x3FFFF;
	v8 =	vnsel vm2, $0x0, v8;
	vm2 =	vgt.s32 v57, $0x0  }
0x67: {  	v7 =	vnsel vm1, $0x3FFFF, v7;
	vm1 =	vgt.s32 v11, $0x0;
	v16 =	vmul.f32 $5.120000000e+02, v53  }
0x68: {  	v8 =	vmin.u32 v8, $0x200;
	v9 =	vnsel vm2, $0x0, v57;
	v11 =	vnsel vm1, $0x0, v11  }
0x69: {  	vm1 =	vgt.s32 v10, $0x0;
	v8 =	vshll.u32 v8, v0;
	v9 =	vmin.u32 v9, $0x200  }
0x6a: {  	v11 =	vmin.u32 v11, $0x200;
	v10 =	vnsel vm1, $0x0, v10;
	v59 =	vperm.xlane v8, v1  }
0x6b: {  	v9 =	vshll.u32 v9, v0;
	v10 =	vmin.u32 v10, $0x200;
	v11 =	vshll.u32 v11, v0  }
0x6c: {  	v62 =	vperm.xlane v9, v1;
	v10 =	vshll.u32 v10, v0;
	v63 =	vperm.xlane v11, v1  }
0x6d: {  	v16 =	vtrunc.f32 v16;
	v8 =	vadd.s32 v59, v8;
	v20 =	vperm.xlane v10, v1  }
0x6e: {  	v8 =	vperm.xlane v8, v2;
	v9 =	vadd.s32 v62, v9;
	v11 =	vadd.s32 v63, v11  }
0x6f: {  	v56 =	vld [tilespmem:$0x1B0];
	v9 =	vperm.xlane v9, v2;
	v10 =	vadd.s32 v20, v10;
	v11 =	vperm.xlane v11, v2  }
0x70: {  	v19 =	vadd.f32 $-9.999999770e-03, v19;
	v20 =	vld [tilespmem:$0x180];
	v22 =	vperm.xlane v10, v2;
	v10 =	vtrunc.f32 v23  }
0x71: {  	v16 =	vcvt.f32.s32 v16;
	v8 =	vsel vm0, v8, v9;
	v10 =	vcvt.f32.s32 v10  }
0x72: {  	v62 =	vmul.f32 $5.120000000e+02, v19;
	v23 =	vld [tilespmem:$0x1D0];
	vm1 =	vlt.s32 v8, $0x3FFFF;
	v9 =	vsel vm0, v11, v22  }
0x73: {  	v8 =	vnsel vm1, $0x3FFFF, v8;
	vm1 =	vlt.s32 v9, $0x3FFFF;
	vm2 =	vgt.s32 v10, $0x0  }
0x74: {  	v10 =	vnsel vm2, $0x0, v10;
	vm2 =	vgt.s32 v26, $0x0;
	v9 =	vnsel vm1, $0x3FFFF, v9  }
0x75: {  	v29 =	vld [tilespmem:$0x1F0];
	vm1 =	vgt.s32 v13, $0x0;
	v50 =	vmul.f32 $1.019999980e+00, v20;
	v20 =	vmul.f32 $1.019999980e+00, v56  }
0x76: {  	v22 =	vld [tilespmem:$0x1C0];
	v10 =	vmin.u32 v10, $0x200;
	v11 =	vnsel vm2, $0x0, v26;
	v13 =	vnsel vm1, $0x0, v13  }
0x77: {  	vm1 =	vgt.s32 v12, $0x0;
	v24 =	vmul.f32 $1.019999980e+00, v23;
	v10 =	vshll.u32 v10, v0  }
0x78: {  	v11 =	vmin.u32 v11, $0x200;
	v13 =	vmin.u32 v13, $0x200;
	v12 =	vnsel vm1, $0x0, v12  }
0x79: {  	v17 =	vadd.f32 $-9.999999770e-03, v50;
	v60 =	vadd.f32 $-9.999999770e-03, v20;
	v28 =	vperm.xlane v10, v1  }
0x7a: {  	v11 =	vshll.u32 v11, v0;
	v12 =	vmin.u32 v12, $0x200;
	v13 =	vshll.u32 v13, v0  }
0x7b: {  	v63 =	vmul.f32 $1.019999980e+00, v22;
	v26 =	vadd.f32 $-9.999999770e-03, v24;
	v22 =	vmul.f32 $1.019999980e+00, v29  }
0x7c: {  	v31 =	vperm.xlane v11, v1;
	v12 =	vshll.u32 v12, v0;
	v32 =	vperm.xlane v13, v1  }
0x7d: {  	v17 =	vmul.f32 $5.120000000e+02, v17;
	v18 =	vmul.f32 $5.120000000e+02, v60;
	v10 =	vadd.s32 v28, v10  }
0x7e: {  	v40 =	vld [tilespmem:$0x220];
	v33 =	vperm.xlane v12, v1;
	v10 =	vperm.xlane v10, v2;
	v11 =	vadd.s32 v31, v11  }
0x7f: {  	v24 =	vld [tilespmem:$0x200];
	v13 =	vadd.s32 v32, v13;
	v17 =	vtrunc.f32 v17;
	v18 =	vtrunc.f32 v18  }
0x80: {  	v42 =	vld [tilespmem:$0x230];
	v19 =	vadd.f32 $-9.999999770e-03, v63;
	v11 =	vperm.xlane v11, v2;
	v13 =	vperm.xlane v13, v2  }
0x81: {  	v17 =	vcvt.f32.s32 v17;
	v25 =	vcvt.f32.s32 v18  }
0x82: {  	v12 =	vadd.s32 v33, v12;
	v19 =	vmul.f32 $5.120000000e+02, v19;
	v18 =	vmul.f32 $5.120000000e+02, v26  }
0x83: {  	v33 =	vadd.f32 $-9.999999770e-03, v22;
	v22 =	vmul.f32 $1.019999980e+00, v40;
	v35 =	vperm.xlane v12, v2  }
0x84: {  	v28 =	vld [tilespmem:$0x1E0];
	v12 =	vtrunc.f32 v36;
	v36 =	vmul.f32 $1.019999980e+00, v24  }
0x85: {  	v24 =	vmul.f32 $1.019999980e+00, v42;
	v12 =	vcvt.f32.s32 v12  }
0x86: {  	v10 =	vsel vm0, v10, v11;
	v19 =	vtrunc.f32 v19;
	v18 =	vtrunc.f32 v18  }
0x87: {  	v20 =	vmul.f32 $5.120000000e+02, v33;
	v22 =	vadd.f32 $-9.999999770e-03, v22;
	vm1 =	vlt.s32 v10, $0x3FFFF  }
0x88: {  	v26 =	vld [tilespmem:$0x240];
	v11 =	vsel vm0, v13, v35;
	v19 =	vcvt.f32.s32 v19;
	v18 =	vcvt.f32.s32 v18  }
0x89: {  	v21 =	vmul.f32 $1.019999980e+00, v28;
	v10 =	vnsel vm1, $0x3FFFF, v10;
	vm1 =	vlt.s32 v11, $0x3FFFF  }
0x8a: {  	vm2 =	vgt.s32 v12, $0x0;
	v20 =	vtrunc.f32 v20;
	v22 =	vmul.f32 $5.120000000e+02, v22  }
0x8b: {  	v12 =	vnsel vm2, $0x0, v12;
	vm2 =	vgt.s32 v39, $0x0;
	v11 =	vnsel vm1, $0x3FFFF, v11  }
0x8c: {  	vm1 =	vgt.s32 v15, $0x0;
	v21 =	vadd.f32 $-9.999999770e-03, v21;
	v38 =	vcvt.f32.s32 v20  }
0x8d: {  	v50 =	vmul.f32 $1.019999980e+00, v26;
	v12 =	vmin.u32 v12, $0x200;
	v13 =	vnsel vm2, $0x0, v39  }
0x8e: {  	v15 =	vnsel vm1, $0x0, v15;
	vm1 =	vgt.s32 v14, $0x0;
	v22 =	vtrunc.f32 v22  }
0x8f: {  	v12 =	vshll.u32 v12, v0;
	v13 =	vmin.u32 v13, $0x200;
	v15 =	vmin.u32 v15, $0x200  }
0x90: {  	v14 =	vnsel vm1, $0x0, v14;
	v35 =	vmul.f32 $5.120000000e+02, v21;
	v21 =	vadd.f32 $-9.999999770e-03, v36  }
0x91: {  	v41 =	vperm.xlane v12, v1;
	v13 =	vshll.u32 v13, v0;
	v14 =	vmin.u32 v14, $0x200  }
0x92: {  	v51 =	vld [tilespmem:$0x260];
	v15 =	vshll.u32 v15, v0;
	v44 =	vperm.xlane v13, v1;
	v14 =	vshll.u32 v14, v0  }
0x93: {  	v45 =	vperm.xlane v15, v1;
	v21 =	vmul.f32 $5.120000000e+02, v21;
	v12 =	vadd.s32 v41, v12  }
0x94: {  	v46 =	vperm.xlane v14, v1;
	v12 =	vperm.xlane v12, v2;
	v13 =	vadd.s32 v44, v13  }
0x95: {  	v15 =	vadd.s32 v45, v15;
	v21 =	vtrunc.f32 v21;
	v13 =	vperm.xlane v13, v2  }
0x96: {  	v14 =	vadd.s32 v46, v14;
	v15 =	vperm.xlane v15, v2;
	v21 =	vcvt.f32.s32 v21  }
0x97: {  	v46 =	vadd.f32 $-9.999999770e-03, v24;
	v24 =	vmul.f32 $1.019999980e+00, v51;
	v48 =	vperm.xlane v14, v2  }
0x98: {  	v14 =	vtrunc.f32 v49;
	v49 =	vcvt.f32.s32 v22  }
0x99: {  	v22 =	vadd.f32 $-9.999999770e-03, v50;
	v12 =	vsel vm0, v12, v13;
	v14 =	vcvt.f32.s32 v14  }
0x9a: {  	v23 =	vmul.f32 $5.120000000e+02, v46;
	v24 =	vadd.f32 $-9.999999770e-03, v24;
	vm1 =	vlt.s32 v12, $0x3FFFF  }
0x9b: {  	v13 =	vsel vm0, v15, v48;
	v22 =	vmul.f32 $5.120000000e+02, v22;
	v12 =	vnsel vm1, $0x3FFFF, v12  }
0x9c: {  	vm1 =	vlt.s32 v13, $0x3FFFF;
	vm2 =	vgt.s32 v14, $0x0;
	v23 =	vtrunc.f32 v23  }
0x9d: {  	v24 =	vmul.f32 $5.120000000e+02, v24;
	v14 =	vnsel vm2, $0x0, v14;
	vm2 =	vgt.s32 v52, $0x0  }
0x9e: {  	v13 =	vnsel vm1, $0x3FFFF, v13;
	vm1 =	vgt.s32 v17, $0x0;
	v23 =	vcvt.f32.s32 v23  }
0x9f: {  	v22 =	vtrunc.f32 v22;
	v14 =	vmin.u32 v14, $0x200;
	v15 =	vnsel vm2, $0x0, v52  }
0xa0: {  	v17 =	vnsel vm1, $0x0, v17;
	vm1 =	vgt.s32 v16, $0x0;
	v22 =	vcvt.f32.s32 v22  }
0xa1: {  	v14 =	vshll.u32 v14, v0;
	v15 =	vmin.u32 v15, $0x200;
	v16 =	vnsel vm1, $0x0, v16  }
0xa2: {  	v17 =	vmin.u32 v17, $0x200;
	v15 =	vshll.u32 v15, v0;
	v16 =	vmin.u32 v16, $0x200  }
0xa3: {  	v54 =	vperm.xlane v14, v1;
	v57 =	vperm.xlane v15, v1;
	v16 =	vshll.u32 v16, v0  }
0xa4: {  	v55 =	vld [tilespmem:$0x280];
	v24 =	vtrunc.f32 v24;
	v17 =	vshll.u32 v17, v0;
	v59 =	vperm.xlane v16, v1  }
0xa5: {  	v58 =	vperm.xlane v17, v1;
	v14 =	vadd.s32 v54, v14;
	v15 =	vadd.s32 v57, v15  }
0xa6: {  	v14 =	vperm.xlane v14, v2;
	v15 =	vperm.xlane v15, v2;
	v16 =	vadd.s32 v59, v16  }
0xa7: {  	v17 =	vadd.s32 v58, v17;
	v61 =	vperm.xlane v16, v2;
	v16 =	vtrunc.f32 v62  }
0xa8: {  	v17 =	vperm.xlane v17, v2;
	v14 =	vsel vm0, v14, v15;
	v16 =	vcvt.f32.s32 v16  }
0xa9: {  	v24 =	vcvt.f32.s32 v24;
	v57 =	vmul.f32 $1.019999980e+00, v55;
	vm1 =	vlt.s32 v14, $0x3FFFF  }
0xaa: {  	v15 =	vsel vm0, v17, v61;
	v14 =	vnsel vm1, $0x3FFFF, v14;
	vm2 =	vgt.s32 v16, $0x0  }
0xab: {  	vm1 =	vlt.s32 v15, $0x3FFFF;
	v16 =	vnsel vm2, $0x0, v16;
	vm2 =	vgt.s32 v25, $0x0  }
0xac: {  	v15 =	vnsel vm1, $0x3FFFF, v15;
	vm1 =	vgt.s32 v19, $0x0;
	v16 =	vmin.u32 v16, $0x200  }
0xad: {  	v52 =	vld [tilespmem:$0x270];
	v17 =	vnsel vm2, $0x0, v25;
	v19 =	vnsel vm1, $0x0, v19;
	vm1 =	vgt.s32 v18, $0x0  }
0xae: {  	v25 =	vld [tilespmem:$0x210];
	v16 =	vshll.u32 v16, v0;
	v17 =	vmin.u32 v17, $0x200;
	v19 =	vmin.u32 v19, $0x200  }
0xaf: {  	v29 =	vld [tilespmem:$0x2B0];
	v18 =	vnsel vm1, $0x0, v18;
	v27 =	vperm.xlane v16, v1;
	v17 =	vshll.u32 v17, v0  }
0xb0: {  	v18 =	vmin.u32 v18, $0x200;
	v19 =	vshll.u32 v19, v0;
	v30 =	vperm.xlane v17, v1  }
0xb1: {  	v18 =	vshll.u32 v18, v0;
	v31 =	vperm.xlane v19, v1;
	v16 =	vadd.s32 v27, v16  }
0xb2: {  	v32 =	vperm.xlane v18, v1;
	v16 =	vperm.xlane v16, v2;
	v17 =	vadd.s32 v30, v17  }
0xb3: {  	v19 =	vadd.s32 v31, v19;
	v37 =	vmul.f32 $1.019999980e+00, v25;
	v25 =	vmul.f32 $1.019999980e+00, v52  }
0xb4: {  	v27 =	vld [tilespmem:$0x290];
	v31 =	vmul.f32 $1.019999980e+00, v29;
	v17 =	vperm.xlane v17, v2;
	v18 =	vadd.s32 v32, v18  }
0xb5: {  	v19 =	vperm.xlane v19, v2;
	v34 =	vperm.xlane v18, v2  }
0xb6: {  	v18 =	vtrunc.f32 v35;
	v39 =	vadd.f32 $-9.999999770e-03, v37;
	v25 =	vadd.f32 $-9.999999770e-03, v25  }
0xb7: {  	v33 =	vadd.f32 $-9.999999770e-03, v31;
	v16 =	vsel vm0, v16, v17;
	v18 =	vcvt.f32.s32 v18  }
0xb8: {  	vm1 =	vlt.s32 v16, $0x3FFFF;
	v17 =	vsel vm0, v19, v34;
	v20 =	vmul.f32 $5.120000000e+02, v39  }
0xb9: {  	v36 =	vld [tilespmem:$0x2D0];
	v25 =	vmul.f32 $5.120000000e+02, v25;
	v58 =	vmul.f32 $1.019999980e+00, v27;
	vm2 =	vgt.s32 v18, $0x0  }
0xba: {  	v16 =	vnsel vm1, $0x3FFFF, v16;
	vm1 =	vlt.s32 v17, $0x3FFFF;
	v18 =	vnsel vm2, $0x0, v18  }
0xbb: {  	vm2 =	vgt.s32 v38, $0x0;
	v20 =	vtrunc.f32 v20;
	v17 =	vnsel vm1, $0x3FFFF, v17  }
0xbc: {  	v34 =	vld [tilespmem:$0x2C0];
	vm1 =	vgt.s32 v21, $0x0;
	v25 =	vtrunc.f32 v25;
	v26 =	vadd.f32 $-9.999999770e-03, v58  }
0xbd: {  	v39 =	vld [tilespmem:$0x2E0];
	v18 =	vmin.u32 v18, $0x200;
	v19 =	vnsel vm2, $0x0, v38;
	v20 =	vcvt.f32.s32 v20  }
0xbe: {  	v21 =	vnsel vm1, $0x0, v21;
	v25 =	vcvt.f32.s32 v25;
	v38 =	vmul.f32 $1.019999980e+00, v36  }
0xbf: {  	v18 =	vshll.u32 v18, v0;
	v19 =	vmin.u32 v19, $0x200;
	v21 =	vmin.u32 v21, $0x200  }
0xc0: {  	v26 =	vmul.f32 $5.120000000e+02, v26;
	v41 =	vperm.xlane v18, v1;
	v19 =	vshll.u32 v19, v0  }
0xc1: {  	v30 =	vld [tilespmem:$0x2F0];
	vm1 =	vgt.s32 v20, $0x0;
	v21 =	vshll.u32 v21, v0;
	v27 =	vmul.f32 $1.019999980e+00, v34  }
0xc2: {  	v29 =	vmul.f32 $1.019999980e+00, v39;
	v43 =	vperm.xlane v19, v1;
	v20 =	vnsel vm1, $0x0, v20  }
0xc3: {  	v48 =	vld [tilespmem:$0x250];
	v44 =	vperm.xlane v21, v1;
	v26 =	vtrunc.f32 v26;
	v18 =	vadd.s32 v41, v18  }
0xc4: {  	v20 =	vmin.u32 v20, $0x200;
	v26 =	vcvt.f32.s32 v26;
	v27 =	vadd.f32 $-9.999999770e-03, v27  }
0xc5: {  	v19 =	vadd.s32 v43, v19;
	v20 =	vshll.u32 v20, v0;
	v18 =	vperm.xlane v18, v2  }
0xc6: {  	v21 =	vadd.s32 v44, v21;
	v43 =	vmul.f32 $1.019999980e+00, v30;
	v45 =	vperm.xlane v20, v1  }
0xc7: {  	vm2 =	vgt.s32 v49, $0x0;
	v44 =	vld [tilespmem:$0x300];
	v19 =	vperm.xlane v19, v2;
	v47 =	vperm.xlane v21, v2  }
0xc8: {  	v42 =	vadd.f32 $-9.999999770e-03, v29;
	v21 =	vmul.f32 $1.019999980e+00, v48;
	v27 =	vmul.f32 $5.120000000e+02, v27  }
0xc9: {  	v29 =	vadd.f32 $-9.999999770e-03, v43;
	v20 =	vadd.s32 v45, v20;
	v18 =	vsel vm0, v18, v19  }
0xca: {  	v21 =	vadd.f32 $-9.999999770e-03, v21;
	v27 =	vtrunc.f32 v27;
	v20 =	vperm.xlane v20, v2  }
0xcb: {  	vm1 =	vlt.s32 v18, $0x3FFFF;
	v27 =	vcvt.f32.s32 v27;
	v29 =	vmul.f32 $5.120000000e+02, v29  }
0xcc: {  	v18 =	vnsel vm1, $0x3FFFF, v18;
	v21 =	vmul.f32 $5.120000000e+02, v21;
	v30 =	vmul.f32 $1.019999980e+00, v44  }
0xcd: {  	v45 =	vld [tilespmem:$0x310];
	v19 =	vsel vm0, v47, v20;
	v20 =	vnsel vm2, $0x0, v49;
	vm2 =	vgt.s32 v25, $0x0  }
0xce: {  	v61 =	vld [tilespmem:$0x2A0];
	v29 =	vtrunc.f32 v29;
	vm1 =	vlt.s32 v19, $0x3FFFF;
	v20 =	vmin.u32 v20, $0x200  }
0xcf: {  	v21 =	vtrunc.f32 v21;
	v25 =	vnsel vm2, $0x0, v25;
	v29 =	vcvt.f32.s32 v29  }
0xd0: {  	v48 =	vadd.f32 $-9.999999770e-03, v30;
	v19 =	vnsel vm1, $0x3FFFF, v19;
	vm1 =	vgt.s32 v23, $0x0  }
0xd1: {  	v20 =	vshll.u32 v20, v0;
	v21 =	vcvt.f32.s32 v21;
	v25 =	vmin.u32 v25, $0x200  }
0xd2: {  	v49 =	vmul.f32 $1.019999980e+00, v45;
	v23 =	vnsel vm1, $0x0, v23;
	v53 =	vperm.xlane v20, v1  }
0xd3: {  	vm1 =	vgt.s32 v22, $0x0;
	v60 =	vshll.u32 v25, v0;
	v25 =	vmul.f32 $1.019999980e+00, v61  }
0xd4: {  	v23 =	vmin.u32 v23, $0x200;
	v22 =	vnsel vm1, $0x0, v22;
	vm1 =	vgt.s32 v21, $0x0  }
0xd5: {  	v63 =	vperm.xlane v60, v1;
	v30 =	vadd.f32 $-9.999999770e-03, v49;
	v23 =	vshll.u32 v23, v0  }
0xd6: {  	v45 =	vld [tilespmem:$0x390];
	v20 =	vadd.s32 v53, v20;
	v22 =	vmin.u32 v22, $0x200;
	v21 =	vnsel vm1, $0x0, v21  }
0xd7: {  	vm1 =	vgt.s32 v24, $0x0;
	v25 =	vadd.f32 $-9.999999770e-03, v25;
	v54 =	vperm.xlane v23, v1  }
0xd8: {  	v20 =	vperm.xlane v20, v2;
	v21 =	vmin.u32 v21, $0x200;
	v22 =	vshll.u32 v22, v0  }
0xd9: {  	v24 =	vnsel vm1, $0x0, v24;
	v30 =	vmul.f32 $5.120000000e+02, v30;
	v21 =	vshll.u32 v21, v0  }
0xda: {  	v56 =	vperm.xlane v22, v1;
	v24 =	vmin.u32 v24, $0x200;
	v32 =	vmul.f32 $5.120000000e+02, v25  }
0xdb: {  	v25 =	vmul.f32 $5.120000000e+02, v33;
	v49 =	vmul.f32 $1.019999980e+00, v45;
	v23 =	vadd.s32 v54, v23  }
0xdc: {  	v53 =	vld [tilespmem:$0x340];
	v28 =	vperm.xlane v21, v1;
	v59 =	vshll.u32 v24, v0;
	v30 =	vtrunc.f32 v30  }
0xdd: {  	v33 =	vld [tilespmem:$0x330];
	v24 =	vadd.s32 v63, v60;
	v23 =	vperm.xlane v23, v2;
	v62 =	vperm.xlane v59, v1  }
0xde: {  	v22 =	vadd.s32 v56, v22;
	v24 =	vperm.xlane v24, v2;
	v25 =	vtrunc.f32 v25  }
0xdf: {  	v54 =	vld [tilespmem:$0x350];
	v30 =	vcvt.f32.s32 v30;
	v21 =	vadd.s32 v28, v21;
	v22 =	vperm.xlane v22, v2  }
0xe0: {  	v25 =	vcvt.f32.s32 v25;
	v28 =	vadd.f32 $-9.999999770e-03, v38;
	v20 =	vsel vm0, v20, v23  }
0xe1: {  	v21 =	vperm.xlane v21, v2;
	v23 =	vadd.f32 $-9.999999770e-03, v57;
	v57 =	vmul.f32 $1.019999980e+00, v53  }
0xe2: {  	vm1 =	vlt.s32 v20, $0x3FFFF;
	v28 =	vmul.f32 $5.120000000e+02, v28;
	v52 =	vmul.f32 $1.019999980e+00, v33  }
0xe3: {  	v33 =	vadd.f32 $-9.999999770e-03, v49;
	v21 =	vsel vm0, v22, v21;
	v23 =	vmul.f32 $5.120000000e+02, v23  }
0xe4: {  	v20 =	vnsel vm1, $0x3FFFF, v20;
	v22 =	vadd.s32 v62, v59;
	v60 =	vmul.f32 $1.019999980e+00, v54  }
0xe5: {  	v59 =	vadd.f32 $-9.999999770e-03, v57;
	v22 =	vperm.xlane v22, v2;
	v28 =	vtrunc.f32 v28  }
0xe6: {  	vm1 =	vlt.s32 v21, $0x3FFFF;
	v33 =	vmul.f32 $5.120000000e+02, v33;
	v23 =	vtrunc.f32 v23  }
0xe7: {  	v21 =	vnsel vm1, $0x3FFFF, v21;
	v41 =	vcvt.f32.s32 v28;
	v23 =	vcvt.f32.s32 v23  }
0xe8: {  	v28 =	vmul.f32 $5.120000000e+02, v42;
	v22 =	vsel vm0, v22, v24;
	v24 =	vtrunc.f32 v32  }
0xe9: {  	v54 =	vtrunc.f32 v33;
	v24 =	vcvt.f32.s32 v24;
	vm1 =	vgt.s32 v23, $0x0  }
0xea: {  	v28 =	vtrunc.f32 v28;
	v23 =	vnsel vm1, $0x0, v23;
	vm1 =	vgt.s32 v26, $0x0  }
0xeb: {  	v23 =	vmin.u32 v23, $0x200;
	v26 =	vnsel vm1, $0x0, v26;
	vm1 =	vlt.s32 v22, $0x3FFFF  }
0xec: {  	v23 =	vshll.u32 v23, v0;
	v26 =	vmin.u32 v26, $0x200;
	v22 =	vnsel vm1, $0x3FFFF, v22  }
0xed: {  	vm1 =	vgt.s32 v24, $0x0;
	v35 =	vperm.xlane v23, v1;
	v26 =	vshll.u32 v26, v0  }
0xee: {  	v57 =	vld [tilespmem:$0x3C0];
	v24 =	vnsel vm1, $0x0, v24;
	vm1 =	vgt.s32 v25, $0x0;
	v37 =	vperm.xlane v26, v1  }
0xef: {  	v24 =	vmin.u32 v24, $0x200;
	v25 =	vnsel vm1, $0x0, v25;
	v23 =	vadd.s32 v35, v23  }
0xf0: {  	v50 =	vld [tilespmem:$0x320];
	v24 =	vshll.u32 v24, v0;
	v25 =	vmin.u32 v25, $0x200;
	v26 =	vadd.s32 v37, v26  }
0xf1: {  	v23 =	vperm.xlane v23, v2;
	v40 =	vperm.xlane v24, v1;
	v25 =	vshll.u32 v25, v0  }
0xf2: {  	v26 =	vperm.xlane v26, v2;
	v31 =	vperm.xlane v25, v1  }
0xf3: {  	v61 =	vld [tilespmem:$0x360];
	v28 =	vcvt.f32.s32 v28;
	v38 =	vmul.f32 $1.019999980e+00, v57  }
0xf4: {  	v24 =	vadd.s32 v40, v24;
	v23 =	vsel vm0, v23, v26;
	v25 =	vadd.s32 v31, v25  }
0xf5: {  	v63 =	vld [tilespmem:$0x370];
	v24 =	vperm.xlane v24, v2;
	v31 =	vmul.f32 $1.019999980e+00, v50;
	vm1 =	vlt.s32 v23, $0x3FFFF  }
0xf6: {  	v25 =	vperm.xlane v25, v2;
	v23 =	vnsel vm1, $0x3FFFF, v23;
	vm1 =	vgt.s32 v27, $0x0  }
0xf7: {  	v42 =	vld [tilespmem:$0x380];
	v31 =	vadd.f32 $-9.999999770e-03, v31;
	v27 =	vnsel vm1, $0x0, v27;
	vm1 =	vgt.s32 v41, $0x0  }
0xf8: {  	v40 =	vmul.f32 $1.019999980e+00, v61;
	v24 =	vsel vm0, v24, v25;
	v26 =	vnsel vm1, $0x0, v41  }
0xf9: {  	v27 =	vmin.u32 v27, $0x200;
	vm1 =	vgt.s32 v28, $0x0;
	v31 =	vmul.f32 $5.120000000e+02, v31  }
0xfa: {  	v41 =	vmul.f32 $1.019999980e+00, v63;
	v26 =	vmin.u32 v26, $0x200;
	v27 =	vshll.u32 v27, v0  }
0xfb: {  	v47 =	vnsel vm1, $0x0, v28;
	vm1 =	vgt.s32 v29, $0x0;
	v28 =	vmul.f32 $5.120000000e+02, v48  }
0xfc: {  	v48 =	vmul.f32 $1.019999980e+00, v42;
	v26 =	vshll.u32 v26, v0;
	v32 =	vperm.xlane v27, v1  }
0xfd: {  	v29 =	vnsel vm1, $0x0, v29;
	vm1 =	vlt.s32 v24, $0x3FFFF;
	v31 =	vtrunc.f32 v31  }
0xfe: {  	v46 =	vperm.xlane v26, v1;
	v29 =	vmin.u32 v29, $0x200;
	v28 =	vtrunc.f32 v28  }
0xff: {  	v24 =	vnsel vm1, $0x3FFFF, v24;
	v31 =	vcvt.f32.s32 v31;
	v27 =	vadd.s32 v32, v27  }
0x100: {  	v50 =	vld [tilespmem:$0x3A0];
	v29 =	vshll.u32 v29, v0;
	v28 =	vcvt.f32.s32 v28;
	v32 =	vadd.f32 $-9.999999770e-03, v52  }
0x101: {  	v25 =	vadd.s32 v46, v26;
	v27 =	vperm.xlane v27, v2;
	v26 =	vmin.u32 v47, $0x200  }
0x102: {  	v34 =	vperm.xlane v29, v1;
	v26 =	vshll.u32 v26, v0;
	v25 =	vperm.xlane v25, v2  }
0x103: {  	vm1 =	vgt.s32 v28, $0x0;
	v32 =	vmul.f32 $5.120000000e+02, v32;
	v51 =	vperm.xlane v26, v1  }
0x104: {  	v29 =	vadd.s32 v34, v29;
	v28 =	vnsel vm1, $0x0, v28;
	vm1 =	vgt.s32 v30, $0x0  }
0x105: {  	v34 =	vmul.f32 $1.019999980e+00, v50;
	v30 =	vnsel vm1, $0x0, v30;
	v29 =	vperm.xlane v29, v2  }
0x106: {  	v28 =	vmin.u32 v28, $0x200;
	v36 =	vsel vm0, v27, v25;
	v56 =	vtrunc.f32 v32  }
0x107: {  	vm1 =	vgt.s32 v31, $0x0;
	v32 =	vadd.f32 $-9.999999770e-03, v60;
	v26 =	vadd.s32 v51, v26  }
0x108: {  	v30 =	vmin.u32 v30, $0x200;
	v28 =	vshll.u32 v28, v0;
	v27 =	vcvt.f32.s32 v56  }
0x109: {  	v58 =	vnsel vm1, $0x0, v31;
	v31 =	vmul.f32 $5.120000000e+02, v59;
	v34 =	vadd.f32 $-9.999999770e-03, v34  }
0x10a: {  	v26 =	vperm.xlane v26, v2;
	v30 =	vshll.u32 v30, v0;
	v35 =	vperm.xlane v28, v1  }
0x10b: {  	v32 =	vmul.f32 $5.120000000e+02, v32;
	v55 =	vperm.xlane v30, v1;
	vm1 =	vgt.s32 v27, $0x0  }
0x10c: {  	v51 =	vld [tilespmem:$0x3B0];
	v31 =	vtrunc.f32 v31;
	v34 =	vmul.f32 $5.120000000e+02, v34;
	v28 =	vadd.s32 v35, v28  }
0x10d: {  	v27 =	vnsel vm1, $0x0, v27;
	v29 =	vsel vm0, v26, v29;
	v31 =	vcvt.f32.s32 v31  }
0x10e: {  	v39 =	vtrunc.f32 v32;
	v32 =	vadd.f32 $-9.999999770e-03, v41;
	v25 =	vadd.s32 v55, v30  }
0x10f: {  	v28 =	vperm.xlane v28, v2;
	v30 =	vmin.u32 v58, $0x200;
	v27 =	vmin.u32 v27, $0x200  }
0x110: {  	v34 =	vtrunc.f32 v34;
	v30 =	vshll.u32 v30, v0;
	v25 =	vperm.xlane v25, v2  }
0x111: {  	v27 =	vshll.u32 v27, v0;
	v32 =	vmul.f32 $5.120000000e+02, v32;
	v55 =	vmul.f32 $1.019999980e+00, v51  }
0x112: {  	vm1 =	vgt.s32 v31, $0x0;
	v34 =	vcvt.f32.s32 v34;
	v62 =	vperm.xlane v30, v1  }
0x113: {  	v37 =	vperm.xlane v27, v1;
	v31 =	vnsel vm1, $0x0, v31;
	v26 =	vsel vm0, v28, v25  }
0x114: {  	v25 =	vcvt.f32.s32 v39;
	v28 =	vadd.f32 $-9.999999770e-03, v40;
	v31 =	vmin.u32 v31, $0x200  }
0x115: {  	v47 =	vtrunc.f32 v32;
	v32 =	vadd.f32 $-9.999999770e-03, v48;
	v33 =	vadd.f32 $-9.999999770e-03, v55  }
0x116: {  	v30 =	vadd.s32 v62, v30;
	v27 =	vadd.s32 v37, v27;
	v31 =	vshll.u32 v31, v0  }
0x117: {  	v30 =	vperm.xlane v30, v2;
	vm1 =	vgt.s32 v25, $0x0;
	v28 =	vmul.f32 $5.120000000e+02, v28  }
0x118: {  	v39 =	vld [tilespmem:$0x3F0];
	v44 =	vperm.xlane v31, v1;
	v32 =	vmul.f32 $5.120000000e+02, v32;
	v25 =	vnsel vm1, $0x0, v25  }
0x119: {  	v27 =	vperm.xlane v27, v2;
	v33 =	vmul.f32 $5.120000000e+02, v33;
	v25 =	vmin.u32 v25, $0x200  }
0x11a: {  	v28 =	vtrunc.f32 v28;
	v31 =	vadd.s32 v44, v31;
	v32 =	vtrunc.f32 v32  }
0x11b: {  	v61 =	vld [tilespmem:$0x3D0];
	v33 =	vtrunc.f32 v33;
	v43 =	vshll.u32 v25, v0;
	v28 =	vcvt.f32.s32 v28  }
0x11c: {  	v25 =	vsel vm0, v30, v27;
	v30 =	vcvt.f32.s32 v47;
	v31 =	vperm.xlane v31, v2  }
0x11d: {  	v49 =	vmul.f32 $1.019999980e+00, v39;
	v46 =	vperm.xlane v43, v1  }
0x11e: {  	v42 =	vadd.f32 $-9.999999770e-03, v38;
	v32 =	vcvt.f32.s32 v32;
	v33 =	vcvt.f32.s32 v33  }
0x11f: {  	[tilespmem:$0x480] =	vst v11;
	vm1 =	vgt.s32 v28, $0x0;
	v11 =	vadd.f32 $-9.999999770e-03, v49;
	v27 =	vadd.s32 v46, v43  }
0x120: {  	v28 =	vnsel vm1, $0x0, v28;
	vm1 =	vgt.s32 v30, $0x0;
	v43 =	vmul.f32 $1.019999980e+00, v61  }
0x121: {  	v46 =	vmul.f32 $5.120000000e+02, v42;
	v28 =	vmin.u32 v28, $0x200;
	v30 =	vnsel vm1, $0x0, v30  }
0x122: {  	v27 =	vperm.xlane v27, v2;
	vm1 =	vlt.s32 v36, $0x3FFFF;
	v30 =	vmin.u32 v30, $0x200  }
0x123: {  	v28 =	vshll.u32 v28, v0;
	v36 =	vnsel vm1, $0x3FFFF, v36;
	vm1 =	vgt.s32 v32, $0x0  }
0x124: {  	[tilespmem:$0x450] =	vst v8;
	v47 =	vadd.f32 $-9.999999770e-03, v43;
	v8 =	vtrunc.f32 v46;
	v30 =	vshll.u32 v30, v0  }
0x125: {  	v27 =	vsel vm0, v31, v27;
	v52 =	vperm.xlane v28, v1;
	v31 =	vcvt.f32.s32 v54  }
0x126: {  	v32 =	vnsel vm1, $0x0, v32;
	v8 =	vcvt.f32.s32 v8;
	v53 =	vperm.xlane v30, v1  }
0x127: {  	[tilespmem:$0x460] =	vst v9;
	v32 =	vmin.u32 v32, $0x200;
	v9 =	vmul.f32 $5.120000000e+02, v47;
	v28 =	vadd.s32 v52, v28  }
0x128: {  	vm1 =	vgt.s32 v31, $0x0;
	v32 =	vshll.u32 v32, v0;
	v30 =	vadd.s32 v53, v30  }
0x129: {  	v28 =	vperm.xlane v28, v2;
	v31 =	vnsel vm1, $0x0, v31;
	v56 =	vperm.xlane v32, v1  }
0x12a: {  	vm1 =	vgt.s32 v34, $0x0;
	v9 =	vtrunc.f32 v9;
	v30 =	vperm.xlane v30, v2  }
0x12b: {  	[tilespmem:$0x400] =	vst v3;
	v31 =	vmin.u32 v31, $0x200;
	v60 =	vnsel vm1, $0x0, v34;
	vm1 =	vgt.s32 v33, $0x0  }
0x12c: {  	[tilespmem:$0x410] =	vst v4;
	v34 =	vld [tilespmem:$0x3E0];
	v9 =	vcvt.f32.s32 v9;
	v31 =	vshll.u32 v31, v0;
	v59 =	vadd.s32 v56, v32  }
0x12d: {  	[tilespmem:$0x420] =	vst v5;
	v63 =	vnsel vm1, $0x0, v33;
	v33 =	vmin.u32 v60, $0x200;
	vm1 =	vlt.s32 v29, $0x3FFFF  }
0x12e: {  	[tilespmem:$0x430] =	vst v6;
	v3 =	vsel vm0, v28, v30;
	v58 =	vperm.xlane v31, v1;
	v4 =	vperm.xlane v59, v2  }
0x12f: {  	[tilespmem:$0x440] =	vst v7;
	v28 =	vmin.u32 v63, $0x200;
	v6 =	vshll.u32 v33, v0;
	v45 =	vnsel vm1, $0x3FFFF, v29  }
0x130: {  	[tilespmem:$0x470] =	vst v10;
	vm1 =	vlt.s32 v26, $0x3FFFF;
	v35 =	vshll.u32 v28, v0;
	v40 =	vperm.xlane v6, v1  }
0x131: {  	[tilespmem:$0x490] =	vst v12;
	v50 =	vnsel vm1, $0x3FFFF, v26;
	vm1 =	vgt.s32 v8, $0x0;
	v48 =	vmul.f32 $1.019999980e+00, v34  }
0x132: {  	[tilespmem:$0x4A0] =	vst v13;
	v62 =	vadd.s32 v58, v31;
	v41 =	vperm.xlane v35, v1;
	v51 =	vnsel vm1, $0x0, v8  }
0x133: {  	[tilespmem:$0x4B0] =	vst v14;
	vm1 =	vgt.s32 v9, $0x0;
	v5 =	vperm.xlane v62, v2;
	v10 =	vadd.f32 $-9.999999770e-03, v48  }
0x134: {  	[tilespmem:$0x4C0] =	vst v15;
	v11 =	vmul.f32 $5.120000000e+02, v11;
	v9 =	vnsel vm1, $0x0, v9;
	v44 =	vadd.s32 v41, v35  }
0x135: {  	[tilespmem:$0x4D0] =	vst v16;
	v4 =	vsel vm0, v4, v5;
	v5 =	vadd.s32 v40, v6;
	v10 =	vmul.f32 $5.120000000e+02, v10  }
0x136: {  	[tilespmem:$0x4E0] =	vst v17;
	v9 =	vmin.u32 v9, $0x200;
	v6 =	vperm.xlane v44, v2;
	v5 =	vperm.xlane v5, v2  }
0x137: {  	[tilespmem:$0x4F0] =	vst v18;
	v53 =	vtrunc.f32 v11;
	v9 =	vshll.u32 v9, v0;
	v52 =	vtrunc.f32 v10  }
0x138: {  	[tilespmem:$0x500] =	vst v19;
	v5 =	vsel vm0, v5, v6;
	v6 =	vmin.u32 v51, $0x200;
	v8 =	vcvt.f32.s32 v52  }
0x139: {  	[tilespmem:$0x510] =	vst v20;
	v55 =	vperm.xlane v9, v1;
	v10 =	vcvt.f32.s32 v53;
	v6 =	vshll.u32 v6, v0  }
0x13a: {  	[tilespmem:$0x520] =	vst v21;
	v54 =	vperm.xlane v6, v1;
	vm1 =	vgt.s32 v8, $0x0  }
0x13b: {  	[tilespmem:$0x530] =	vst v22;
	v9 =	vadd.s32 v55, v9;
	v8 =	vnsel vm1, $0x0, v8;
	vm1 =	vgt.s32 v10, $0x0  }
0x13c: {  	[tilespmem:$0x540] =	vst v23;
	v61 =	vperm.xlane v9, v2;
	v6 =	vadd.s32 v54, v6;
	v10 =	vnsel vm1, $0x0, v10  }
0x13d: {  	[tilespmem:$0x550] =	vst v24;
	v8 =	vmin.u32 v8, $0x200;
	vm1 =	vlt.s32 v25, $0x3FFFF;
	v10 =	vmin.u32 v10, $0x200  }
0x13e: {  	[tilespmem:$0x560] =	vst v36;
	v8 =	vshll.u32 v8, v0;
	v59 =	vnsel vm1, $0x3FFFF, v25;
	v10 =	vshll.u32 v10, v0  }
0x13f: {  	[tilespmem:$0x570] =	vst v45;
	vm1 =	vlt.s32 v27, $0x3FFFF;
	v56 =	vperm.xlane v8, v1;
	v57 =	vperm.xlane v10, v1  }
0x140: {  	[tilespmem:$0x580] =	vst v50;
	v6 =	vperm.xlane v6, v2;
	v60 =	vnsel vm1, $0x3FFFF, v27;
	vm1 =	vlt.s32 v3, $0x3FFFF  }
0x141: {  	[tilespmem:$0x590] =	vst v59;
	v3 =	vnsel vm1, $0x3FFFF, v3;
	v58 =	vadd.s32 v56, v8;
	v10 =	vadd.s32 v57, v10  }
0x142: {  	[tilespmem:$0x5A0] =	vst v60;
	vm1 =	vlt.s32 v4, $0x3FFFF;
	v7 =	vperm.xlane v58, v2;
	v62 =	vperm.xlane v10, v2  }
0x143: {  	[tilespmem:$0x5B0] =	vst v3;
	v3 =	vsel vm0, v6, v61;
	v4 =	vnsel vm1, $0x3FFFF, v4;
	vm1 =	vlt.s32 v5, $0x3FFFF  }
0x144: {  	[tilespmem:$0x5C0] =	vst v4;
	v5 =	vnsel vm1, $0x3FFFF, v5;
	vm1 =	vlt.s32 v3, $0x3FFFF;
	v63 =	vsel vm0, v7, v62  }
0x145: {  	[tilespmem:$0x5D0] =	vst v5;
	v3 =	vnsel vm1, $0x3FFFF, v3;
	vm1 =	vlt.s32 v63, $0x3FFFF  }
0x146: {  	[tilespmem:$0x5E0] =	vst v3;
	v3 =	vnsel vm1, $0x3FFFF, v63  }
0x147: {  	[tilespmem:$0x5F0] =	vst v3  }
0x148: {  	[tilespmem:s10], [sflag:$0x1] =	stream.indirect.gather [hbm4b:s2+s8], $0x80, s9, s8, $0xb8;
	[tilespmem:$0x10600] =	vst v63  }
0x149: {  	_ = 	snop  }
0x14a: {  	[tilespmem:s12], [sflag:$0x1] =	stream.indirect.gather [hbm4b:s2+s8], $0x80, s11, s8, $0xb8;
	[tilespmem:$0x10600] =	vst v63  }
0x14b: {  	_ = 	snop  }
0x14c: {  	[tilespmem:s14], [sflag:$0x1] =	stream.indirect.gather [hbm4b:s2+s8], $0x80, s13, s8, $0xb8;
	[tilespmem:$0x10600] =	vst v63  }
0x14d: {  	_ = 	snop  }
0x14e: {  	[tilespmem:s16], [sflag:$0x1] =	stream.indirect.gather [hbm4b:s2+s8], $0x80, s15, s8, $0xb8;
	[tilespmem:$0x10600] =	vst v63  }
0x14f: {  	_ =	swait.ge [sflag:s17], $0x4000  }
0x150: {  	[sflag:s17] =	ssyncset.done $0x0  }
0x151: {  	[sflag:s17] =	ssyncadd.s32 $0xFFFFC000  }
0x152: {  	_ =	swait.ge [sflag:s17], $0x4000  }
0x153: {  	[sflag:s17] =	ssyncset.done $0x0  }
0x154: {  	[sflag:s17] =	ssyncadd.s32 $0xFFFFC000  }
0x155: {  	_ =	swait.ge [sflag:s17], $0x4000  }
0x156: {  	[sflag:s17] =	ssyncset.done $0x0  }
0x157: {  	[sflag:s17] =	ssyncadd.s32 $0xFFFFC000  }
0x158: {  	_ =	swait.ge [sflag:s17], $0x4000  }
0x159: {  	p0 =	sne.s32 s6, $0x1;
	[sflag:s17] =	ssyncset.done $0x0  }
.Ltmp0:
0x15a: {  	[sflag:s17] =	ssyncadd.s32 $0xFFFFC000;
	(pc) =	sbr.rel @p0 .LBB2_1-.Ltmp0, $4  }
0x15b: {  	[hbm4b:s5+s3] =	stream.linear.scatter [tilespmem:s10], [sflag:$0x2], $0x10000, $0x38;
	[tilespmem:$0x10600] =	vst v63  }
0x15c: {  	_ =	swait.ge [sflag:s7], $0x10000  }
0x15d: {  	[sflag:s7] =	ssyncset.done $0x0  }
0x15e: {  	s6 =	sadd.s32 $0xFFFFFFFF, s6;
	[sflag:s7] =	ssyncadd.s32 $0xFFFF0000  }
0x15f: {  	_ =	sfence.sel $0x180000  }
0x160: {  	[bflag:$0x0] =	sbarrier.arrive $0xFFFF  }
0x161: {  	p0 =	sne.s32 s1, $0x0;
	_ =	strace $0x90000047  }
0x162: {  	s0 =	sadd.s32 @!p0 $0x100000, s0;
	[bflag:$0x2] =	sbarrier.arrive $0xFFFF  }
0x163: {  	[sflag:s0] =	ssyncadd.tile.s32 @!p0 $0x1;
	_ =	shalt  }
.Lfunc_end2:
_tile_overlayer_lowered:
.L_overlay_start_2:
0x164: {  	(tag) =	ssettag $0x2  }
0x165: {  	s0 =	rddreg [dreg:$0x0];
	s2 =	stileid.u32  }
0x166: {  	s1 =	rddreg [dreg:$0x1];
	p0 =	sne.s32 s2, $0x0  }
0x167: {  	s3 =	rddreg [dreg:$0x2];
	[bflag:$0x3] =	sbarrier.arrive $0xFFFF;
	s2 =	simm.s32 @!p0 $0x1C02  }
0x168: {  	[timem:s3], [sflag:s2] =	dma.local @!p0 [hbm:s0], s1  }
0x169: {  	s0 =	simm.s32 @!p0 $0x2  }
0x16a: {  	_ =	swait.ge @!p0 [sflag:s0], s1  }
0x16b: {  	s1 =	ssub.s32 @!p0 $0x0, s1;
	[sflag:s0] =	ssyncset.done @!p0 $0x0  }
0x16c: {  	[sflag:s0] =	ssyncadd.s32 @!p0 s1  }
0x16d: {  	[bflag:$0x3] =	sbarrier.arrive $0xFFFF  }
0x16e: {  	_ =	shalt  }

</sc_bundles>
